<compile_context>
chip_gen: v7x
topology: tpu7x:2x2x1
jax: 0.10.2.dev20260603
libtpu: 0.0.44.dev20260713+nightly
codegen_flags: <defaults>
</compile_context>

<pallas_src>
import dataclasses
import functools

import jax
import jax.numpy as jnp
import numpy as np
from jax import lax
from jax.experimental import pallas as pl
from jax.experimental.pallas import tpu as pltpu
from jax.experimental.pallas import tpu_sc as plsc

N = 10000
E = 320000
NPAD = 10240
SEG = 320
NW = 32
W_SCAN = 1280
SW = 5
SUPER = SW * W_SCAN
NSUP = E // SUPER
NWIN = E // W_SCAN
ROWB = 128
CMPCAP = SUPER + ROWB
DUMP = 2 * SEG
NEG = np.float32(-np.inf)
DMASK = 16383


def _uv_body(x_ref, w_ref, u_ref, v_ref):
    acc = jnp.dot(x_ref[...], w_ref[0], preferred_element_type=jnp.float32)
    u_ref[...] = acc[:, :128]
    v_ref[...] = acc[:, 128:]


def _node_tables(input_feature, pos, W, b):
    ones = jnp.ones((N, 1), jnp.float32)
    zeros = jnp.zeros((N, 256 - 135), jnp.float32)
    x_pad = jnp.concatenate([input_feature, pos, pos, ones, zeros], axis=1)
    x_pad = jnp.concatenate([x_pad, jnp.zeros((NPAD - N, 256), jnp.float32)], axis=0)
    A = W[:, :131, :]
    P = W[:, 131:134, :]
    zpad = jnp.zeros((2, 256 - 135, 128), jnp.float32)
    wu = jnp.concatenate([A, -P, b[:, None, :], zpad], axis=1)
    wv = jnp.concatenate([jnp.zeros((2, 128, 128), jnp.float32), P,
                          jnp.zeros((2, 256 - 131, 128), jnp.float32)], axis=1)
    wuv = jnp.concatenate([wu, wv], axis=2)

    nblk = NPAD // 512
    U, V = pl.pallas_call(
        _uv_body,
        grid=(2, nblk),
        in_specs=[
            pl.BlockSpec((512, 256), lambda t, i: (i, 0)),
            pl.BlockSpec((1, 256, 256), lambda t, i: (t, 0, 0)),
        ],
        out_specs=[
            pl.BlockSpec((512, 128), lambda t, i: (t * nblk + i, 0)),
            pl.BlockSpec((512, 128), lambda t, i: (t * nblk + i, 0)),
        ],
        out_shape=[
            jax.ShapeDtypeStruct((2 * NPAD, 128), jnp.float32),
            jax.ShapeDtypeStruct((2 * NPAD, 128), jnp.float32),
        ],
    )(x_pad, wuv)
    return U, V


def kernel(input_feature, pos, edge_index, edge_attr, W, b):
    U, V = _node_tables(input_feature, pos, W, b)
    dvec = W[:, 134, :]
    posT = jnp.concatenate(
        [pos.T, jnp.zeros((3, NPAD - N), jnp.float32)], axis=1).reshape(3 * NPAD)
    pk = ((edge_attr * NPAD + edge_index[0]) << 14) | edge_index[1]

    mesh = plsc.VectorSubcoreMesh(core_axis_name="c", subcore_axis_name="s")
    cp = pltpu.CompilerParams()
    if "needs_layout_passes" in pltpu.CompilerParams.__dataclass_fields__:
        cp = dataclasses.replace(cp, needs_layout_passes=False)

    @functools.partial(
        pl.kernel,
        out_type=jax.ShapeDtypeStruct((NPAD, 128), jnp.float32),
        mesh=mesh,
        compiler_params=cp,
        scratch_types=[
            pltpu.VMEM((2, W_SCAN), jnp.int32),
            pltpu.VMEM((CMPCAP,), jnp.int32),
            pltpu.VMEM((CMPCAP,), jnp.int32),
            pltpu.VMEM((2, ROWB, 128), jnp.float32),
            pltpu.VMEM((2 * SEG + 8, 128), jnp.bfloat16),
            pltpu.VMEM((NPAD,), jnp.float32),
            pltpu.VMEM((NPAD,), jnp.float32),
            pltpu.VMEM((NPAD,), jnp.float32),
            pltpu.VMEM((2, 128), jnp.float32),
            pltpu.SemaphoreType.DMA,
            pltpu.SemaphoreType.DMA((2,)),
        ],
    )
    def sck(u_hbm, v_hbm, pk_hbm, posT_hbm, dv_hbm, out_hbm,
            pkb, cmp_b, gcmp, rows, m_b, px_b, py_b, pz_b, dv_b, psem, gsem):
        wid = lax.axis_index("s") * 2 + lax.axis_index("c")
        lo = wid * SEG

        pltpu.sync_copy(posT_hbm.at[pl.ds(0, NPAD)], px_b)
        pltpu.sync_copy(posT_hbm.at[pl.ds(NPAD, NPAD)], py_b)
        pltpu.sync_copy(posT_hbm.at[pl.ds(2 * NPAD, NPAD)], pz_b)
        pltpu.sync_copy(dv_hbm, dv_b)

        neg32 = jnp.full((32,), NEG, jnp.bfloat16)

        @pl.loop(0, 2 * SEG + 8)
        def _(r):
            for c2 in range(4):
                m_b[r, pl.ds(c2 * 32, 32)] = neg32

        iota16 = lax.iota(jnp.int32, 16)
        padpk16 = jnp.full((16,), NPAD << 14, jnp.int32)

        def win_start(gw):
            pltpu.async_copy(pk_hbm.at[pl.ds(gw * W_SCAN, W_SCAN)],
                             pkb.at[gw % 2], psem)

        def win_wait(gw):
            pltpu.make_async_copy(pk_hbm.at[pl.ds(gw * W_SCAN, W_SCAN)],
                                  pkb.at[gw % 2], psem).wait()

        def gather_issue(c):
            slot = c % 2
            pltpu.async_copy(u_hbm.at[gcmp.at[pl.ds(c * ROWB, ROWB)]],
                             rows.at[slot], gsem.at[slot])

        def gather_wait(c):
            pltpu.make_async_copy(u_hbm.at[gcmp.at[pl.ds(c * ROWB, ROWB)]],
                                  rows.at[c % 2], gsem.at[c % 2]).wait()

        win_start(0)

        def super_body(s, _):
            def scanwin(w, off):
                gw = s * SW + w
                win_wait(gw)

                @pl.when(gw + 1 < NWIN)
                def _():
                    win_start(gw + 1)

                par = gw % 2

                def chunk(i, off):
                    pk16 = pkb[par, pl.ds(i * 16, 16)]
                    d16 = pk16 & DMASK
                    keep = (d16 >= lo) & (d16 < lo + SEG)
                    plsc.store_compressed(cmp_b.at[pl.ds(off, 16)], pk16,
                                          mask=keep)
                    plsc.store_compressed(gcmp.at[pl.ds(off, 16)], pk16 >> 14,
                                          mask=keep)
                    return off + plsc.all_reduce_population_count(keep)[0]

                return lax.fori_loop(0, W_SCAN // 16, chunk, off, unroll=4)

            kept = lax.fori_loop(0, SW, scanwin, jnp.int32(0))

            padg16 = jnp.full((16,), NPAD, jnp.int32)
            for p in range(ROWB // 16):
                cmp_b[pl.ds(kept + p * 16, 16)] = padpk16
                gcmp[pl.ds(kept + p * 16, 16)] = padg16

            nb = (kept + ROWB - 1) // ROWB

            @pl.when(nb > 0)
            def _():
                gather_issue(0)

            @pl.when(nb > 1)
            def _():
                gather_issue(1)

            def batch(c, _):
                gather_wait(c)
                slot = c % 2

                @pl.loop(0, ROWB // 16)
                def _(q):
                    rbase = c * ROWB + q * 16
                    pk16 = cmp_b[pl.ds(rbase, 16)]
                    g16 = pk16 >> 14
                    d16 = pk16 & DMASK
                    t16 = (g16 >= NPAD).astype(jnp.int32)
                    valid = (rbase + iota16) < kept
                    al16 = jnp.where(valid, t16 * SEG + (d16 - lo), DUMP)
                    s16 = g16 - t16 * NPAD
                    dx = plsc.load_gather(px_b, [d16]) - plsc.load_gather(px_b, [s16])
                    dy = plsc.load_gather(py_b, [d16]) - plsc.load_gather(py_b, [s16])
                    dz = plsc.load_gather(pz_b, [d16]) - plsc.load_gather(pz_b, [s16])
                    d2 = dx * dx + dy * dy + dz * dz
                    yi = np.int32(0x5F3759DF) - (plsc.bitcast(d2, jnp.int32) >> 1)
                    y = plsc.bitcast(yi, jnp.float32)
                    h = d2 * 0.5
                    y = y * (1.5 - h * y * y)
                    y = y * (1.5 - h * y * y)
                    y = y * (1.5 - h * y * y)
                    dist16 = jnp.where(d2 < 1e-30, 0.0, d2 * y)

                    for l in range(2):
                        al_s = al16[l]
                        t_s = t16[l]
                        di = dist16[l]
                        for c2 in range(4):
                            sa = pl.ds(c2 * 32, 16)
                            sb = pl.ds(c2 * 32 + 16, 16)
                            va = rows[slot, q * 16 + l, sa] + di * dv_b[t_s, sa]
                            vb = rows[slot, q * 16 + l, sb] + di * dv_b[t_s, sb]
                            p32 = plsc.pack(va, vb,
                                            format=plsc.PackFormat.INTERLEAVED)
                            sm = pl.ds(c2 * 32, 32)
                            m_b[al_s, sm] = jnp.maximum(m_b[al_s, sm], p32)

                @pl.when(c + 2 < nb)
                def _():
                    gather_issue(c + 2)

                return 0

            lax.fori_loop(0, nb, batch, 0)
            return 0

        lax.fori_loop(0, NSUP, super_body, 0)

        @pl.loop(0, SEG // 16)
        def _(r0):
            pltpu.async_copy(v_hbm.at[pl.ds(lo + r0 * 16, 16)],
                             rows.at[0, pl.ds(0, 16)], psem).wait()
            pltpu.async_copy(v_hbm.at[pl.ds(NPAD + lo + r0 * 16, 16)],
                             rows.at[0, pl.ds(16, 16)], psem).wait()

            @pl.loop(0, 16)
            def _(r):
                row = r0 * 16 + r
                for c2 in range(4):
                    sm = pl.ds(c2 * 32, 32)
                    a0, b0 = plsc.unpack(m_b[row, sm],
                                         format=plsc.PackFormat.INTERLEAVED)
                    a1, b1 = plsc.unpack(m_b[SEG + row, sm],
                                         format=plsc.PackFormat.INTERLEAVED)
                    sa = pl.ds(c2 * 32, 16)
                    sb = pl.ds(c2 * 32 + 16, 16)
                    oa = jnp.maximum(a0 + rows[0, r, sa], a1 + rows[0, 16 + r, sa])
                    ob = jnp.maximum(b0 + rows[0, r, sb], b1 + rows[0, 16 + r, sb])
                    oa = jnp.where(oa == NEG, 0.0, oa)
                    ob = jnp.where(ob == NEG, 0.0, ob)
                    rows[0, 32 + r, sa] = oa
                    rows[0, 32 + r, sb] = ob

            pltpu.sync_copy(rows.at[0, pl.ds(32, 16)],
                            out_hbm.at[pl.ds(lo + r0 * 16, 16)])

    out = sck(U, V, pk, posT, dvec)
    return out[:N]

# --- scband reference (transcript-rebuilt; emitter-appended) ---
"""Pipeline reference for scband-my-conv-45655502356534 (READ-ONLY COPY).

The authoritative reference and input builder live on the scoring server;
editing this copy changes nothing except your own understanding.
"""

import jax, jax.numpy as jnp
import numpy as np

N = 10000
E = 320000
D_IN = 128
D_OUT = 128
NUM_TYPES = 2
D_MSG = D_IN + 3 + 3 + 1  # x_j(with pos) + rel pos + abs dist = 135


def setup_inputs(seed: int = 0) -> dict:
    key = jax.random.key(seed)
    k1, k2, k3, k4, k5, k6 = jax.random.split(key, 6)
    input_feature = jax.random.normal(k1, (N, D_IN), dtype=jnp.float32)
    pos = jax.random.normal(k2, (N, 3), dtype=jnp.float32)
    edge_index = jax.random.randint(k3, (2, E), 0, N, dtype=jnp.int32)
    edge_attr = jax.random.randint(k4, (E,), 0, NUM_TYPES, dtype=jnp.int32)
    # HeteroLinear params: one weight/bias per edge type
    W = jax.random.normal(k5, (NUM_TYPES, D_MSG, D_OUT), dtype=jnp.float32) * (1.0 / np.sqrt(D_MSG))
    b = jax.random.normal(k6, (NUM_TYPES, D_OUT), dtype=jnp.float32) * 0.01
    return {"input_feature": input_feature, "pos": pos, "edge_index": edge_index,
            "edge_attr": edge_attr, "W": W, "b": b}


def reference(input_feature, pos, edge_index, edge_attr, W, b):
    # MyConv.forward: append xyz positions to node features
    x = jnp.concatenate([input_feature, pos], axis=-1)  # [N, D_IN+3]
    src = edge_index[0]  # j (source / neighbor)
    dst = edge_index[1]  # i (target / center)
    x_j = x[src]  # gather  [E, D_IN+3]
    x_i = x[dst]  # gather  [E, D_IN+3]
    # MyConvOp.message with include_distance=True
    rel = x_i[:, -3:] - x_j[:, -3:]
    abs_dist = jnp.linalg.norm(rel, axis=1, keepdims=True)  # [E, 1]
    msg_in = jnp.concatenate([x_j, rel, abs_dist], axis=-1)  # [E, D_MSG]
    # HeteroLinear: per-edge-type affine transform (num_types=2)
    out0 = msg_in @ W[0] + b[0]
    out1 = msg_in @ W[1] + b[1]
    msg = jnp.where((edge_attr == 0)[:, None], out0, out1)  # [E, D_OUT]
    # aggr='max' scatter-max into destination nodes
    agg = jax.ops.segment_max(msg, dst, num_segments=N)
    # PyG fills zero-in-degree nodes with 0 for max aggregation
    agg = jnp.where(jnp.isneginf(agg), 0.0, agg)
    return agg

if __name__ == "__main__":
    import jax
    _d = setup_inputs()
    print(jax.jit(kernel)(*tuple(_d.values())))

</pallas_src>

<mosaic_0001>
#map = affine_map<(d0, d1) -> (0, 0)>
#map1 = affine_map<(d0, d1) -> (0)>
module attributes {stable_mosaic.version = 14 : i64} {
  func.func @sck(%arg0: i32, %arg1: i32, %arg2: memref<20480x128xf32, #tpu.memory_space<hbm>>, %arg3: memref<20480x128xf32, #tpu.memory_space<hbm>>, %arg4: memref<320000xi32, #tpu.memory_space<hbm>>, %arg5: memref<30720xf32, #tpu.memory_space<hbm>>, %arg6: memref<2x128xf32, #tpu.memory_space<hbm>>, %arg7: memref<10240x128xf32, #tpu.memory_space<hbm>>, %arg8: memref<2x1280xi32, #tpu.memory_space<vmem>>, %arg9: memref<6528xi32, #tpu.memory_space<vmem>>, %arg10: memref<6528xi32, #tpu.memory_space<vmem>>, %arg11: memref<2x128x128xf32, #tpu.memory_space<vmem>>, %arg12: memref<648x128xbf16, #tpu.memory_space<vmem>>, %arg13: memref<10240xf32, #tpu.memory_space<vmem>>, %arg14: memref<10240xf32, #tpu.memory_space<vmem>>, %arg15: memref<10240xf32, #tpu.memory_space<vmem>>, %arg16: memref<2x128xf32, #tpu.memory_space<vmem>>, %arg17: memref<!tpu.dma_semaphore, #tpu.memory_space<semaphore_mem>>, %arg18: memref<2x!tpu.dma_semaphore, #tpu.memory_space<semaphore_mem>>) attributes {dimension_semantics = [#tpu.dimension_semantics<core_parallel>, #tpu.dimension_semantics<subcore_parallel>], iteration_bounds = array<i64: 2, 16>, scalar_prefetch = 0 : i64, scratch_operands = 11 : i64, tpu.core_type = #tpu.core_type<sc_vector_subcore>, window_params = [{transform_indices = #map}, {transform_indices = #map}, {transform_indices = #map1}, {transform_indices = #map1}, {transform_indices = #map}, {transform_indices = #map}]} {
    %mul3A = arith.constant 2 : i32
    %mul3A_0 = arith.muli %arg1, %mul3A : i32
    %add3A = arith.addi %mul3A_0, %arg0 : i32
    %mul3A_1 = arith.constant 320 : i32
    %mul3A_2 = arith.muli %add3A, %mul3A_1 : i32
    "tpu.region"() ({
      %run_scoped3A = tpu.sem_alloc : memref<!tpu.dma_semaphore, #tpu.memory_space<semaphore_mem>>
      %dma_start3A_32 = arith.constant 0 : i32
      %dma_start3A_33 = tpu.memref_slice %arg5[%dma_start3A_32] : memref<30720xf32, #tpu.memory_space<hbm>> -> memref<10240xf32, #tpu.memory_space<hbm>>
      %dma_start3A_34 = arith.constant 0 : i32
      %dma_start3A_35 = tpu.memref_slice %arg5[%dma_start3A_34] : memref<30720xf32, #tpu.memory_space<hbm>> -> memref<10240xf32, #tpu.memory_space<hbm>>
      tpu.enqueue_dma source(%dma_start3A_35 : memref<10240xf32, #tpu.memory_space<hbm>>) target(%arg13 : memref<10240xf32, #tpu.memory_space<vmem>>) target_semaphore(%run_scoped3A : memref<!tpu.dma_semaphore, #tpu.memory_space<semaphore_mem>>)
      %dma_wait3A = arith.constant 0 : i32
      %dma_wait3A_36 = tpu.memref_slice %arg5[%dma_wait3A] : memref<30720xf32, #tpu.memory_space<hbm>> -> memref<10240xf32, #tpu.memory_space<hbm>>
      %dma_wait3A_37 = arith.constant 0 : i32
      %dma_wait3A_38 = tpu.memref_slice %arg5[%dma_wait3A_37] : memref<30720xf32, #tpu.memory_space<hbm>> -> memref<10240xf32, #tpu.memory_space<hbm>>
      tpu.wait_dma2 semaphore(%run_scoped3A : memref<!tpu.dma_semaphore, #tpu.memory_space<semaphore_mem>>) src(%dma_wait3A_38 : memref<10240xf32, #tpu.memory_space<hbm>>) dst(%arg13 : memref<10240xf32, #tpu.memory_space<vmem>>)
      tpu.yield
    }) : () -> ()
    "tpu.region"() ({
      %run_scoped3A = tpu.sem_alloc : memref<!tpu.dma_semaphore, #tpu.memory_space<semaphore_mem>>
      %dma_start3A_32 = arith.constant 10240 : i32
      %dma_start3A_33 = tpu.memref_slice %arg5[%dma_start3A_32] : memref<30720xf32, #tpu.memory_space<hbm>> -> memref<10240xf32, #tpu.memory_space<hbm>>
      %dma_start3A_34 = arith.constant 10240 : i32
      %dma_start3A_35 = tpu.memref_slice %arg5[%dma_start3A_34] : memref<30720xf32, #tpu.memory_space<hbm>> -> memref<10240xf32, #tpu.memory_space<hbm>>
      tpu.enqueue_dma source(%dma_start3A_35 : memref<10240xf32, #tpu.memory_space<hbm>>) target(%arg14 : memref<10240xf32, #tpu.memory_space<vmem>>) target_semaphore(%run_scoped3A : memref<!tpu.dma_semaphore, #tpu.memory_space<semaphore_mem>>)
      %dma_wait3A = arith.constant 10240 : i32
      %dma_wait3A_36 = tpu.memref_slice %arg5[%dma_wait3A] : memref<30720xf32, #tpu.memory_space<hbm>> -> memref<10240xf32, #tpu.memory_space<hbm>>
      %dma_wait3A_37 = arith.constant 10240 : i32
      %dma_wait3A_38 = tpu.memref_slice %arg5[%dma_wait3A_37] : memref<30720xf32, #tpu.memory_space<hbm>> -> memref<10240xf32, #tpu.memory_space<hbm>>
      tpu.wait_dma2 semaphore(%run_scoped3A : memref<!tpu.dma_semaphore, #tpu.memory_space<semaphore_mem>>) src(%dma_wait3A_38 : memref<10240xf32, #tpu.memory_space<hbm>>) dst(%arg14 : memref<10240xf32, #tpu.memory_space<vmem>>)
      tpu.yield
    }) : () -> ()
    "tpu.region"() ({
      %run_scoped3A = tpu.sem_alloc : memref<!tpu.dma_semaphore, #tpu.memory_space<semaphore_mem>>
      %dma_start3A_32 = arith.constant 20480 : i32
      %dma_start3A_33 = tpu.memref_slice %arg5[%dma_start3A_32] : memref<30720xf32, #tpu.memory_space<hbm>> -> memref<10240xf32, #tpu.memory_space<hbm>>
      %dma_start3A_34 = arith.constant 20480 : i32
      %dma_start3A_35 = tpu.memref_slice %arg5[%dma_start3A_34] : memref<30720xf32, #tpu.memory_space<hbm>> -> memref<10240xf32, #tpu.memory_space<hbm>>
      tpu.enqueue_dma source(%dma_start3A_35 : memref<10240xf32, #tpu.memory_space<hbm>>) target(%arg15 : memref<10240xf32, #tpu.memory_space<vmem>>) target_semaphore(%run_scoped3A : memref<!tpu.dma_semaphore, #tpu.memory_space<semaphore_mem>>)
      %dma_wait3A = arith.constant 20480 : i32
      %dma_wait3A_36 = tpu.memref_slice %arg5[%dma_wait3A] : memref<30720xf32, #tpu.memory_space<hbm>> -> memref<10240xf32, #tpu.memory_space<hbm>>
      %dma_wait3A_37 = arith.constant 20480 : i32
      %dma_wait3A_38 = tpu.memref_slice %arg5[%dma_wait3A_37] : memref<30720xf32, #tpu.memory_space<hbm>> -> memref<10240xf32, #tpu.memory_space<hbm>>
      tpu.wait_dma2 semaphore(%run_scoped3A : memref<!tpu.dma_semaphore, #tpu.memory_space<semaphore_mem>>) src(%dma_wait3A_38 : memref<10240xf32, #tpu.memory_space<hbm>>) dst(%arg15 : memref<10240xf32, #tpu.memory_space<vmem>>)
      tpu.yield
    }) : () -> ()
    "tpu.region"() ({
      %run_scoped3A = tpu.sem_alloc : memref<!tpu.dma_semaphore, #tpu.memory_space<semaphore_mem>>
      tpu.enqueue_dma source(%arg6 : memref<2x128xf32, #tpu.memory_space<hbm>>) target(%arg16 : memref<2x128xf32, #tpu.memory_space<vmem>>) target_semaphore(%run_scoped3A : memref<!tpu.dma_semaphore, #tpu.memory_space<semaphore_mem>>)
      tpu.wait_dma2 semaphore(%run_scoped3A : memref<!tpu.dma_semaphore, #tpu.memory_space<semaphore_mem>>) src(%arg6 : memref<2x128xf32, #tpu.memory_space<hbm>>) dst(%arg16 : memref<2x128xf32, #tpu.memory_space<vmem>>)
      tpu.yield
    }) : () -> ()
    %broadcast_in_dim3A = arith.constant 0xFF80 : bf16
    %broadcast_in_dim3A_3 = vector.broadcast %broadcast_in_dim3A : bf16 to vector<32xbf16>
    %scan3A = arith.constant 0 : i32
    %scan3A_4 = arith.constant 648 : i32
    %scan3A_5 = arith.addi %scan3A, %scan3A_4 : i32
    %scan3A_6 = arith.constant 1 : i32
    scf.for %scan3A_32 = %scan3A to %scan3A_5 step %scan3A_6  : i32 {
      %mul3A_33 = arith.constant 1 : i32
      %mul3A_34 = arith.muli %scan3A_32, %mul3A_33 : i32
      %add3A_35 = arith.constant 0 : i32
      %add3A_36 = arith.addi %add3A_35, %mul3A_34 : i32
      %swap3A = arith.index_cast %add3A_36 : i32 to index
      %swap3A_37 = arith.constant 0 : index
      %swap3A_38 = tpu.vector_load %arg12[%swap3A, %swap3A_37] {strides = array<i32>} : memref<648x128xbf16, #tpu.memory_space<vmem>>, vector<32xbf16>,
      tpu.vector_store %arg12[%swap3A, %swap3A_37], %broadcast_in_dim3A_3 {strides = array<i32>} : memref<648x128xbf16, #tpu.memory_space<vmem>>, vector<32xbf16>,
      %swap3A_39 = arith.index_cast %add3A_36 : i32 to index
      %swap3A_40 = arith.constant 32 : index
      %swap3A_41 = tpu.vector_load %arg12[%swap3A_39, %swap3A_40] {strides = array<i32>} : memref<648x128xbf16, #tpu.memory_space<vmem>>, vector<32xbf16>,
      tpu.vector_store %arg12[%swap3A_39, %swap3A_40], %broadcast_in_dim3A_3 {strides = array<i32>} : memref<648x128xbf16, #tpu.memory_space<vmem>>, vector<32xbf16>,
      %swap3A_42 = arith.index_cast %add3A_36 : i32 to index
      %swap3A_43 = arith.constant 64 : index
      %swap3A_44 = tpu.vector_load %arg12[%swap3A_42, %swap3A_43] {strides = array<i32>} : memref<648x128xbf16, #tpu.memory_space<vmem>>, vector<32xbf16>,
      tpu.vector_store %arg12[%swap3A_42, %swap3A_43], %broadcast_in_dim3A_3 {strides = array<i32>} : memref<648x128xbf16, #tpu.memory_space<vmem>>, vector<32xbf16>,
      %swap3A_45 = arith.index_cast %add3A_36 : i32 to index
      %swap3A_46 = arith.constant 96 : index
      %swap3A_47 = tpu.vector_load %arg12[%swap3A_45, %swap3A_46] {strides = array<i32>} : memref<648x128xbf16, #tpu.memory_space<vmem>>, vector<32xbf16>,
      tpu.vector_store %arg12[%swap3A_45, %swap3A_46], %broadcast_in_dim3A_3 {strides = array<i32>} : memref<648x128xbf16, #tpu.memory_space<vmem>>, vector<32xbf16>,
    }
    %scan3A_7 = arith.constant 648 : i32
    %iota3A = tpu.iota {dimensions = array<i32: 0>} : vector<16xi32>
    %broadcast_in_dim3A_8 = arith.constant 167772160 : i32
    %broadcast_in_dim3A_9 = vector.broadcast %broadcast_in_dim3A_8 : i32 to vector<16xi32>
    %dma_start3A = arith.constant 0 : i32
    %dma_start3A_10 = arith.constant 0 : i32
    %dma_start3A_11 = tpu.memref_slice %arg8[%dma_start3A, %dma_start3A_10] : memref<2x1280xi32, #tpu.memory_space<vmem>> -> memref<1x1280xi32, #tpu.memory_space<vmem>>
    %dma_start3A_12 = tpu.memref_squeeze %dma_start3A_11 : memref<1x1280xi32, #tpu.memory_space<vmem>> -> memref<1280xi32, #tpu.memory_space<vmem>>
    %dma_start3A_13 = arith.constant 0 : i32
    %dma_start3A_14 = tpu.memref_slice %arg4[%dma_start3A_13] : memref<320000xi32, #tpu.memory_space<hbm>> -> memref<1280xi32, #tpu.memory_space<hbm>>
    %dma_start3A_15 = arith.constant 0 : i32
    %dma_start3A_16 = tpu.memref_slice %arg8[%dma_start3A, %dma_start3A_15] : memref<2x1280xi32, #tpu.memory_space<vmem>> -> memref<1x1280xi32, #tpu.memory_space<vmem>>
    %dma_start3A_17 = tpu.memref_squeeze %dma_start3A_16 : memref<1x1280xi32, #tpu.memory_space<vmem>> -> memref<1280xi32, #tpu.memory_space<vmem>>
    %dma_start3A_18 = arith.constant 0 : i32
    %dma_start3A_19 = tpu.memref_slice %arg4[%dma_start3A_18] : memref<320000xi32, #tpu.memory_space<hbm>> -> memref<1280xi32, #tpu.memory_space<hbm>>
    tpu.enqueue_dma source(%dma_start3A_19 : memref<1280xi32, #tpu.memory_space<hbm>>) target(%dma_start3A_17 : memref<1280xi32, #tpu.memory_space<vmem>>) target_semaphore(%arg17 : memref<!tpu.dma_semaphore, #tpu.memory_space<semaphore_mem>>)
    %scan3A_20 = arith.constant 0 : i32
    %scan3A_21 = arith.constant 0 : i32
    %scan3A_22 = arith.constant 50 : i32
    %scan3A_23 = arith.addi %scan3A_21, %scan3A_22 : i32
    %scan3A_24 = arith.constant 1 : i32
    %scan3A_25 = scf.for %scan3A_32 = %scan3A_21 to %scan3A_23 step %scan3A_24 iter_args(%scan3A_33 = %scan3A_20) -> (i32)  : i32 {
      %scan3A_34 = arith.constant 0 : i32
      %scan3A_35 = arith.constant 0 : i32
      %scan3A_36 = arith.constant 5 : i32
      %scan3A_37 = arith.addi %scan3A_35, %scan3A_36 : i32
      %scan3A_38 = arith.constant 1 : i32
      %scan3A_39 = scf.for %scan3A_145 = %scan3A_35 to %scan3A_37 step %scan3A_38 iter_args(%scan3A_146 = %scan3A_34) -> (i32)  : i32 {
        %mul3A_147 = arith.constant 5 : i32
        %mul3A_148 = arith.muli %scan3A_32, %mul3A_147 : i32
        %add3A_149 = arith.addi %mul3A_148, %scan3A_145 : i32
        %mul3A_150 = arith.constant 1280 : i32
        %mul3A_151 = arith.muli %add3A_149, %mul3A_150 : i32
        %jit3A_152 = arith.constant 2 : i32
        %eq3A = arith.constant 0 : i32
        %eq3A_153 = arith.cmpi eq, %jit3A_152, %eq3A : i32
        %jit3A_154 = arith.constant 1 : i32
        %select_n3A_155 = arith.select %eq3A_153, %jit3A_154, %jit3A_152 : i32
        %rem3A_156 = arith.remsi %add3A_149, %select_n3A_155 : i32
        %ne3A_157 = arith.constant 0 : i32
        %ne3A_158 = arith.cmpi ne, %rem3A_156, %ne3A_157 : i32
        %lt3A = arith.constant 0 : i32
        %lt3A_159 = arith.cmpi slt, %rem3A_156, %lt3A : i32
        %lt3A_160 = arith.constant 0 : i32
        %lt3A_161 = arith.cmpi slt, %select_n3A_155, %lt3A_160 : i32
        %ne3A_162 = arith.xori %lt3A_159, %lt3A_161 : i1
        %and3A_163 = arith.andi %ne3A_162, %ne3A_158 : i1
        %add3A_164 = arith.addi %rem3A_156, %select_n3A_155 : i32
        %select_n3A_165 = arith.select %and3A_163, %add3A_164, %rem3A_156 : i32
        %dma_wait3A = arith.constant 0 : i32
        %dma_wait3A_166 = tpu.memref_slice %arg8[%select_n3A_165, %dma_wait3A] : memref<2x1280xi32, #tpu.memory_space<vmem>> -> memref<1x1280xi32, #tpu.memory_space<vmem>>
        %dma_wait3A_167 = tpu.memref_squeeze %dma_wait3A_166 : memref<1x1280xi32, #tpu.memory_space<vmem>> -> memref<1280xi32, #tpu.memory_space<vmem>>
        %dma_wait3A_168 = tpu.memref_slice %arg4[%mul3A_151] : memref<320000xi32, #tpu.memory_space<hbm>> -> memref<1280xi32, #tpu.memory_space<hbm>>
        %dma_wait3A_169 = arith.constant 0 : i32
        %dma_wait3A_170 = tpu.memref_slice %arg8[%select_n3A_165, %dma_wait3A_169] : memref<2x1280xi32, #tpu.memory_space<vmem>> -> memref<1x1280xi32, #tpu.memory_space<vmem>>
        %dma_wait3A_171 = tpu.memref_squeeze %dma_wait3A_170 : memref<1x1280xi32, #tpu.memory_space<vmem>> -> memref<1280xi32, #tpu.memory_space<vmem>>
        %dma_wait3A_172 = tpu.memref_slice %arg4[%mul3A_151] : memref<320000xi32, #tpu.memory_space<hbm>> -> memref<1280xi32, #tpu.memory_space<hbm>>
        tpu.wait_dma2 semaphore(%arg17 : memref<!tpu.dma_semaphore, #tpu.memory_space<semaphore_mem>>) src(%dma_wait3A_172 : memref<1280xi32, #tpu.memory_space<hbm>>) dst(%dma_wait3A_171 : memref<1280xi32, #tpu.memory_space<vmem>>)
        %add3A_173 = arith.constant 1 : i32
        %add3A_174 = arith.addi %add3A_149, %add3A_173 : i32
        %lt3A_175 = arith.constant 250 : i32
        %lt3A_176 = arith.cmpi slt, %add3A_174, %lt3A_175 : i32
        %convert_element_type3A_177 = arith.extui %lt3A_176 : i1 to i32
        %cond3A_178 = arith.constant 0 : i32
        %cond3A_179 = arith.cmpi ne, %convert_element_type3A_177, %cond3A_178 : i32
        scf.if %cond3A_179 {
          %add3A_202 = arith.constant 1 : i32
          %add3A_203 = arith.addi %add3A_149, %add3A_202 : i32
          %mul3A_204 = arith.constant 1280 : i32
          %mul3A_205 = arith.muli %add3A_203, %mul3A_204 : i32
          %jit3A_206 = arith.constant 2 : i32
          %eq3A_207 = arith.constant 0 : i32
          %eq3A_208 = arith.cmpi eq, %jit3A_206, %eq3A_207 : i32
          %jit3A_209 = arith.constant 1 : i32
          %select_n3A_210 = arith.select %eq3A_208, %jit3A_209, %jit3A_206 : i32
          %rem3A_211 = arith.remsi %add3A_203, %select_n3A_210 : i32
          %ne3A_212 = arith.constant 0 : i32
          %ne3A_213 = arith.cmpi ne, %rem3A_211, %ne3A_212 : i32
          %lt3A_214 = arith.constant 0 : i32
          %lt3A_215 = arith.cmpi slt, %rem3A_211, %lt3A_214 : i32
          %lt3A_216 = arith.constant 0 : i32
          %lt3A_217 = arith.cmpi slt, %select_n3A_210, %lt3A_216 : i32
          %ne3A_218 = arith.xori %lt3A_215, %lt3A_217 : i1
          %and3A_219 = arith.andi %ne3A_218, %ne3A_213 : i1
          %add3A_220 = arith.addi %rem3A_211, %select_n3A_210 : i32
          %select_n3A_221 = arith.select %and3A_219, %add3A_220, %rem3A_211 : i32
          %dma_start3A_222 = arith.constant 0 : i32
          %dma_start3A_223 = tpu.memref_slice %arg8[%select_n3A_221, %dma_start3A_222] : memref<2x1280xi32, #tpu.memory_space<vmem>> -> memref<1x1280xi32, #tpu.memory_space<vmem>>
          %dma_start3A_224 = tpu.memref_squeeze %dma_start3A_223 : memref<1x1280xi32, #tpu.memory_space<vmem>> -> memref<1280xi32, #tpu.memory_space<vmem>>
          %dma_start3A_225 = tpu.memref_slice %arg4[%mul3A_205] : memref<320000xi32, #tpu.memory_space<hbm>> -> memref<1280xi32, #tpu.memory_space<hbm>>
          %dma_start3A_226 = arith.constant 0 : i32
          %dma_start3A_227 = tpu.memref_slice %arg8[%select_n3A_221, %dma_start3A_226] : memref<2x1280xi32, #tpu.memory_space<vmem>> -> memref<1x1280xi32, #tpu.memory_space<vmem>>
          %dma_start3A_228 = tpu.memref_squeeze %dma_start3A_227 : memref<1x1280xi32, #tpu.memory_space<vmem>> -> memref<1280xi32, #tpu.memory_space<vmem>>
          %dma_start3A_229 = tpu.memref_slice %arg4[%mul3A_205] : memref<320000xi32, #tpu.memory_space<hbm>> -> memref<1280xi32, #tpu.memory_space<hbm>>
          tpu.enqueue_dma source(%dma_start3A_229 : memref<1280xi32, #tpu.memory_space<hbm>>) target(%dma_start3A_228 : memref<1280xi32, #tpu.memory_space<vmem>>) target_semaphore(%arg17 : memref<!tpu.dma_semaphore, #tpu.memory_space<semaphore_mem>>)
        } else {
        }
        %jit3A_180 = arith.constant 2 : i32
        %eq3A_181 = arith.constant 0 : i32
        %eq3A_182 = arith.cmpi eq, %jit3A_180, %eq3A_181 : i32
        %jit3A_183 = arith.constant 1 : i32
        %select_n3A_184 = arith.select %eq3A_182, %jit3A_183, %jit3A_180 : i32
        %rem3A_185 = arith.remsi %add3A_149, %select_n3A_184 : i32
        %ne3A_186 = arith.constant 0 : i32
        %ne3A_187 = arith.cmpi ne, %rem3A_185, %ne3A_186 : i32
        %lt3A_188 = arith.constant 0 : i32
        %lt3A_189 = arith.cmpi slt, %rem3A_185, %lt3A_188 : i32
        %lt3A_190 = arith.constant 0 : i32
        %lt3A_191 = arith.cmpi slt, %select_n3A_184, %lt3A_190 : i32
        %ne3A_192 = arith.xori %lt3A_189, %lt3A_191 : i1
        %and3A_193 = arith.andi %ne3A_192, %ne3A_187 : i1
        %add3A_194 = arith.addi %rem3A_185, %select_n3A_184 : i32
        %select_n3A_195 = arith.select %and3A_193, %add3A_194, %rem3A_185 : i32
        %scan3A_196 = arith.constant 0 : i32
        %scan3A_197 = arith.constant 80 : i32
        %scan3A_198 = arith.addi %scan3A_196, %scan3A_197 : i32
        %scan3A_199 = arith.constant 4 : i32
        %scan3A_200 = scf.for %scan3A_202 = %scan3A_196 to %scan3A_198 step %scan3A_199 iter_args(%scan3A_203 = %scan3A_146) -> (i32)  : i32 {
          %mul3A_204 = arith.constant 16 : i32
          %mul3A_205 = arith.muli %scan3A_202, %mul3A_204 : i32
          %get3A = arith.index_cast %select_n3A_195 : i32 to index
          %get3A_206 = arith.index_cast %mul3A_205 : i32 to index
          %get3A_207 = tpu.vector_load %arg8[%get3A, %get3A_206] {strides = array<i32>} : memref<2x1280xi32, #tpu.memory_space<vmem>>, vector<16xi32>,
          %and3A_208 = arith.constant 16383 : i32
          %and3A_209 = vector.broadcast %and3A_208 : i32 to vector<16xi32>
          %and3A_210 = arith.andi %get3A_207, %and3A_209 : vector<16xi32>
          %ge3A = vector.broadcast %mul3A_2 : i32 to vector<16xi32>
          %ge3A_211 = arith.cmpi sge, %and3A_210, %ge3A : vector<16xi32>
          %add3A_212 = arith.constant 320 : i32
          %add3A_213 = arith.addi %mul3A_2, %add3A_212 : i32
          %lt3A_214 = vector.broadcast %add3A_213 : i32 to vector<16xi32>
          %lt3A_215 = arith.cmpi slt, %and3A_210, %lt3A_214 : vector<16xi32>
          %and3A_216 = arith.andi %ge3A_211, %lt3A_215 : vector<16xi1>
          %swap3A_217 = arith.index_cast %scan3A_203 : i32 to index
          %swap3A_218 = tpu.vector_load %arg9[%swap3A_217] masked %and3A_216 {strides = array<i32>} : memref<6528xi32, #tpu.memory_space<vmem>>, vector<16xi32>, vector<16xi1>
          tpu.vector_store %arg9[%swap3A_217], %get3A_207 masked %and3A_216 {strides = array<i32>} : memref<6528xi32, #tpu.memory_space<vmem>>, vector<16xi32>, vector<16xi1>
          %shift_right_arithmetic3A = arith.constant 14 : i32
          %shift_right_arithmetic3A_219 = vector.broadcast %shift_right_arithmetic3A : i32 to vector<16xi32>
          %shift_right_arithmetic3A_220 = arith.shrsi %get3A_207, %shift_right_arithmetic3A_219 : vector<16xi32>
          %swap3A_221 = arith.index_cast %scan3A_203 : i32 to index
          %swap3A_222 = tpu.vector_load %arg10[%swap3A_221] masked %and3A_216 {strides = array<i32>} : memref<6528xi32, #tpu.memory_space<vmem>>, vector<16xi32>, vector<16xi1>
          tpu.vector_store %arg10[%swap3A_221], %shift_right_arithmetic3A_220 masked %and3A_216 {strides = array<i32>} : memref<6528xi32, #tpu.memory_space<vmem>>, vector<16xi32>, vector<16xi1>
          %all_reduce_population_count3A = tpu.all_reduce %and3A_216 {dim = 0 : i64, kind = #tpu.reduction_kind<sum>} : vector<16xi1> -> vector<16xi32>
          %slice3A = vector.extract_strided_slice %all_reduce_population_count3A {offsets = [0], sizes = [1], strides = [1]} : vector<16xi32> to vector<1xi32>
          %squeeze3A = vector.extract %slice3A[0] : i32 from vector<1xi32>
          %add3A_223 = arith.addi %scan3A_203, %squeeze3A : i32
          %scan3A_224 = arith.constant 1 : i32
          %scan3A_225 = arith.addi %scan3A_202, %scan3A_224 : i32
          %mul3A_226 = arith.constant 16 : i32
          %mul3A_227 = arith.muli %scan3A_225, %mul3A_226 : i32
          %get3A_228 = arith.index_cast %select_n3A_195 : i32 to index
          %get3A_229 = arith.index_cast %mul3A_227 : i32 to index
          %get3A_230 = tpu.vector_load %arg8[%get3A_228, %get3A_229] {strides = array<i32>} : memref<2x1280xi32, #tpu.memory_space<vmem>>, vector<16xi32>,
          %and3A_231 = arith.constant 16383 : i32
          %and3A_232 = vector.broadcast %and3A_231 : i32 to vector<16xi32>
          %and3A_233 = arith.andi %get3A_230, %and3A_232 : vector<16xi32>
          %ge3A_234 = vector.broadcast %mul3A_2 : i32 to vector<16xi32>
          %ge3A_235 = arith.cmpi sge, %and3A_233, %ge3A_234 : vector<16xi32>
          %add3A_236 = arith.constant 320 : i32
          %add3A_237 = arith.addi %mul3A_2, %add3A_236 : i32
          %lt3A_238 = vector.broadcast %add3A_237 : i32 to vector<16xi32>
          %lt3A_239 = arith.cmpi slt, %and3A_233, %lt3A_238 : vector<16xi32>
          %and3A_240 = arith.andi %ge3A_235, %lt3A_239 : vector<16xi1>
          %swap3A_241 = arith.index_cast %add3A_223 : i32 to index
          %swap3A_242 = tpu.vector_load %arg9[%swap3A_241] masked %and3A_240 {strides = array<i32>} : memref<6528xi32, #tpu.memory_space<vmem>>, vector<16xi32>, vector<16xi1>
          tpu.vector_store %arg9[%swap3A_241], %get3A_230 masked %and3A_240 {strides = array<i32>} : memref<6528xi32, #tpu.memory_space<vmem>>, vector<16xi32>, vector<16xi1>
          %shift_right_arithmetic3A_243 = arith.constant 14 : i32
          %shift_right_arithmetic3A_244 = vector.broadcast %shift_right_arithmetic3A_243 : i32 to vector<16xi32>
          %shift_right_arithmetic3A_245 = arith.shrsi %get3A_230, %shift_right_arithmetic3A_244 : vector<16xi32>
          %swap3A_246 = arith.index_cast %add3A_223 : i32 to index
          %swap3A_247 = tpu.vector_load %arg10[%swap3A_246] masked %and3A_240 {strides = array<i32>} : memref<6528xi32, #tpu.memory_space<vmem>>, vector<16xi32>, vector<16xi1>
          tpu.vector_store %arg10[%swap3A_246], %shift_right_arithmetic3A_245 masked %and3A_240 {strides = array<i32>} : memref<6528xi32, #tpu.memory_space<vmem>>, vector<16xi32>, vector<16xi1>
          %all_reduce_population_count3A_248 = tpu.all_reduce %and3A_240 {dim = 0 : i64, kind = #tpu.reduction_kind<sum>} : vector<16xi1> -> vector<16xi32>
          %slice3A_249 = vector.extract_strided_slice %all_reduce_population_count3A_248 {offsets = [0], sizes = [1], strides = [1]} : vector<16xi32> to vector<1xi32>
          %squeeze3A_250 = vector.extract %slice3A_249[0] : i32 from vector<1xi32>
          %add3A_251 = arith.addi %add3A_223, %squeeze3A_250 : i32
          %scan3A_252 = arith.constant 2 : i32
          %scan3A_253 = arith.addi %scan3A_202, %scan3A_252 : i32
          %mul3A_254 = arith.constant 16 : i32
          %mul3A_255 = arith.muli %scan3A_253, %mul3A_254 : i32
          %get3A_256 = arith.index_cast %select_n3A_195 : i32 to index
          %get3A_257 = arith.index_cast %mul3A_255 : i32 to index
          %get3A_258 = tpu.vector_load %arg8[%get3A_256, %get3A_257] {strides = array<i32>} : memref<2x1280xi32, #tpu.memory_space<vmem>>, vector<16xi32>,
          %and3A_259 = arith.constant 16383 : i32
          %and3A_260 = vector.broadcast %and3A_259 : i32 to vector<16xi32>
          %and3A_261 = arith.andi %get3A_258, %and3A_260 : vector<16xi32>
          %ge3A_262 = vector.broadcast %mul3A_2 : i32 to vector<16xi32>
          %ge3A_263 = arith.cmpi sge, %and3A_261, %ge3A_262 : vector<16xi32>
          %add3A_264 = arith.constant 320 : i32
          %add3A_265 = arith.addi %mul3A_2, %add3A_264 : i32
          %lt3A_266 = vector.broadcast %add3A_265 : i32 to vector<16xi32>
          %lt3A_267 = arith.cmpi slt, %and3A_261, %lt3A_266 : vector<16xi32>
          %and3A_268 = arith.andi %ge3A_263, %lt3A_267 : vector<16xi1>
          %swap3A_269 = arith.index_cast %add3A_251 : i32 to index
          %swap3A_270 = tpu.vector_load %arg9[%swap3A_269] masked %and3A_268 {strides = array<i32>} : memref<6528xi32, #tpu.memory_space<vmem>>, vector<16xi32>, vector<16xi1>
          tpu.vector_store %arg9[%swap3A_269], %get3A_258 masked %and3A_268 {strides = array<i32>} : memref<6528xi32, #tpu.memory_space<vmem>>, vector<16xi32>, vector<16xi1>
          %shift_right_arithmetic3A_271 = arith.constant 14 : i32
          %shift_right_arithmetic3A_272 = vector.broadcast %shift_right_arithmetic3A_271 : i32 to vector<16xi32>
          %shift_right_arithmetic3A_273 = arith.shrsi %get3A_258, %shift_right_arithmetic3A_272 : vector<16xi32>
          %swap3A_274 = arith.index_cast %add3A_251 : i32 to index
          %swap3A_275 = tpu.vector_load %arg10[%swap3A_274] masked %and3A_268 {strides = array<i32>} : memref<6528xi32, #tpu.memory_space<vmem>>, vector<16xi32>, vector<16xi1>
          tpu.vector_store %arg10[%swap3A_274], %shift_right_arithmetic3A_273 masked %and3A_268 {strides = array<i32>} : memref<6528xi32, #tpu.memory_space<vmem>>, vector<16xi32>, vector<16xi1>
          %all_reduce_population_count3A_276 = tpu.all_reduce %and3A_268 {dim = 0 : i64, kind = #tpu.reduction_kind<sum>} : vector<16xi1> -> vector<16xi32>
          %slice3A_277 = vector.extract_strided_slice %all_reduce_population_count3A_276 {offsets = [0], sizes = [1], strides = [1]} : vector<16xi32> to vector<1xi32>
          %squeeze3A_278 = vector.extract %slice3A_277[0] : i32 from vector<1xi32>
          %add3A_279 = arith.addi %add3A_251, %squeeze3A_278 : i32
          %scan3A_280 = arith.constant 3 : i32
          %scan3A_281 = arith.addi %scan3A_202, %scan3A_280 : i32
          %mul3A_282 = arith.constant 16 : i32
          %mul3A_283 = arith.muli %scan3A_281, %mul3A_282 : i32
          %get3A_284 = arith.index_cast %select_n3A_195 : i32 to index
          %get3A_285 = arith.index_cast %mul3A_283 : i32 to index
          %get3A_286 = tpu.vector_load %arg8[%get3A_284, %get3A_285] {strides = array<i32>} : memref<2x1280xi32, #tpu.memory_space<vmem>>, vector<16xi32>,
          %and3A_287 = arith.constant 16383 : i32
          %and3A_288 = vector.broadcast %and3A_287 : i32 to vector<16xi32>
          %and3A_289 = arith.andi %get3A_286, %and3A_288 : vector<16xi32>
          %ge3A_290 = vector.broadcast %mul3A_2 : i32 to vector<16xi32>
          %ge3A_291 = arith.cmpi sge, %and3A_289, %ge3A_290 : vector<16xi32>
          %add3A_292 = arith.constant 320 : i32
          %add3A_293 = arith.addi %mul3A_2, %add3A_292 : i32
          %lt3A_294 = vector.broadcast %add3A_293 : i32 to vector<16xi32>
          %lt3A_295 = arith.cmpi slt, %and3A_289, %lt3A_294 : vector<16xi32>
          %and3A_296 = arith.andi %ge3A_291, %lt3A_295 : vector<16xi1>
          %swap3A_297 = arith.index_cast %add3A_279 : i32 to index
          %swap3A_298 = tpu.vector_load %arg9[%swap3A_297] masked %and3A_296 {strides = array<i32>} : memref<6528xi32, #tpu.memory_space<vmem>>, vector<16xi32>, vector<16xi1>
          tpu.vector_store %arg9[%swap3A_297], %get3A_286 masked %and3A_296 {strides = array<i32>} : memref<6528xi32, #tpu.memory_space<vmem>>, vector<16xi32>, vector<16xi1>
          %shift_right_arithmetic3A_299 = arith.constant 14 : i32
          %shift_right_arithmetic3A_300 = vector.broadcast %shift_right_arithmetic3A_299 : i32 to vector<16xi32>
          %shift_right_arithmetic3A_301 = arith.shrsi %get3A_286, %shift_right_arithmetic3A_300 : vector<16xi32>
          %swap3A_302 = arith.index_cast %add3A_279 : i32 to index
          %swap3A_303 = tpu.vector_load %arg10[%swap3A_302] masked %and3A_296 {strides = array<i32>} : memref<6528xi32, #tpu.memory_space<vmem>>, vector<16xi32>, vector<16xi1>
          tpu.vector_store %arg10[%swap3A_302], %shift_right_arithmetic3A_301 masked %and3A_296 {strides = array<i32>} : memref<6528xi32, #tpu.memory_space<vmem>>, vector<16xi32>, vector<16xi1>
          %all_reduce_population_count3A_304 = tpu.all_reduce %and3A_296 {dim = 0 : i64, kind = #tpu.reduction_kind<sum>} : vector<16xi1> -> vector<16xi32>
          %slice3A_305 = vector.extract_strided_slice %all_reduce_population_count3A_304 {offsets = [0], sizes = [1], strides = [1]} : vector<16xi32> to vector<1xi32>
          %squeeze3A_306 = vector.extract %slice3A_305[0] : i32 from vector<1xi32>
          %add3A_307 = arith.addi %add3A_279, %squeeze3A_306 : i32
          scf.yield %add3A_307 : i32
        }
        %scan3A_201 = arith.constant 80 : i32
        scf.yield %scan3A_200 : i32
      }
      %scan3A_40 = arith.constant 5 : i32
      %broadcast_in_dim3A_41 = arith.constant 10240 : i32
      %broadcast_in_dim3A_42 = vector.broadcast %broadcast_in_dim3A_41 : i32 to vector<16xi32>
      %add3A_43 = arith.constant 0 : i32
      %add3A_44 = arith.addi %scan3A_39, %add3A_43 : i32
      %swap3A = arith.index_cast %add3A_44 : i32 to index
      %swap3A_45 = tpu.vector_load %arg9[%swap3A] {strides = array<i32>} : memref<6528xi32, #tpu.memory_space<vmem>>, vector<16xi32>,
      tpu.vector_store %arg9[%swap3A], %broadcast_in_dim3A_9 {strides = array<i32>} : memref<6528xi32, #tpu.memory_space<vmem>>, vector<16xi32>,
      %add3A_46 = arith.constant 0 : i32
      %add3A_47 = arith.addi %scan3A_39, %add3A_46 : i32
      %swap3A_48 = arith.index_cast %add3A_47 : i32 to index
      %swap3A_49 = tpu.vector_load %arg10[%swap3A_48] {strides = array<i32>} : memref<6528xi32, #tpu.memory_space<vmem>>, vector<16xi32>,
      tpu.vector_store %arg10[%swap3A_48], %broadcast_in_dim3A_42 {strides = array<i32>} : memref<6528xi32, #tpu.memory_space<vmem>>, vector<16xi32>,
      %add3A_50 = arith.constant 16 : i32
      %add3A_51 = arith.addi %scan3A_39, %add3A_50 : i32
      %swap3A_52 = arith.index_cast %add3A_51 : i32 to index
      %swap3A_53 = tpu.vector_load %arg9[%swap3A_52] {strides = array<i32>} : memref<6528xi32, #tpu.memory_space<vmem>>, vector<16xi32>,
      tpu.vector_store %arg9[%swap3A_52], %broadcast_in_dim3A_9 {strides = array<i32>} : memref<6528xi32, #tpu.memory_space<vmem>>, vector<16xi32>,
      %add3A_54 = arith.constant 16 : i32
      %add3A_55 = arith.addi %scan3A_39, %add3A_54 : i32
      %swap3A_56 = arith.index_cast %add3A_55 : i32 to index
      %swap3A_57 = tpu.vector_load %arg10[%swap3A_56] {strides = array<i32>} : memref<6528xi32, #tpu.memory_space<vmem>>, vector<16xi32>,
      tpu.vector_store %arg10[%swap3A_56], %broadcast_in_dim3A_42 {strides = array<i32>} : memref<6528xi32, #tpu.memory_space<vmem>>, vector<16xi32>,
      %add3A_58 = arith.constant 32 : i32
      %add3A_59 = arith.addi %scan3A_39, %add3A_58 : i32
      %swap3A_60 = arith.index_cast %add3A_59 : i32 to index
      %swap3A_61 = tpu.vector_load %arg9[%swap3A_60] {strides = array<i32>} : memref<6528xi32, #tpu.memory_space<vmem>>, vector<16xi32>,
      tpu.vector_store %arg9[%swap3A_60], %broadcast_in_dim3A_9 {strides = array<i32>} : memref<6528xi32, #tpu.memory_space<vmem>>, vector<16xi32>,
      %add3A_62 = arith.constant 32 : i32
      %add3A_63 = arith.addi %scan3A_39, %add3A_62 : i32
      %swap3A_64 = arith.index_cast %add3A_63 : i32 to index
      %swap3A_65 = tpu.vector_load %arg10[%swap3A_64] {strides = array<i32>} : memref<6528xi32, #tpu.memory_space<vmem>>, vector<16xi32>,
      tpu.vector_store %arg10[%swap3A_64], %broadcast_in_dim3A_42 {strides = array<i32>} : memref<6528xi32, #tpu.memory_space<vmem>>, vector<16xi32>,
      %add3A_66 = arith.constant 48 : i32
      %add3A_67 = arith.addi %scan3A_39, %add3A_66 : i32
      %swap3A_68 = arith.index_cast %add3A_67 : i32 to index
      %swap3A_69 = tpu.vector_load %arg9[%swap3A_68] {strides = array<i32>} : memref<6528xi32, #tpu.memory_space<vmem>>, vector<16xi32>,
      tpu.vector_store %arg9[%swap3A_68], %broadcast_in_dim3A_9 {strides = array<i32>} : memref<6528xi32, #tpu.memory_space<vmem>>, vector<16xi32>,
      %add3A_70 = arith.constant 48 : i32
      %add3A_71 = arith.addi %scan3A_39, %add3A_70 : i32
      %swap3A_72 = arith.index_cast %add3A_71 : i32 to index
      %swap3A_73 = tpu.vector_load %arg10[%swap3A_72] {strides = array<i32>} : memref<6528xi32, #tpu.memory_space<vmem>>, vector<16xi32>,
      tpu.vector_store %arg10[%swap3A_72], %broadcast_in_dim3A_42 {strides = array<i32>} : memref<6528xi32, #tpu.memory_space<vmem>>, vector<16xi32>,
      %add3A_74 = arith.constant 64 : i32
      %add3A_75 = arith.addi %scan3A_39, %add3A_74 : i32
      %swap3A_76 = arith.index_cast %add3A_75 : i32 to index
      %swap3A_77 = tpu.vector_load %arg9[%swap3A_76] {strides = array<i32>} : memref<6528xi32, #tpu.memory_space<vmem>>, vector<16xi32>,
      tpu.vector_store %arg9[%swap3A_76], %broadcast_in_dim3A_9 {strides = array<i32>} : memref<6528xi32, #tpu.memory_space<vmem>>, vector<16xi32>,
      %add3A_78 = arith.constant 64 : i32
      %add3A_79 = arith.addi %scan3A_39, %add3A_78 : i32
      %swap3A_80 = arith.index_cast %add3A_79 : i32 to index
      %swap3A_81 = tpu.vector_load %arg10[%swap3A_80] {strides = array<i32>} : memref<6528xi32, #tpu.memory_space<vmem>>, vector<16xi32>,
      tpu.vector_store %arg10[%swap3A_80], %broadcast_in_dim3A_42 {strides = array<i32>} : memref<6528xi32, #tpu.memory_space<vmem>>, vector<16xi32>,
      %add3A_82 = arith.constant 80 : i32
      %add3A_83 = arith.addi %scan3A_39, %add3A_82 : i32
      %swap3A_84 = arith.index_cast %add3A_83 : i32 to index
      %swap3A_85 = tpu.vector_load %arg9[%swap3A_84] {strides = array<i32>} : memref<6528xi32, #tpu.memory_space<vmem>>, vector<16xi32>,
      tpu.vector_store %arg9[%swap3A_84], %broadcast_in_dim3A_9 {strides = array<i32>} : memref<6528xi32, #tpu.memory_space<vmem>>, vector<16xi32>,
      %add3A_86 = arith.constant 80 : i32
      %add3A_87 = arith.addi %scan3A_39, %add3A_86 : i32
      %swap3A_88 = arith.index_cast %add3A_87 : i32 to index
      %swap3A_89 = tpu.vector_load %arg10[%swap3A_88] {strides = array<i32>} : memref<6528xi32, #tpu.memory_space<vmem>>, vector<16xi32>,
      tpu.vector_store %arg10[%swap3A_88], %broadcast_in_dim3A_42 {strides = array<i32>} : memref<6528xi32, #tpu.memory_space<vmem>>, vector<16xi32>,
      %add3A_90 = arith.constant 96 : i32
      %add3A_91 = arith.addi %scan3A_39, %add3A_90 : i32
      %swap3A_92 = arith.index_cast %add3A_91 : i32 to index
      %swap3A_93 = tpu.vector_load %arg9[%swap3A_92] {strides = array<i32>} : memref<6528xi32, #tpu.memory_space<vmem>>, vector<16xi32>,
      tpu.vector_store %arg9[%swap3A_92], %broadcast_in_dim3A_9 {strides = array<i32>} : memref<6528xi32, #tpu.memory_space<vmem>>, vector<16xi32>,
      %add3A_94 = arith.constant 96 : i32
      %add3A_95 = arith.addi %scan3A_39, %add3A_94 : i32
      %swap3A_96 = arith.index_cast %add3A_95 : i32 to index
      %swap3A_97 = tpu.vector_load %arg10[%swap3A_96] {strides = array<i32>} : memref<6528xi32, #tpu.memory_space<vmem>>, vector<16xi32>,
      tpu.vector_store %arg10[%swap3A_96], %broadcast_in_dim3A_42 {strides = array<i32>} : memref<6528xi32, #tpu.memory_space<vmem>>, vector<16xi32>,
      %add3A_98 = arith.constant 112 : i32
      %add3A_99 = arith.addi %scan3A_39, %add3A_98 : i32
      %swap3A_100 = arith.index_cast %add3A_99 : i32 to index
      %swap3A_101 = tpu.vector_load %arg9[%swap3A_100] {strides = array<i32>} : memref<6528xi32, #tpu.memory_space<vmem>>, vector<16xi32>,
      tpu.vector_store %arg9[%swap3A_100], %broadcast_in_dim3A_9 {strides = array<i32>} : memref<6528xi32, #tpu.memory_space<vmem>>, vector<16xi32>,
      %add3A_102 = arith.constant 112 : i32
      %add3A_103 = arith.addi %scan3A_39, %add3A_102 : i32
      %swap3A_104 = arith.index_cast %add3A_103 : i32 to index
      %swap3A_105 = tpu.vector_load %arg10[%swap3A_104] {strides = array<i32>} : memref<6528xi32, #tpu.memory_space<vmem>>, vector<16xi32>,
      tpu.vector_store %arg10[%swap3A_104], %broadcast_in_dim3A_42 {strides = array<i32>} : memref<6528xi32, #tpu.memory_space<vmem>>, vector<16xi32>,
      %add3A_106 = arith.constant 128 : i32
      %add3A_107 = arith.addi %scan3A_39, %add3A_106 : i32
      %sub3A = arith.constant 1 : i32
      %sub3A_108 = arith.subi %add3A_107, %sub3A : i32
      %jit3A = arith.constant 128 : i32
      %div3A = arith.divsi %sub3A_108, %jit3A : i32
      %sign3A = arith.constant 0 : i32
      %sign3A_109 = arith.cmpi sgt, %sub3A_108, %sign3A : i32
      %sign3A_110 = arith.extui %sign3A_109 : i1 to i32
      %sign3A_111 = arith.constant 0 : i32
      %sign3A_112 = arith.cmpi slt, %sub3A_108, %sign3A_111 : i32
      %sign3A_113 = arith.extui %sign3A_112 : i1 to i32
      %sign3A_114 = arith.subi %sign3A_110, %sign3A_113 : i32
      %sign3A_115 = arith.constant 0 : i32
      %sign3A_116 = arith.cmpi sgt, %jit3A, %sign3A_115 : i32
      %sign3A_117 = arith.extui %sign3A_116 : i1 to i32
      %sign3A_118 = arith.constant 0 : i32
      %sign3A_119 = arith.cmpi slt, %jit3A, %sign3A_118 : i32
      %sign3A_120 = arith.extui %sign3A_119 : i1 to i32
      %sign3A_121 = arith.subi %sign3A_117, %sign3A_120 : i32
      %ne3A = arith.cmpi ne, %sign3A_114, %sign3A_121 : i32
      %rem3A = arith.remsi %sub3A_108, %jit3A : i32
      %ne3A_122 = arith.constant 0 : i32
      %ne3A_123 = arith.cmpi ne, %rem3A, %ne3A_122 : i32
      %and3A = arith.andi %ne3A, %ne3A_123 : i1
      %sub3A_124 = arith.constant 1 : i32
      %sub3A_125 = arith.subi %div3A, %sub3A_124 : i32
      %select_n3A = arith.select %and3A, %sub3A_125, %div3A : i32
      %gt3A = arith.constant 0 : i32
      %gt3A_126 = arith.cmpi sgt, %select_n3A, %gt3A : i32
      %convert_element_type3A = arith.extui %gt3A_126 : i1 to i32
      %cond3A = arith.constant 0 : i32
      %cond3A_127 = arith.cmpi ne, %convert_element_type3A, %cond3A : i32
      scf.if %cond3A_127 {
        %dma_start3A_145 = arith.constant 0 : i32
        %dma_start3A_146 = arith.constant 0 : i32
        %dma_start3A_147 = arith.constant 0 : i32
        %dma_start3A_148 = arith.constant 0 : i32
        %dma_start3A_149 = tpu.memref_slice %arg11[%dma_start3A_145, %dma_start3A_147, %dma_start3A_148] : memref<2x128x128xf32, #tpu.memory_space<vmem>> -> memref<1x128x128xf32, #tpu.memory_space<vmem>>
        %dma_start3A_150 = tpu.memref_squeeze %dma_start3A_149 : memref<1x128x128xf32, #tpu.memory_space<vmem>> -> memref<128x128xf32, #tpu.memory_space<vmem>>
        %dma_start3A_151 = arith.constant 0 : i32
        %dma_start3A_152 = tpu.memref_slice %arg10[%dma_start3A_151] : memref<6528xi32, #tpu.memory_space<vmem>> -> memref<128xi32, #tpu.memory_space<vmem>>
        %dma_start3A_153 = arith.constant 0 : i32
        %dma_start3A_154 = arith.constant 0 : i32
        %dma_start3A_155 = tpu.memref_slice %arg2[%dma_start3A_153, %dma_start3A_154] : memref<20480x128xf32, #tpu.memory_space<hbm>> -> memref<20480x128xf32, #tpu.memory_space<hbm>>
        %dma_start3A_156 = tpu.memref_slice %arg18[%dma_start3A_146] : memref<2x!tpu.dma_semaphore, #tpu.memory_space<semaphore_mem>> -> memref<1x!tpu.dma_semaphore, #tpu.memory_space<semaphore_mem>>
        %dma_start3A_157 = tpu.memref_squeeze %dma_start3A_156 : memref<1x!tpu.dma_semaphore, #tpu.memory_space<semaphore_mem>> -> memref<!tpu.dma_semaphore, #tpu.memory_space<semaphore_mem>>
        tpu.enqueue_indirect_dma source(%dma_start3A_155 : memref<20480x128xf32, #tpu.memory_space<hbm>>) target(%dma_start3A_150 : memref<128x128xf32, #tpu.memory_space<vmem>>) offsets(%dma_start3A_152 : memref<128xi32, #tpu.memory_space<vmem>>) semaphore(%dma_start3A_157 : memref<!tpu.dma_semaphore, #tpu.memory_space<semaphore_mem>>)
      } else {
      }
      %gt3A_128 = arith.constant 1 : i32
      %gt3A_129 = arith.cmpi sgt, %select_n3A, %gt3A_128 : i32
      %convert_element_type3A_130 = arith.extui %gt3A_129 : i1 to i32
      %cond3A_131 = arith.constant 0 : i32
      %cond3A_132 = arith.cmpi ne, %convert_element_type3A_130, %cond3A_131 : i32
      scf.if %cond3A_132 {
        %dma_start3A_145 = arith.constant 1 : i32
        %dma_start3A_146 = arith.constant 1 : i32
        %dma_start3A_147 = arith.constant 0 : i32
        %dma_start3A_148 = arith.constant 0 : i32
        %dma_start3A_149 = tpu.memref_slice %arg11[%dma_start3A_145, %dma_start3A_147, %dma_start3A_148] : memref<2x128x128xf32, #tpu.memory_space<vmem>> -> memref<1x128x128xf32, #tpu.memory_space<vmem>>
        %dma_start3A_150 = tpu.memref_squeeze %dma_start3A_149 : memref<1x128x128xf32, #tpu.memory_space<vmem>> -> memref<128x128xf32, #tpu.memory_space<vmem>>
        %dma_start3A_151 = arith.constant 128 : i32
        %dma_start3A_152 = tpu.memref_slice %arg10[%dma_start3A_151] : memref<6528xi32, #tpu.memory_space<vmem>> -> memref<128xi32, #tpu.memory_space<vmem>>
        %dma_start3A_153 = arith.constant 0 : i32
        %dma_start3A_154 = arith.constant 0 : i32
        %dma_start3A_155 = tpu.memref_slice %arg2[%dma_start3A_153, %dma_start3A_154] : memref<20480x128xf32, #tpu.memory_space<hbm>> -> memref<20480x128xf32, #tpu.memory_space<hbm>>
        %dma_start3A_156 = tpu.memref_slice %arg18[%dma_start3A_146] : memref<2x!tpu.dma_semaphore, #tpu.memory_space<semaphore_mem>> -> memref<1x!tpu.dma_semaphore, #tpu.memory_space<semaphore_mem>>
        %dma_start3A_157 = tpu.memref_squeeze %dma_start3A_156 : memref<1x!tpu.dma_semaphore, #tpu.memory_space<semaphore_mem>> -> memref<!tpu.dma_semaphore, #tpu.memory_space<semaphore_mem>>
        tpu.enqueue_indirect_dma source(%dma_start3A_155 : memref<20480x128xf32, #tpu.memory_space<hbm>>) target(%dma_start3A_150 : memref<128x128xf32, #tpu.memory_space<vmem>>) offsets(%dma_start3A_152 : memref<128xi32, #tpu.memory_space<vmem>>) semaphore(%dma_start3A_157 : memref<!tpu.dma_semaphore, #tpu.memory_space<semaphore_mem>>)
      } else {
      }
      %while3A = arith.constant 0 : i32
      %while3A_133 = arith.constant 0 : i32
      %while3A_134 = arith.subi %select_n3A, %while3A : i32
      %while3A_135 = arith.addi %while3A, %while3A_134 : i32
      %while3A_136 = arith.constant 1 : i32
      %while3A_137 = arith.divsi %while3A_134, %while3A_136 : i32
      %while3A_138 = arith.muli %while3A_137, %while3A_136 : i32
      %while3A_139 = arith.addi %while3A, %while3A_138 : i32
      %while3A_140 = arith.constant 1 : i32
      %while3A_141 = scf.for %while3A_145 = %while3A to %while3A_139 step %while3A_140 iter_args(%while3A_146 = %while3A_133) -> (i32)  : i32 {
        %mul3A_147 = arith.constant 128 : i32
        %mul3A_148 = arith.muli %while3A_145, %mul3A_147 : i32
        %jit3A_149 = arith.constant 2 : i32
        %eq3A = arith.constant 0 : i32
        %eq3A_150 = arith.cmpi eq, %jit3A_149, %eq3A : i32
        %jit3A_151 = arith.constant 1 : i32
        %select_n3A_152 = arith.select %eq3A_150, %jit3A_151, %jit3A_149 : i32
        %rem3A_153 = arith.remsi %while3A_145, %select_n3A_152 : i32
        %ne3A_154 = arith.constant 0 : i32
        %ne3A_155 = arith.cmpi ne, %rem3A_153, %ne3A_154 : i32
        %lt3A = arith.constant 0 : i32
        %lt3A_156 = arith.cmpi slt, %rem3A_153, %lt3A : i32
        %lt3A_157 = arith.constant 0 : i32
        %lt3A_158 = arith.cmpi slt, %select_n3A_152, %lt3A_157 : i32
        %ne3A_159 = arith.xori %lt3A_156, %lt3A_158 : i1
        %and3A_160 = arith.andi %ne3A_159, %ne3A_155 : i1
        %add3A_161 = arith.addi %rem3A_153, %select_n3A_152 : i32
        %select_n3A_162 = arith.select %and3A_160, %add3A_161, %rem3A_153 : i32
        %jit3A_163 = arith.constant 2 : i32
        %eq3A_164 = arith.constant 0 : i32
        %eq3A_165 = arith.cmpi eq, %jit3A_163, %eq3A_164 : i32
        %jit3A_166 = arith.constant 1 : i32
        %select_n3A_167 = arith.select %eq3A_165, %jit3A_166, %jit3A_163 : i32
        %rem3A_168 = arith.remsi %while3A_145, %select_n3A_167 : i32
        %ne3A_169 = arith.constant 0 : i32
        %ne3A_170 = arith.cmpi ne, %rem3A_168, %ne3A_169 : i32
        %lt3A_171 = arith.constant 0 : i32
        %lt3A_172 = arith.cmpi slt, %rem3A_168, %lt3A_171 : i32
        %lt3A_173 = arith.constant 0 : i32
        %lt3A_174 = arith.cmpi slt, %select_n3A_167, %lt3A_173 : i32
        %ne3A_175 = arith.xori %lt3A_172, %lt3A_174 : i1
        %and3A_176 = arith.andi %ne3A_175, %ne3A_170 : i1
        %add3A_177 = arith.addi %rem3A_168, %select_n3A_167 : i32
        %select_n3A_178 = arith.select %and3A_176, %add3A_177, %rem3A_168 : i32
        %dma_wait3A = arith.constant 0 : i32
        %dma_wait3A_179 = arith.constant 0 : i32
        %dma_wait3A_180 = tpu.memref_slice %arg11[%select_n3A_162, %dma_wait3A, %dma_wait3A_179] : memref<2x128x128xf32, #tpu.memory_space<vmem>> -> memref<1x128x128xf32, #tpu.memory_space<vmem>>
        %dma_wait3A_181 = tpu.memref_squeeze %dma_wait3A_180 : memref<1x128x128xf32, #tpu.memory_space<vmem>> -> memref<128x128xf32, #tpu.memory_space<vmem>>
        %dma_wait3A_182 = tpu.memref_slice %arg10[%mul3A_148] : memref<6528xi32, #tpu.memory_space<vmem>> -> memref<128xi32, #tpu.memory_space<vmem>>
        %dma_wait3A_183 = arith.constant 0 : i32
        %dma_wait3A_184 = arith.constant 0 : i32
        %dma_wait3A_185 = tpu.memref_slice %arg2[%dma_wait3A_183, %dma_wait3A_184] : memref<20480x128xf32, #tpu.memory_space<hbm>> -> memref<20480x128xf32, #tpu.memory_space<hbm>>
        %dma_wait3A_186 = tpu.memref_slice %arg18[%select_n3A_178] : memref<2x!tpu.dma_semaphore, #tpu.memory_space<semaphore_mem>> -> memref<1x!tpu.dma_semaphore, #tpu.memory_space<semaphore_mem>>
        %dma_wait3A_187 = tpu.memref_squeeze %dma_wait3A_186 : memref<1x!tpu.dma_semaphore, #tpu.memory_space<semaphore_mem>> -> memref<!tpu.dma_semaphore, #tpu.memory_space<semaphore_mem>>
        tpu.wait_indirect_dma semaphore(%dma_wait3A_187 : memref<!tpu.dma_semaphore, #tpu.memory_space<semaphore_mem>>) src(%dma_wait3A_185 : memref<20480x128xf32, #tpu.memory_space<hbm>>) dst(%dma_wait3A_181 : memref<128x128xf32, #tpu.memory_space<vmem>>)
        %jit3A_188 = arith.constant 2 : i32
        %eq3A_189 = arith.constant 0 : i32
        %eq3A_190 = arith.cmpi eq, %jit3A_188, %eq3A_189 : i32
        %jit3A_191 = arith.constant 1 : i32
        %select_n3A_192 = arith.select %eq3A_190, %jit3A_191, %jit3A_188 : i32
        %rem3A_193 = arith.remsi %while3A_145, %select_n3A_192 : i32
        %ne3A_194 = arith.constant 0 : i32
        %ne3A_195 = arith.cmpi ne, %rem3A_193, %ne3A_194 : i32
        %lt3A_196 = arith.constant 0 : i32
        %lt3A_197 = arith.cmpi slt, %rem3A_193, %lt3A_196 : i32
        %lt3A_198 = arith.constant 0 : i32
        %lt3A_199 = arith.cmpi slt, %select_n3A_192, %lt3A_198 : i32
        %ne3A_200 = arith.xori %lt3A_197, %lt3A_199 : i1
        %and3A_201 = arith.andi %ne3A_200, %ne3A_195 : i1
        %add3A_202 = arith.addi %rem3A_193, %select_n3A_192 : i32
        %select_n3A_203 = arith.select %and3A_201, %add3A_202, %rem3A_193 : i32
        %scan3A_204 = arith.constant 0 : i32
        %scan3A_205 = arith.constant 8 : i32
        %scan3A_206 = arith.addi %scan3A_204, %scan3A_205 : i32
        %scan3A_207 = arith.constant 1 : i32
        scf.for %scan3A_216 = %scan3A_204 to %scan3A_206 step %scan3A_207  : i32 {
          %mul3A_217 = arith.constant 1 : i32
          %mul3A_218 = arith.muli %scan3A_216, %mul3A_217 : i32
          %add3A_219 = arith.constant 0 : i32
          %add3A_220 = arith.addi %add3A_219, %mul3A_218 : i32
          %mul3A_221 = arith.constant 128 : i32
          %mul3A_222 = arith.muli %while3A_145, %mul3A_221 : i32
          %mul3A_223 = arith.constant 16 : i32
          %mul3A_224 = arith.muli %add3A_220, %mul3A_223 : i32
          %add3A_225 = arith.addi %mul3A_222, %mul3A_224 : i32
          %get3A = arith.index_cast %add3A_225 : i32 to index
          %get3A_226 = tpu.vector_load %arg9[%get3A] {strides = array<i32>} : memref<6528xi32, #tpu.memory_space<vmem>>, vector<16xi32>,
          %shift_right_arithmetic3A = arith.constant 14 : i32
          %shift_right_arithmetic3A_227 = vector.broadcast %shift_right_arithmetic3A : i32 to vector<16xi32>
          %shift_right_arithmetic3A_228 = arith.shrsi %get3A_226, %shift_right_arithmetic3A_227 : vector<16xi32>
          %and3A_229 = arith.constant 16383 : i32
          %and3A_230 = vector.broadcast %and3A_229 : i32 to vector<16xi32>
          %and3A_231 = arith.andi %get3A_226, %and3A_230 : vector<16xi32>
          %ge3A = arith.constant 10240 : i32
          %ge3A_232 = vector.broadcast %ge3A : i32 to vector<16xi32>
          %ge3A_233 = arith.cmpi sge, %shift_right_arithmetic3A_228, %ge3A_232 : vector<16xi32>
          %convert_element_type3A_234 = arith.extui %ge3A_233 : vector<16xi1> to vector<16xi32>
          %add3A_235 = vector.broadcast %add3A_225 : i32 to vector<16xi32>
          %add3A_236 = arith.addi %add3A_235, %iota3A : vector<16xi32>
          %lt3A_237 = vector.broadcast %scan3A_39 : i32 to vector<16xi32>
          %lt3A_238 = arith.cmpi slt, %add3A_236, %lt3A_237 : vector<16xi32>
          %mul3A_239 = arith.constant 320 : i32
          %mul3A_240 = vector.broadcast %mul3A_239 : i32 to vector<16xi32>
          %mul3A_241 = arith.muli %convert_element_type3A_234, %mul3A_240 : vector<16xi32>
          %sub3A_242 = vector.broadcast %mul3A_2 : i32 to vector<16xi32>
          %sub3A_243 = arith.subi %and3A_231, %sub3A_242 : vector<16xi32>
          %add3A_244 = arith.addi %mul3A_241, %sub3A_243 : vector<16xi32>
          %jit3A_245 = arith.constant 640 : i32
          %broadcast_in_dim3A_246 = vector.broadcast %jit3A_245 : i32 to vector<16xi32>
          %select_n3A_247 = arith.select %lt3A_238, %add3A_244, %broadcast_in_dim3A_246 : vector<16xi1>, vector<16xi32>
          %mul3A_248 = arith.constant 10240 : i32
          %mul3A_249 = vector.broadcast %mul3A_248 : i32 to vector<16xi32>
          %mul3A_250 = arith.muli %convert_element_type3A_234, %mul3A_249 : vector<16xi32>
          %sub3A_251 = arith.subi %shift_right_arithmetic3A_228, %mul3A_250 : vector<16xi32>
          %gather3A = tpu.vector_load_idx %arg13[%and3A_231] : memref<10240xf32, #tpu.memory_space<vmem>>[vector<16xi32>], vector<16xf32>,
          %gather3A_252 = tpu.vector_load_idx %arg13[%sub3A_251] : memref<10240xf32, #tpu.memory_space<vmem>>[vector<16xi32>], vector<16xf32>,
          %sub3A_253 = arith.subf %gather3A, %gather3A_252 : vector<16xf32>
          %gather3A_254 = tpu.vector_load_idx %arg14[%and3A_231] : memref<10240xf32, #tpu.memory_space<vmem>>[vector<16xi32>], vector<16xf32>,
          %gather3A_255 = tpu.vector_load_idx %arg14[%sub3A_251] : memref<10240xf32, #tpu.memory_space<vmem>>[vector<16xi32>], vector<16xf32>,
          %sub3A_256 = arith.subf %gather3A_254, %gather3A_255 : vector<16xf32>
          %gather3A_257 = tpu.vector_load_idx %arg15[%and3A_231] : memref<10240xf32, #tpu.memory_space<vmem>>[vector<16xi32>], vector<16xf32>,
          %gather3A_258 = tpu.vector_load_idx %arg15[%sub3A_251] : memref<10240xf32, #tpu.memory_space<vmem>>[vector<16xi32>], vector<16xf32>,
          %sub3A_259 = arith.subf %gather3A_257, %gather3A_258 : vector<16xf32>
          %mul3A_260 = arith.mulf %sub3A_253, %sub3A_253 : vector<16xf32>
          %mul3A_261 = arith.mulf %sub3A_256, %sub3A_256 : vector<16xf32>
          %add3A_262 = arith.addf %mul3A_260, %mul3A_261 : vector<16xf32>
          %mul3A_263 = arith.mulf %sub3A_259, %sub3A_259 : vector<16xf32>
          %add3A_264 = arith.addf %add3A_262, %mul3A_263 : vector<16xf32>
          %bitcast3A = vector.bitcast %add3A_264 : vector<16xf32> to vector<16xi32>
          %shift_right_arithmetic3A_265 = arith.constant 1 : i32
          %shift_right_arithmetic3A_266 = vector.broadcast %shift_right_arithmetic3A_265 : i32 to vector<16xi32>
          %shift_right_arithmetic3A_267 = arith.shrsi %bitcast3A, %shift_right_arithmetic3A_266 : vector<16xi32>
          %sub3A_268 = arith.constant 1597463007 : i32
          %sub3A_269 = vector.broadcast %sub3A_268 : i32 to vector<16xi32>
          %sub3A_270 = arith.subi %sub3A_269, %shift_right_arithmetic3A_267 : vector<16xi32>
          %bitcast3A_271 = vector.bitcast %sub3A_270 : vector<16xi32> to vector<16xf32>
          %mul3A_272 = arith.constant 5.000000e-01 : f32
          %mul3A_273 = vector.broadcast %mul3A_272 : f32 to vector<16xf32>
          %mul3A_274 = arith.mulf %add3A_264, %mul3A_273 : vector<16xf32>
          %mul3A_275 = arith.mulf %mul3A_274, %bitcast3A_271 : vector<16xf32>
          %mul3A_276 = arith.mulf %mul3A_275, %bitcast3A_271 : vector<16xf32>
          %sub3A_277 = arith.constant 1.500000e+00 : f32
          %sub3A_278 = vector.broadcast %sub3A_277 : f32 to vector<16xf32>
          %sub3A_279 = arith.subf %sub3A_278, %mul3A_276 : vector<16xf32>
          %mul3A_280 = arith.mulf %bitcast3A_271, %sub3A_279 : vector<16xf32>
          %mul3A_281 = arith.mulf %mul3A_274, %mul3A_280 : vector<16xf32>
          %mul3A_282 = arith.mulf %mul3A_281, %mul3A_280 : vector<16xf32>
          %sub3A_283 = arith.constant 1.500000e+00 : f32
          %sub3A_284 = vector.broadcast %sub3A_283 : f32 to vector<16xf32>
          %sub3A_285 = arith.subf %sub3A_284, %mul3A_282 : vector<16xf32>
          %mul3A_286 = arith.mulf %mul3A_280, %sub3A_285 : vector<16xf32>
          %mul3A_287 = arith.mulf %mul3A_274, %mul3A_286 : vector<16xf32>
          %mul3A_288 = arith.mulf %mul3A_287, %mul3A_286 : vector<16xf32>
          %sub3A_289 = arith.constant 1.500000e+00 : f32
          %sub3A_290 = vector.broadcast %sub3A_289 : f32 to vector<16xf32>
          %sub3A_291 = arith.subf %sub3A_290, %mul3A_288 : vector<16xf32>
          %mul3A_292 = arith.mulf %mul3A_286, %sub3A_291 : vector<16xf32>
          %lt3A_293 = arith.constant 1.000000e-30 : f32
          %lt3A_294 = vector.broadcast %lt3A_293 : f32 to vector<16xf32>
          %lt3A_295 = arith.cmpf olt, %add3A_264, %lt3A_294 : vector<16xf32>
          %mul3A_296 = arith.mulf %add3A_264, %mul3A_292 : vector<16xf32>
          %jit3A_297 = arith.constant 0.000000e+00 : f32
          %broadcast_in_dim3A_298 = vector.broadcast %jit3A_297 : f32 to vector<16xf32>
          %select_n3A_299 = arith.select %lt3A_295, %broadcast_in_dim3A_298, %mul3A_296 : vector<16xi1>, vector<16xf32>
          %slice3A = vector.extract_strided_slice %select_n3A_247 {offsets = [0], sizes = [1], strides = [1]} : vector<16xi32> to vector<1xi32>
          %squeeze3A = vector.extract %slice3A[0] : i32 from vector<1xi32>
          %slice3A_300 = vector.extract_strided_slice %convert_element_type3A_234 {offsets = [0], sizes = [1], strides = [1]} : vector<16xi32> to vector<1xi32>
          %squeeze3A_301 = vector.extract %slice3A_300[0] : i32 from vector<1xi32>
          %slice3A_302 = vector.extract_strided_slice %select_n3A_299 {offsets = [0], sizes = [1], strides = [1]} : vector<16xf32> to vector<1xf32>
          %squeeze3A_303 = vector.extract %slice3A_302[0] : f32 from vector<1xf32>
          %mul3A_304 = arith.constant 16 : i32
          %mul3A_305 = arith.muli %add3A_220, %mul3A_304 : i32
          %add3A_306 = arith.constant 0 : i32
          %add3A_307 = arith.addi %mul3A_305, %add3A_306 : i32
          %get3A_308 = arith.index_cast %select_n3A_203 : i32 to index
          %get3A_309 = arith.index_cast %add3A_307 : i32 to index
          %get3A_310 = arith.constant 0 : index
          %get3A_311 = tpu.vector_load %arg11[%get3A_308, %get3A_309, %get3A_310] {strides = array<i32>} : memref<2x128x128xf32, #tpu.memory_space<vmem>>, vector<16xf32>,
          %get3A_312 = arith.index_cast %squeeze3A_301 : i32 to index
          %get3A_313 = arith.constant 0 : index
          %get3A_314 = tpu.vector_load %arg16[%get3A_312, %get3A_313] {strides = array<i32>} : memref<2x128xf32, #tpu.memory_space<vmem>>, vector<16xf32>,
          %mul3A_315 = vector.broadcast %squeeze3A_303 : f32 to vector<16xf32>
          %mul3A_316 = arith.mulf %mul3A_315, %get3A_314 : vector<16xf32>
          %add3A_317 = arith.addf %get3A_311, %mul3A_316 : vector<16xf32>
          %mul3A_318 = arith.constant 16 : i32
          %mul3A_319 = arith.muli %add3A_220, %mul3A_318 : i32
          %add3A_320 = arith.constant 0 : i32
          %add3A_321 = arith.addi %mul3A_319, %add3A_320 : i32
          %get3A_322 = arith.index_cast %select_n3A_203 : i32 to index
          %get3A_323 = arith.index_cast %add3A_321 : i32 to index
          %get3A_324 = arith.constant 16 : index
          %get3A_325 = tpu.vector_load %arg11[%get3A_322, %get3A_323, %get3A_324] {strides = array<i32>} : memref<2x128x128xf32, #tpu.memory_space<vmem>>, vector<16xf32>,
          %get3A_326 = arith.index_cast %squeeze3A_301 : i32 to index
          %get3A_327 = arith.constant 16 : index
          %get3A_328 = tpu.vector_load %arg16[%get3A_326, %get3A_327] {strides = array<i32>} : memref<2x128xf32, #tpu.memory_space<vmem>>, vector<16xf32>,
          %mul3A_329 = vector.broadcast %squeeze3A_303 : f32 to vector<16xf32>
          %mul3A_330 = arith.mulf %mul3A_329, %get3A_328 : vector<16xf32>
          %add3A_331 = arith.addf %get3A_325, %mul3A_330 : vector<16xf32>
          %pack3A = tpu.pack_subelements %add3A_317, %add3A_331 {pack_format = #tpu.pack_format<interleaved>, positions = array<i32: 0, 1>} : vector<16xf32>, vector<16xf32> -> vector<32xbf16>
          %get3A_332 = arith.index_cast %squeeze3A : i32 to index
          %get3A_333 = arith.constant 0 : index
          %get3A_334 = tpu.vector_load %arg12[%get3A_332, %get3A_333] {strides = array<i32>} : memref<648x128xbf16, #tpu.memory_space<vmem>>, vector<32xbf16>,
          %max3A = arith.maximumf %get3A_334, %pack3A : vector<32xbf16>
          %swap3A_335 = arith.index_cast %squeeze3A : i32 to index
          %swap3A_336 = arith.constant 0 : index
          %swap3A_337 = tpu.vector_load %arg12[%swap3A_335, %swap3A_336] {strides = array<i32>} : memref<648x128xbf16, #tpu.memory_space<vmem>>, vector<32xbf16>,
          tpu.vector_store %arg12[%swap3A_335, %swap3A_336], %max3A {strides = array<i32>} : memref<648x128xbf16, #tpu.memory_space<vmem>>, vector<32xbf16>,
          %mul3A_338 = arith.constant 16 : i32
          %mul3A_339 = arith.muli %add3A_220, %mul3A_338 : i32
          %add3A_340 = arith.constant 0 : i32
          %add3A_341 = arith.addi %mul3A_339, %add3A_340 : i32
          %get3A_342 = arith.index_cast %select_n3A_203 : i32 to index
          %get3A_343 = arith.index_cast %add3A_341 : i32 to index
          %get3A_344 = arith.constant 32 : index
          %get3A_345 = tpu.vector_load %arg11[%get3A_342, %get3A_343, %get3A_344] {strides = array<i32>} : memref<2x128x128xf32, #tpu.memory_space<vmem>>, vector<16xf32>,
          %get3A_346 = arith.index_cast %squeeze3A_301 : i32 to index
          %get3A_347 = arith.constant 32 : index
          %get3A_348 = tpu.vector_load %arg16[%get3A_346, %get3A_347] {strides = array<i32>} : memref<2x128xf32, #tpu.memory_space<vmem>>, vector<16xf32>,
          %mul3A_349 = vector.broadcast %squeeze3A_303 : f32 to vector<16xf32>
          %mul3A_350 = arith.mulf %mul3A_349, %get3A_348 : vector<16xf32>
          %add3A_351 = arith.addf %get3A_345, %mul3A_350 : vector<16xf32>
          %mul3A_352 = arith.constant 16 : i32
          %mul3A_353 = arith.muli %add3A_220, %mul3A_352 : i32
          %add3A_354 = arith.constant 0 : i32
          %add3A_355 = arith.addi %mul3A_353, %add3A_354 : i32
          %get3A_356 = arith.index_cast %select_n3A_203 : i32 to index
          %get3A_357 = arith.index_cast %add3A_355 : i32 to index
          %get3A_358 = arith.constant 48 : index
          %get3A_359 = tpu.vector_load %arg11[%get3A_356, %get3A_357, %get3A_358] {strides = array<i32>} : memref<2x128x128xf32, #tpu.memory_space<vmem>>, vector<16xf32>,
          %get3A_360 = arith.index_cast %squeeze3A_301 : i32 to index
          %get3A_361 = arith.constant 48 : index
          %get3A_362 = tpu.vector_load %arg16[%get3A_360, %get3A_361] {strides = array<i32>} : memref<2x128xf32, #tpu.memory_space<vmem>>, vector<16xf32>,
          %mul3A_363 = vector.broadcast %squeeze3A_303 : f32 to vector<16xf32>
          %mul3A_364 = arith.mulf %mul3A_363, %get3A_362 : vector<16xf32>
          %add3A_365 = arith.addf %get3A_359, %mul3A_364 : vector<16xf32>
          %pack3A_366 = tpu.pack_subelements %add3A_351, %add3A_365 {pack_format = #tpu.pack_format<interleaved>, positions = array<i32: 0, 1>} : vector<16xf32>, vector<16xf32> -> vector<32xbf16>
          %get3A_367 = arith.index_cast %squeeze3A : i32 to index
          %get3A_368 = arith.constant 32 : index
          %get3A_369 = tpu.vector_load %arg12[%get3A_367, %get3A_368] {strides = array<i32>} : memref<648x128xbf16, #tpu.memory_space<vmem>>, vector<32xbf16>,
          %max3A_370 = arith.maximumf %get3A_369, %pack3A_366 : vector<32xbf16>
          %swap3A_371 = arith.index_cast %squeeze3A : i32 to index
          %swap3A_372 = arith.constant 32 : index
          %swap3A_373 = tpu.vector_load %arg12[%swap3A_371, %swap3A_372] {strides = array<i32>} : memref<648x128xbf16, #tpu.memory_space<vmem>>, vector<32xbf16>,
          tpu.vector_store %arg12[%swap3A_371, %swap3A_372], %max3A_370 {strides = array<i32>} : memref<648x128xbf16, #tpu.memory_space<vmem>>, vector<32xbf16>,
          %mul3A_374 = arith.constant 16 : i32
          %mul3A_375 = arith.muli %add3A_220, %mul3A_374 : i32
          %add3A_376 = arith.constant 0 : i32
          %add3A_377 = arith.addi %mul3A_375, %add3A_376 : i32
          %get3A_378 = arith.index_cast %select_n3A_203 : i32 to index
          %get3A_379 = arith.index_cast %add3A_377 : i32 to index
          %get3A_380 = arith.constant 64 : index
          %get3A_381 = tpu.vector_load %arg11[%get3A_378, %get3A_379, %get3A_380] {strides = array<i32>} : memref<2x128x128xf32, #tpu.memory_space<vmem>>, vector<16xf32>,
          %get3A_382 = arith.index_cast %squeeze3A_301 : i32 to index
          %get3A_383 = arith.constant 64 : index
          %get3A_384 = tpu.vector_load %arg16[%get3A_382, %get3A_383] {strides = array<i32>} : memref<2x128xf32, #tpu.memory_space<vmem>>, vector<16xf32>,
          %mul3A_385 = vector.broadcast %squeeze3A_303 : f32 to vector<16xf32>
          %mul3A_386 = arith.mulf %mul3A_385, %get3A_384 : vector<16xf32>
          %add3A_387 = arith.addf %get3A_381, %mul3A_386 : vector<16xf32>
          %mul3A_388 = arith.constant 16 : i32
          %mul3A_389 = arith.muli %add3A_220, %mul3A_388 : i32
          %add3A_390 = arith.constant 0 : i32
          %add3A_391 = arith.addi %mul3A_389, %add3A_390 : i32
          %get3A_392 = arith.index_cast %select_n3A_203 : i32 to index
          %get3A_393 = arith.index_cast %add3A_391 : i32 to index
          %get3A_394 = arith.constant 80 : index
          %get3A_395 = tpu.vector_load %arg11[%get3A_392, %get3A_393, %get3A_394] {strides = array<i32>} : memref<2x128x128xf32, #tpu.memory_space<vmem>>, vector<16xf32>,
          %get3A_396 = arith.index_cast %squeeze3A_301 : i32 to index
          %get3A_397 = arith.constant 80 : index
          %get3A_398 = tpu.vector_load %arg16[%get3A_396, %get3A_397] {strides = array<i32>} : memref<2x128xf32, #tpu.memory_space<vmem>>, vector<16xf32>,
          %mul3A_399 = vector.broadcast %squeeze3A_303 : f32 to vector<16xf32>
          %mul3A_400 = arith.mulf %mul3A_399, %get3A_398 : vector<16xf32>
          %add3A_401 = arith.addf %get3A_395, %mul3A_400 : vector<16xf32>
          %pack3A_402 = tpu.pack_subelements %add3A_387, %add3A_401 {pack_format = #tpu.pack_format<interleaved>, positions = array<i32: 0, 1>} : vector<16xf32>, vector<16xf32> -> vector<32xbf16>
          %get3A_403 = arith.index_cast %squeeze3A : i32 to index
          %get3A_404 = arith.constant 64 : index
          %get3A_405 = tpu.vector_load %arg12[%get3A_403, %get3A_404] {strides = array<i32>} : memref<648x128xbf16, #tpu.memory_space<vmem>>, vector<32xbf16>,
          %max3A_406 = arith.maximumf %get3A_405, %pack3A_402 : vector<32xbf16>
          %swap3A_407 = arith.index_cast %squeeze3A : i32 to index
          %swap3A_408 = arith.constant 64 : index
          %swap3A_409 = tpu.vector_load %arg12[%swap3A_407, %swap3A_408] {strides = array<i32>} : memref<648x128xbf16, #tpu.memory_space<vmem>>, vector<32xbf16>,
          tpu.vector_store %arg12[%swap3A_407, %swap3A_408], %max3A_406 {strides = array<i32>} : memref<648x128xbf16, #tpu.memory_space<vmem>>, vector<32xbf16>,
          %mul3A_410 = arith.constant 16 : i32
          %mul3A_411 = arith.muli %add3A_220, %mul3A_410 : i32
          %add3A_412 = arith.constant 0 : i32
          %add3A_413 = arith.addi %mul3A_411, %add3A_412 : i32
          %get3A_414 = arith.index_cast %select_n3A_203 : i32 to index
          %get3A_415 = arith.index_cast %add3A_413 : i32 to index
          %get3A_416 = arith.constant 96 : index
          %get3A_417 = tpu.vector_load %arg11[%get3A_414, %get3A_415, %get3A_416] {strides = array<i32>} : memref<2x128x128xf32, #tpu.memory_space<vmem>>, vector<16xf32>,
          %get3A_418 = arith.index_cast %squeeze3A_301 : i32 to index
          %get3A_419 = arith.constant 96 : index
          %get3A_420 = tpu.vector_load %arg16[%get3A_418, %get3A_419] {strides = array<i32>} : memref<2x128xf32, #tpu.memory_space<vmem>>, vector<16xf32>,
          %mul3A_421 = vector.broadcast %squeeze3A_303 : f32 to vector<16xf32>
          %mul3A_422 = arith.mulf %mul3A_421, %get3A_420 : vector<16xf32>
          %add3A_423 = arith.addf %get3A_417, %mul3A_422 : vector<16xf32>
          %mul3A_424 = arith.constant 16 : i32
          %mul3A_425 = arith.muli %add3A_220, %mul3A_424 : i32
          %add3A_426 = arith.constant 0 : i32
          %add3A_427 = arith.addi %mul3A_425, %add3A_426 : i32
          %get3A_428 = arith.index_cast %select_n3A_203 : i32 to index
          %get3A_429 = arith.index_cast %add3A_427 : i32 to index
          %get3A_430 = arith.constant 112 : index
          %get3A_431 = tpu.vector_load %arg11[%get3A_428, %get3A_429, %get3A_430] {strides = array<i32>} : memref<2x128x128xf32, #tpu.memory_space<vmem>>, vector<16xf32>,
          %get3A_432 = arith.index_cast %squeeze3A_301 : i32 to index
          %get3A_433 = arith.constant 112 : index
          %get3A_434 = tpu.vector_load %arg16[%get3A_432, %get3A_433] {strides = array<i32>} : memref<2x128xf32, #tpu.memory_space<vmem>>, vector<16xf32>,
          %mul3A_435 = vector.broadcast %squeeze3A_303 : f32 to vector<16xf32>
          %mul3A_436 = arith.mulf %mul3A_435, %get3A_434 : vector<16xf32>
          %add3A_437 = arith.addf %get3A_431, %mul3A_436 : vector<16xf32>
          %pack3A_438 = tpu.pack_subelements %add3A_423, %add3A_437 {pack_format = #tpu.pack_format<interleaved>, positions = array<i32: 0, 1>} : vector<16xf32>, vector<16xf32> -> vector<32xbf16>
          %get3A_439 = arith.index_cast %squeeze3A : i32 to index
          %get3A_440 = arith.constant 96 : index
          %get3A_441 = tpu.vector_load %arg12[%get3A_439, %get3A_440] {strides = array<i32>} : memref<648x128xbf16, #tpu.memory_space<vmem>>, vector<32xbf16>,
          %max3A_442 = arith.maximumf %get3A_441, %pack3A_438 : vector<32xbf16>
          %swap3A_443 = arith.index_cast %squeeze3A : i32 to index
          %swap3A_444 = arith.constant 96 : index
          %swap3A_445 = tpu.vector_load %arg12[%swap3A_443, %swap3A_444] {strides = array<i32>} : memref<648x128xbf16, #tpu.memory_space<vmem>>, vector<32xbf16>,
          tpu.vector_store %arg12[%swap3A_443, %swap3A_444], %max3A_442 {strides = array<i32>} : memref<648x128xbf16, #tpu.memory_space<vmem>>, vector<32xbf16>,
          %slice3A_446 = vector.extract_strided_slice %select_n3A_247 {offsets = [1], sizes = [1], strides = [1]} : vector<16xi32> to vector<1xi32>
          %squeeze3A_447 = vector.extract %slice3A_446[0] : i32 from vector<1xi32>
          %slice3A_448 = vector.extract_strided_slice %convert_element_type3A_234 {offsets = [1], sizes = [1], strides = [1]} : vector<16xi32> to vector<1xi32>
          %squeeze3A_449 = vector.extract %slice3A_448[0] : i32 from vector<1xi32>
          %slice3A_450 = vector.extract_strided_slice %select_n3A_299 {offsets = [1], sizes = [1], strides = [1]} : vector<16xf32> to vector<1xf32>
          %squeeze3A_451 = vector.extract %slice3A_450[0] : f32 from vector<1xf32>
          %mul3A_452 = arith.constant 16 : i32
          %mul3A_453 = arith.muli %add3A_220, %mul3A_452 : i32
          %add3A_454 = arith.constant 1 : i32
          %add3A_455 = arith.addi %mul3A_453, %add3A_454 : i32
          %get3A_456 = arith.index_cast %select_n3A_203 : i32 to index
          %get3A_457 = arith.index_cast %add3A_455 : i32 to index
          %get3A_458 = arith.constant 0 : index
          %get3A_459 = tpu.vector_load %arg11[%get3A_456, %get3A_457, %get3A_458] {strides = array<i32>} : memref<2x128x128xf32, #tpu.memory_space<vmem>>, vector<16xf32>,
          %get3A_460 = arith.index_cast %squeeze3A_449 : i32 to index
          %get3A_461 = arith.constant 0 : index
          %get3A_462 = tpu.vector_load %arg16[%get3A_460, %get3A_461] {strides = array<i32>} : memref<2x128xf32, #tpu.memory_space<vmem>>, vector<16xf32>,
          %mul3A_463 = vector.broadcast %squeeze3A_451 : f32 to vector<16xf32>
          %mul3A_464 = arith.mulf %mul3A_463, %get3A_462 : vector<16xf32>
          %add3A_465 = arith.addf %get3A_459, %mul3A_464 : vector<16xf32>
          %mul3A_466 = arith.constant 16 : i32
          %mul3A_467 = arith.muli %add3A_220, %mul3A_466 : i32
          %add3A_468 = arith.constant 1 : i32
          %add3A_469 = arith.addi %mul3A_467, %add3A_468 : i32
          %get3A_470 = arith.index_cast %select_n3A_203 : i32 to index
          %get3A_471 = arith.index_cast %add3A_469 : i32 to index
          %get3A_472 = arith.constant 16 : index
          %get3A_473 = tpu.vector_load %arg11[%get3A_470, %get3A_471, %get3A_472] {strides = array<i32>} : memref<2x128x128xf32, #tpu.memory_space<vmem>>, vector<16xf32>,
          %get3A_474 = arith.index_cast %squeeze3A_449 : i32 to index
          %get3A_475 = arith.constant 16 : index
          %get3A_476 = tpu.vector_load %arg16[%get3A_474, %get3A_475] {strides = array<i32>} : memref<2x128xf32, #tpu.memory_space<vmem>>, vector<16xf32>,
          %mul3A_477 = vector.broadcast %squeeze3A_451 : f32 to vector<16xf32>
          %mul3A_478 = arith.mulf %mul3A_477, %get3A_476 : vector<16xf32>
          %add3A_479 = arith.addf %get3A_473, %mul3A_478 : vector<16xf32>
          %pack3A_480 = tpu.pack_subelements %add3A_465, %add3A_479 {pack_format = #tpu.pack_format<interleaved>, positions = array<i32: 0, 1>} : vector<16xf32>, vector<16xf32> -> vector<32xbf16>
          %get3A_481 = arith.index_cast %squeeze3A_447 : i32 to index
          %get3A_482 = arith.constant 0 : index
          %get3A_483 = tpu.vector_load %arg12[%get3A_481, %get3A_482] {strides = array<i32>} : memref<648x128xbf16, #tpu.memory_space<vmem>>, vector<32xbf16>,
          %max3A_484 = arith.maximumf %get3A_483, %pack3A_480 : vector<32xbf16>
          %swap3A_485 = arith.index_cast %squeeze3A_447 : i32 to index
          %swap3A_486 = arith.constant 0 : index
          %swap3A_487 = tpu.vector_load %arg12[%swap3A_485, %swap3A_486] {strides = array<i32>} : memref<648x128xbf16, #tpu.memory_space<vmem>>, vector<32xbf16>,
          tpu.vector_store %arg12[%swap3A_485, %swap3A_486], %max3A_484 {strides = array<i32>} : memref<648x128xbf16, #tpu.memory_space<vmem>>, vector<32xbf16>,
          %mul3A_488 = arith.constant 16 : i32
          %mul3A_489 = arith.muli %add3A_220, %mul3A_488 : i32
          %add3A_490 = arith.constant 1 : i32
          %add3A_491 = arith.addi %mul3A_489, %add3A_490 : i32
          %get3A_492 = arith.index_cast %select_n3A_203 : i32 to index
          %get3A_493 = arith.index_cast %add3A_491 : i32 to index
          %get3A_494 = arith.constant 32 : index
          %get3A_495 = tpu.vector_load %arg11[%get3A_492, %get3A_493, %get3A_494] {strides = array<i32>} : memref<2x128x128xf32, #tpu.memory_space<vmem>>, vector<16xf32>,
          %get3A_496 = arith.index_cast %squeeze3A_449 : i32 to index
          %get3A_497 = arith.constant 32 : index
          %get3A_498 = tpu.vector_load %arg16[%get3A_496, %get3A_497] {strides = array<i32>} : memref<2x128xf32, #tpu.memory_space<vmem>>, vector<16xf32>,
          %mul3A_499 = vector.broadcast %squeeze3A_451 : f32 to vector<16xf32>
          %mul3A_500 = arith.mulf %mul3A_499, %get3A_498 : vector<16xf32>
          %add3A_501 = arith.addf %get3A_495, %mul3A_500 : vector<16xf32>
          %mul3A_502 = arith.constant 16 : i32
          %mul3A_503 = arith.muli %add3A_220, %mul3A_502 : i32
          %add3A_504 = arith.constant 1 : i32
          %add3A_505 = arith.addi %mul3A_503, %add3A_504 : i32
          %get3A_506 = arith.index_cast %select_n3A_203 : i32 to index
          %get3A_507 = arith.index_cast %add3A_505 : i32 to index
          %get3A_508 = arith.constant 48 : index
          %get3A_509 = tpu.vector_load %arg11[%get3A_506, %get3A_507, %get3A_508] {strides = array<i32>} : memref<2x128x128xf32, #tpu.memory_space<vmem>>, vector<16xf32>,
          %get3A_510 = arith.index_cast %squeeze3A_449 : i32 to index
          %get3A_511 = arith.constant 48 : index
          %get3A_512 = tpu.vector_load %arg16[%get3A_510, %get3A_511] {strides = array<i32>} : memref<2x128xf32, #tpu.memory_space<vmem>>, vector<16xf32>,
          %mul3A_513 = vector.broadcast %squeeze3A_451 : f32 to vector<16xf32>
          %mul3A_514 = arith.mulf %mul3A_513, %get3A_512 : vector<16xf32>
          %add3A_515 = arith.addf %get3A_509, %mul3A_514 : vector<16xf32>
          %pack3A_516 = tpu.pack_subelements %add3A_501, %add3A_515 {pack_format = #tpu.pack_format<interleaved>, positions = array<i32: 0, 1>} : vector<16xf32>, vector<16xf32> -> vector<32xbf16>
          %get3A_517 = arith.index_cast %squeeze3A_447 : i32 to index
          %get3A_518 = arith.constant 32 : index
          %get3A_519 = tpu.vector_load %arg12[%get3A_517, %get3A_518] {strides = array<i32>} : memref<648x128xbf16, #tpu.memory_space<vmem>>, vector<32xbf16>,
          %max3A_520 = arith.maximumf %get3A_519, %pack3A_516 : vector<32xbf16>
          %swap3A_521 = arith.index_cast %squeeze3A_447 : i32 to index
          %swap3A_522 = arith.constant 32 : index
          %swap3A_523 = tpu.vector_load %arg12[%swap3A_521, %swap3A_522] {strides = array<i32>} : memref<648x128xbf16, #tpu.memory_space<vmem>>, vector<32xbf16>,
          tpu.vector_store %arg12[%swap3A_521, %swap3A_522], %max3A_520 {strides = array<i32>} : memref<648x128xbf16, #tpu.memory_space<vmem>>, vector<32xbf16>,
          %mul3A_524 = arith.constant 16 : i32
          %mul3A_525 = arith.muli %add3A_220, %mul3A_524 : i32
          %add3A_526 = arith.constant 1 : i32
          %add3A_527 = arith.addi %mul3A_525, %add3A_526 : i32
          %get3A_528 = arith.index_cast %select_n3A_203 : i32 to index
          %get3A_529 = arith.index_cast %add3A_527 : i32 to index
          %get3A_530 = arith.constant 64 : index
          %get3A_531 = tpu.vector_load %arg11[%get3A_528, %get3A_529, %get3A_530] {strides = array<i32>} : memref<2x128x128xf32, #tpu.memory_space<vmem>>, vector<16xf32>,
          %get3A_532 = arith.index_cast %squeeze3A_449 : i32 to index
          %get3A_533 = arith.constant 64 : index
          %get3A_534 = tpu.vector_load %arg16[%get3A_532, %get3A_533] {strides = array<i32>} : memref<2x128xf32, #tpu.memory_space<vmem>>, vector<16xf32>,
          %mul3A_535 = vector.broadcast %squeeze3A_451 : f32 to vector<16xf32>
          %mul3A_536 = arith.mulf %mul3A_535, %get3A_534 : vector<16xf32>
          %add3A_537 = arith.addf %get3A_531, %mul3A_536 : vector<16xf32>
          %mul3A_538 = arith.constant 16 : i32
          %mul3A_539 = arith.muli %add3A_220, %mul3A_538 : i32
          %add3A_540 = arith.constant 1 : i32
          %add3A_541 = arith.addi %mul3A_539, %add3A_540 : i32
          %get3A_542 = arith.index_cast %select_n3A_203 : i32 to index
          %get3A_543 = arith.index_cast %add3A_541 : i32 to index
          %get3A_544 = arith.constant 80 : index
          %get3A_545 = tpu.vector_load %arg11[%get3A_542, %get3A_543, %get3A_544] {strides = array<i32>} : memref<2x128x128xf32, #tpu.memory_space<vmem>>, vector<16xf32>,
          %get3A_546 = arith.index_cast %squeeze3A_449 : i32 to index
          %get3A_547 = arith.constant 80 : index
          %get3A_548 = tpu.vector_load %arg16[%get3A_546, %get3A_547] {strides = array<i32>} : memref<2x128xf32, #tpu.memory_space<vmem>>, vector<16xf32>,
          %mul3A_549 = vector.broadcast %squeeze3A_451 : f32 to vector<16xf32>
          %mul3A_550 = arith.mulf %mul3A_549, %get3A_548 : vector<16xf32>
          %add3A_551 = arith.addf %get3A_545, %mul3A_550 : vector<16xf32>
          %pack3A_552 = tpu.pack_subelements %add3A_537, %add3A_551 {pack_format = #tpu.pack_format<interleaved>, positions = array<i32: 0, 1>} : vector<16xf32>, vector<16xf32> -> vector<32xbf16>
          %get3A_553 = arith.index_cast %squeeze3A_447 : i32 to index
          %get3A_554 = arith.constant 64 : index
          %get3A_555 = tpu.vector_load %arg12[%get3A_553, %get3A_554] {strides = array<i32>} : memref<648x128xbf16, #tpu.memory_space<vmem>>, vector<32xbf16>,
          %max3A_556 = arith.maximumf %get3A_555, %pack3A_552 : vector<32xbf16>
          %swap3A_557 = arith.index_cast %squeeze3A_447 : i32 to index
          %swap3A_558 = arith.constant 64 : index
          %swap3A_559 = tpu.vector_load %arg12[%swap3A_557, %swap3A_558] {strides = array<i32>} : memref<648x128xbf16, #tpu.memory_space<vmem>>, vector<32xbf16>,
          tpu.vector_store %arg12[%swap3A_557, %swap3A_558], %max3A_556 {strides = array<i32>} : memref<648x128xbf16, #tpu.memory_space<vmem>>, vector<32xbf16>,
          %mul3A_560 = arith.constant 16 : i32
          %mul3A_561 = arith.muli %add3A_220, %mul3A_560 : i32
          %add3A_562 = arith.constant 1 : i32
          %add3A_563 = arith.addi %mul3A_561, %add3A_562 : i32
          %get3A_564 = arith.index_cast %select_n3A_203 : i32 to index
          %get3A_565 = arith.index_cast %add3A_563 : i32 to index
          %get3A_566 = arith.constant 96 : index
          %get3A_567 = tpu.vector_load %arg11[%get3A_564, %get3A_565, %get3A_566] {strides = array<i32>} : memref<2x128x128xf32, #tpu.memory_space<vmem>>, vector<16xf32>,
          %get3A_568 = arith.index_cast %squeeze3A_449 : i32 to index
          %get3A_569 = arith.constant 96 : index
          %get3A_570 = tpu.vector_load %arg16[%get3A_568, %get3A_569] {strides = array<i32>} : memref<2x128xf32, #tpu.memory_space<vmem>>, vector<16xf32>,
          %mul3A_571 = vector.broadcast %squeeze3A_451 : f32 to vector<16xf32>
          %mul3A_572 = arith.mulf %mul3A_571, %get3A_570 : vector<16xf32>
          %add3A_573 = arith.addf %get3A_567, %mul3A_572 : vector<16xf32>
          %mul3A_574 = arith.constant 16 : i32
          %mul3A_575 = arith.muli %add3A_220, %mul3A_574 : i32
          %add3A_576 = arith.constant 1 : i32
          %add3A_577 = arith.addi %mul3A_575, %add3A_576 : i32
          %get3A_578 = arith.index_cast %select_n3A_203 : i32 to index
          %get3A_579 = arith.index_cast %add3A_577 : i32 to index
          %get3A_580 = arith.constant 112 : index
          %get3A_581 = tpu.vector_load %arg11[%get3A_578, %get3A_579, %get3A_580] {strides = array<i32>} : memref<2x128x128xf32, #tpu.memory_space<vmem>>, vector<16xf32>,
          %get3A_582 = arith.index_cast %squeeze3A_449 : i32 to index
          %get3A_583 = arith.constant 112 : index
          %get3A_584 = tpu.vector_load %arg16[%get3A_582, %get3A_583] {strides = array<i32>} : memref<2x128xf32, #tpu.memory_space<vmem>>, vector<16xf32>,
          %mul3A_585 = vector.broadcast %squeeze3A_451 : f32 to vector<16xf32>
          %mul3A_586 = arith.mulf %mul3A_585, %get3A_584 : vector<16xf32>
          %add3A_587 = arith.addf %get3A_581, %mul3A_586 : vector<16xf32>
          %pack3A_588 = tpu.pack_subelements %add3A_573, %add3A_587 {pack_format = #tpu.pack_format<interleaved>, positions = array<i32: 0, 1>} : vector<16xf32>, vector<16xf32> -> vector<32xbf16>
          %get3A_589 = arith.index_cast %squeeze3A_447 : i32 to index
          %get3A_590 = arith.constant 96 : index
          %get3A_591 = tpu.vector_load %arg12[%get3A_589, %get3A_590] {strides = array<i32>} : memref<648x128xbf16, #tpu.memory_space<vmem>>, vector<32xbf16>,
          %max3A_592 = arith.maximumf %get3A_591, %pack3A_588 : vector<32xbf16>
          %swap3A_593 = arith.index_cast %squeeze3A_447 : i32 to index
          %swap3A_594 = arith.constant 96 : index
          %swap3A_595 = tpu.vector_load %arg12[%swap3A_593, %swap3A_594] {strides = array<i32>} : memref<648x128xbf16, #tpu.memory_space<vmem>>, vector<32xbf16>,
          tpu.vector_store %arg12[%swap3A_593, %swap3A_594], %max3A_592 {strides = array<i32>} : memref<648x128xbf16, #tpu.memory_space<vmem>>, vector<32xbf16>,
        }
        %scan3A_208 = arith.constant 8 : i32
        %add3A_209 = arith.constant 2 : i32
        %add3A_210 = arith.addi %while3A_145, %add3A_209 : i32
        %lt3A_211 = arith.cmpi slt, %add3A_210, %select_n3A : i32
        %convert_element_type3A_212 = arith.extui %lt3A_211 : i1 to i32
        %cond3A_213 = arith.constant 0 : i32
        %cond3A_214 = arith.cmpi ne, %convert_element_type3A_212, %cond3A_213 : i32
        scf.if %cond3A_214 {
          %add3A_216 = arith.constant 2 : i32
          %add3A_217 = arith.addi %while3A_145, %add3A_216 : i32
          %jit3A_218 = arith.constant 2 : i32
          %eq3A_219 = arith.constant 0 : i32
          %eq3A_220 = arith.cmpi eq, %jit3A_218, %eq3A_219 : i32
          %jit3A_221 = arith.constant 1 : i32
          %select_n3A_222 = arith.select %eq3A_220, %jit3A_221, %jit3A_218 : i32
          %rem3A_223 = arith.remsi %add3A_217, %select_n3A_222 : i32
          %ne3A_224 = arith.constant 0 : i32
          %ne3A_225 = arith.cmpi ne, %rem3A_223, %ne3A_224 : i32
          %lt3A_226 = arith.constant 0 : i32
          %lt3A_227 = arith.cmpi slt, %rem3A_223, %lt3A_226 : i32
          %lt3A_228 = arith.constant 0 : i32
          %lt3A_229 = arith.cmpi slt, %select_n3A_222, %lt3A_228 : i32
          %ne3A_230 = arith.xori %lt3A_227, %lt3A_229 : i1
          %and3A_231 = arith.andi %ne3A_230, %ne3A_225 : i1
          %add3A_232 = arith.addi %rem3A_223, %select_n3A_222 : i32
          %select_n3A_233 = arith.select %and3A_231, %add3A_232, %rem3A_223 : i32
          %mul3A_234 = arith.constant 128 : i32
          %mul3A_235 = arith.muli %add3A_217, %mul3A_234 : i32
          %dma_start3A_236 = arith.constant 0 : i32
          %dma_start3A_237 = arith.constant 0 : i32
          %dma_start3A_238 = tpu.memref_slice %arg11[%select_n3A_233, %dma_start3A_236, %dma_start3A_237] : memref<2x128x128xf32, #tpu.memory_space<vmem>> -> memref<1x128x128xf32, #tpu.memory_space<vmem>>
          %dma_start3A_239 = tpu.memref_squeeze %dma_start3A_238 : memref<1x128x128xf32, #tpu.memory_space<vmem>> -> memref<128x128xf32, #tpu.memory_space<vmem>>
          %dma_start3A_240 = tpu.memref_slice %arg10[%mul3A_235] : memref<6528xi32, #tpu.memory_space<vmem>> -> memref<128xi32, #tpu.memory_space<vmem>>
          %dma_start3A_241 = arith.constant 0 : i32
          %dma_start3A_242 = arith.constant 0 : i32
          %dma_start3A_243 = tpu.memref_slice %arg2[%dma_start3A_241, %dma_start3A_242] : memref<20480x128xf32, #tpu.memory_space<hbm>> -> memref<20480x128xf32, #tpu.memory_space<hbm>>
          %dma_start3A_244 = tpu.memref_slice %arg18[%select_n3A_233] : memref<2x!tpu.dma_semaphore, #tpu.memory_space<semaphore_mem>> -> memref<1x!tpu.dma_semaphore, #tpu.memory_space<semaphore_mem>>
          %dma_start3A_245 = tpu.memref_squeeze %dma_start3A_244 : memref<1x!tpu.dma_semaphore, #tpu.memory_space<semaphore_mem>> -> memref<!tpu.dma_semaphore, #tpu.memory_space<semaphore_mem>>
          tpu.enqueue_indirect_dma source(%dma_start3A_243 : memref<20480x128xf32, #tpu.memory_space<hbm>>) target(%dma_start3A_239 : memref<128x128xf32, #tpu.memory_space<vmem>>) offsets(%dma_start3A_240 : memref<128xi32, #tpu.memory_space<vmem>>) semaphore(%dma_start3A_245 : memref<!tpu.dma_semaphore, #tpu.memory_space<semaphore_mem>>)
        } else {
        }
        %while3A_215 = arith.constant 0 : i32
        scf.yield %while3A_215 : i32
      }
      %while3A_142 = arith.constant 1 : i32
      %while3A_143 = scf.for %while3A_145 = %while3A_139 to %while3A_135 step %while3A_142 iter_args(%while3A_146 = %while3A_141) -> (i32)  : i32 {
        %mul3A_147 = arith.constant 128 : i32
        %mul3A_148 = arith.muli %while3A_145, %mul3A_147 : i32
        %jit3A_149 = arith.constant 2 : i32
        %eq3A = arith.constant 0 : i32
        %eq3A_150 = arith.cmpi eq, %jit3A_149, %eq3A : i32
        %jit3A_151 = arith.constant 1 : i32
        %select_n3A_152 = arith.select %eq3A_150, %jit3A_151, %jit3A_149 : i32
        %rem3A_153 = arith.remsi %while3A_145, %select_n3A_152 : i32
        %ne3A_154 = arith.constant 0 : i32
        %ne3A_155 = arith.cmpi ne, %rem3A_153, %ne3A_154 : i32
        %lt3A = arith.constant 0 : i32
        %lt3A_156 = arith.cmpi slt, %rem3A_153, %lt3A : i32
        %lt3A_157 = arith.constant 0 : i32
        %lt3A_158 = arith.cmpi slt, %select_n3A_152, %lt3A_157 : i32
        %ne3A_159 = arith.xori %lt3A_156, %lt3A_158 : i1
        %and3A_160 = arith.andi %ne3A_159, %ne3A_155 : i1
        %add3A_161 = arith.addi %rem3A_153, %select_n3A_152 : i32
        %select_n3A_162 = arith.select %and3A_160, %add3A_161, %rem3A_153 : i32
        %jit3A_163 = arith.constant 2 : i32
        %eq3A_164 = arith.constant 0 : i32
        %eq3A_165 = arith.cmpi eq, %jit3A_163, %eq3A_164 : i32
        %jit3A_166 = arith.constant 1 : i32
        %select_n3A_167 = arith.select %eq3A_165, %jit3A_166, %jit3A_163 : i32
        %rem3A_168 = arith.remsi %while3A_145, %select_n3A_167 : i32
        %ne3A_169 = arith.constant 0 : i32
        %ne3A_170 = arith.cmpi ne, %rem3A_168, %ne3A_169 : i32
        %lt3A_171 = arith.constant 0 : i32
        %lt3A_172 = arith.cmpi slt, %rem3A_168, %lt3A_171 : i32
        %lt3A_173 = arith.constant 0 : i32
        %lt3A_174 = arith.cmpi slt, %select_n3A_167, %lt3A_173 : i32
        %ne3A_175 = arith.xori %lt3A_172, %lt3A_174 : i1
        %and3A_176 = arith.andi %ne3A_175, %ne3A_170 : i1
        %add3A_177 = arith.addi %rem3A_168, %select_n3A_167 : i32
        %select_n3A_178 = arith.select %and3A_176, %add3A_177, %rem3A_168 : i32
        %dma_wait3A = arith.constant 0 : i32
        %dma_wait3A_179 = arith.constant 0 : i32
        %dma_wait3A_180 = tpu.memref_slice %arg11[%select_n3A_162, %dma_wait3A, %dma_wait3A_179] : memref<2x128x128xf32, #tpu.memory_space<vmem>> -> memref<1x128x128xf32, #tpu.memory_space<vmem>>
        %dma_wait3A_181 = tpu.memref_squeeze %dma_wait3A_180 : memref<1x128x128xf32, #tpu.memory_space<vmem>> -> memref<128x128xf32, #tpu.memory_space<vmem>>
        %dma_wait3A_182 = tpu.memref_slice %arg10[%mul3A_148] : memref<6528xi32, #tpu.memory_space<vmem>> -> memref<128xi32, #tpu.memory_space<vmem>>
        %dma_wait3A_183 = arith.constant 0 : i32
        %dma_wait3A_184 = arith.constant 0 : i32
        %dma_wait3A_185 = tpu.memref_slice %arg2[%dma_wait3A_183, %dma_wait3A_184] : memref<20480x128xf32, #tpu.memory_space<hbm>> -> memref<20480x128xf32, #tpu.memory_space<hbm>>
        %dma_wait3A_186 = tpu.memref_slice %arg18[%select_n3A_178] : memref<2x!tpu.dma_semaphore, #tpu.memory_space<semaphore_mem>> -> memref<1x!tpu.dma_semaphore, #tpu.memory_space<semaphore_mem>>
        %dma_wait3A_187 = tpu.memref_squeeze %dma_wait3A_186 : memref<1x!tpu.dma_semaphore, #tpu.memory_space<semaphore_mem>> -> memref<!tpu.dma_semaphore, #tpu.memory_space<semaphore_mem>>
        tpu.wait_indirect_dma semaphore(%dma_wait3A_187 : memref<!tpu.dma_semaphore, #tpu.memory_space<semaphore_mem>>) src(%dma_wait3A_185 : memref<20480x128xf32, #tpu.memory_space<hbm>>) dst(%dma_wait3A_181 : memref<128x128xf32, #tpu.memory_space<vmem>>)
        %jit3A_188 = arith.constant 2 : i32
        %eq3A_189 = arith.constant 0 : i32
        %eq3A_190 = arith.cmpi eq, %jit3A_188, %eq3A_189 : i32
        %jit3A_191 = arith.constant 1 : i32
        %select_n3A_192 = arith.select %eq3A_190, %jit3A_191, %jit3A_188 : i32
        %rem3A_193 = arith.remsi %while3A_145, %select_n3A_192 : i32
        %ne3A_194 = arith.constant 0 : i32
        %ne3A_195 = arith.cmpi ne, %rem3A_193, %ne3A_194 : i32
        %lt3A_196 = arith.constant 0 : i32
        %lt3A_197 = arith.cmpi slt, %rem3A_193, %lt3A_196 : i32
        %lt3A_198 = arith.constant 0 : i32
        %lt3A_199 = arith.cmpi slt, %select_n3A_192, %lt3A_198 : i32
        %ne3A_200 = arith.xori %lt3A_197, %lt3A_199 : i1
        %and3A_201 = arith.andi %ne3A_200, %ne3A_195 : i1
        %add3A_202 = arith.addi %rem3A_193, %select_n3A_192 : i32
        %select_n3A_203 = arith.select %and3A_201, %add3A_202, %rem3A_193 : i32
        %scan3A_204 = arith.constant 0 : i32
        %scan3A_205 = arith.constant 8 : i32
        %scan3A_206 = arith.addi %scan3A_204, %scan3A_205 : i32
        %scan3A_207 = arith.constant 1 : i32
        scf.for %scan3A_216 = %scan3A_204 to %scan3A_206 step %scan3A_207  : i32 {
          %mul3A_217 = arith.constant 1 : i32
          %mul3A_218 = arith.muli %scan3A_216, %mul3A_217 : i32
          %add3A_219 = arith.constant 0 : i32
          %add3A_220 = arith.addi %add3A_219, %mul3A_218 : i32
          %mul3A_221 = arith.constant 128 : i32
          %mul3A_222 = arith.muli %while3A_145, %mul3A_221 : i32
          %mul3A_223 = arith.constant 16 : i32
          %mul3A_224 = arith.muli %add3A_220, %mul3A_223 : i32
          %add3A_225 = arith.addi %mul3A_222, %mul3A_224 : i32
          %get3A = arith.index_cast %add3A_225 : i32 to index
          %get3A_226 = tpu.vector_load %arg9[%get3A] {strides = array<i32>} : memref<6528xi32, #tpu.memory_space<vmem>>, vector<16xi32>,
          %shift_right_arithmetic3A = arith.constant 14 : i32
          %shift_right_arithmetic3A_227 = vector.broadcast %shift_right_arithmetic3A : i32 to vector<16xi32>
          %shift_right_arithmetic3A_228 = arith.shrsi %get3A_226, %shift_right_arithmetic3A_227 : vector<16xi32>
          %and3A_229 = arith.constant 16383 : i32
          %and3A_230 = vector.broadcast %and3A_229 : i32 to vector<16xi32>
          %and3A_231 = arith.andi %get3A_226, %and3A_230 : vector<16xi32>
          %ge3A = arith.constant 10240 : i32
          %ge3A_232 = vector.broadcast %ge3A : i32 to vector<16xi32>
          %ge3A_233 = arith.cmpi sge, %shift_right_arithmetic3A_228, %ge3A_232 : vector<16xi32>
          %convert_element_type3A_234 = arith.extui %ge3A_233 : vector<16xi1> to vector<16xi32>
          %add3A_235 = vector.broadcast %add3A_225 : i32 to vector<16xi32>
          %add3A_236 = arith.addi %add3A_235, %iota3A : vector<16xi32>
          %lt3A_237 = vector.broadcast %scan3A_39 : i32 to vector<16xi32>
          %lt3A_238 = arith.cmpi slt, %add3A_236, %lt3A_237 : vector<16xi32>
          %mul3A_239 = arith.constant 320 : i32
          %mul3A_240 = vector.broadcast %mul3A_239 : i32 to vector<16xi32>
          %mul3A_241 = arith.muli %convert_element_type3A_234, %mul3A_240 : vector<16xi32>
          %sub3A_242 = vector.broadcast %mul3A_2 : i32 to vector<16xi32>
          %sub3A_243 = arith.subi %and3A_231, %sub3A_242 : vector<16xi32>
          %add3A_244 = arith.addi %mul3A_241, %sub3A_243 : vector<16xi32>
          %jit3A_245 = arith.constant 640 : i32
          %broadcast_in_dim3A_246 = vector.broadcast %jit3A_245 : i32 to vector<16xi32>
          %select_n3A_247 = arith.select %lt3A_238, %add3A_244, %broadcast_in_dim3A_246 : vector<16xi1>, vector<16xi32>
          %mul3A_248 = arith.constant 10240 : i32
          %mul3A_249 = vector.broadcast %mul3A_248 : i32 to vector<16xi32>
          %mul3A_250 = arith.muli %convert_element_type3A_234, %mul3A_249 : vector<16xi32>
          %sub3A_251 = arith.subi %shift_right_arithmetic3A_228, %mul3A_250 : vector<16xi32>
          %gather3A = tpu.vector_load_idx %arg13[%and3A_231] : memref<10240xf32, #tpu.memory_space<vmem>>[vector<16xi32>], vector<16xf32>,
          %gather3A_252 = tpu.vector_load_idx %arg13[%sub3A_251] : memref<10240xf32, #tpu.memory_space<vmem>>[vector<16xi32>], vector<16xf32>,
          %sub3A_253 = arith.subf %gather3A, %gather3A_252 : vector<16xf32>
          %gather3A_254 = tpu.vector_load_idx %arg14[%and3A_231] : memref<10240xf32, #tpu.memory_space<vmem>>[vector<16xi32>], vector<16xf32>,
          %gather3A_255 = tpu.vector_load_idx %arg14[%sub3A_251] : memref<10240xf32, #tpu.memory_space<vmem>>[vector<16xi32>], vector<16xf32>,
          %sub3A_256 = arith.subf %gather3A_254, %gather3A_255 : vector<16xf32>
          %gather3A_257 = tpu.vector_load_idx %arg15[%and3A_231] : memref<10240xf32, #tpu.memory_space<vmem>>[vector<16xi32>], vector<16xf32>,
          %gather3A_258 = tpu.vector_load_idx %arg15[%sub3A_251] : memref<10240xf32, #tpu.memory_space<vmem>>[vector<16xi32>], vector<16xf32>,
          %sub3A_259 = arith.subf %gather3A_257, %gather3A_258 : vector<16xf32>
          %mul3A_260 = arith.mulf %sub3A_253, %sub3A_253 : vector<16xf32>
          %mul3A_261 = arith.mulf %sub3A_256, %sub3A_256 : vector<16xf32>
          %add3A_262 = arith.addf %mul3A_260, %mul3A_261 : vector<16xf32>
          %mul3A_263 = arith.mulf %sub3A_259, %sub3A_259 : vector<16xf32>
          %add3A_264 = arith.addf %add3A_262, %mul3A_263 : vector<16xf32>
          %bitcast3A = vector.bitcast %add3A_264 : vector<16xf32> to vector<16xi32>
          %shift_right_arithmetic3A_265 = arith.constant 1 : i32
          %shift_right_arithmetic3A_266 = vector.broadcast %shift_right_arithmetic3A_265 : i32 to vector<16xi32>
          %shift_right_arithmetic3A_267 = arith.shrsi %bitcast3A, %shift_right_arithmetic3A_266 : vector<16xi32>
          %sub3A_268 = arith.constant 1597463007 : i32
          %sub3A_269 = vector.broadcast %sub3A_268 : i32 to vector<16xi32>
          %sub3A_270 = arith.subi %sub3A_269, %shift_right_arithmetic3A_267 : vector<16xi32>
          %bitcast3A_271 = vector.bitcast %sub3A_270 : vector<16xi32> to vector<16xf32>
          %mul3A_272 = arith.constant 5.000000e-01 : f32
          %mul3A_273 = vector.broadcast %mul3A_272 : f32 to vector<16xf32>
          %mul3A_274 = arith.mulf %add3A_264, %mul3A_273 : vector<16xf32>
          %mul3A_275 = arith.mulf %mul3A_274, %bitcast3A_271 : vector<16xf32>
          %mul3A_276 = arith.mulf %mul3A_275, %bitcast3A_271 : vector<16xf32>
          %sub3A_277 = arith.constant 1.500000e+00 : f32
          %sub3A_278 = vector.broadcast %sub3A_277 : f32 to vector<16xf32>
          %sub3A_279 = arith.subf %sub3A_278, %mul3A_276 : vector<16xf32>
          %mul3A_280 = arith.mulf %bitcast3A_271, %sub3A_279 : vector<16xf32>
          %mul3A_281 = arith.mulf %mul3A_274, %mul3A_280 : vector<16xf32>
          %mul3A_282 = arith.mulf %mul3A_281, %mul3A_280 : vector<16xf32>
          %sub3A_283 = arith.constant 1.500000e+00 : f32
          %sub3A_284 = vector.broadcast %sub3A_283 : f32 to vector<16xf32>
          %sub3A_285 = arith.subf %sub3A_284, %mul3A_282 : vector<16xf32>
          %mul3A_286 = arith.mulf %mul3A_280, %sub3A_285 : vector<16xf32>
          %mul3A_287 = arith.mulf %mul3A_274, %mul3A_286 : vector<16xf32>
          %mul3A_288 = arith.mulf %mul3A_287, %mul3A_286 : vector<16xf32>
          %sub3A_289 = arith.constant 1.500000e+00 : f32
          %sub3A_290 = vector.broadcast %sub3A_289 : f32 to vector<16xf32>
          %sub3A_291 = arith.subf %sub3A_290, %mul3A_288 : vector<16xf32>
          %mul3A_292 = arith.mulf %mul3A_286, %sub3A_291 : vector<16xf32>
          %lt3A_293 = arith.constant 1.000000e-30 : f32
          %lt3A_294 = vector.broadcast %lt3A_293 : f32 to vector<16xf32>
          %lt3A_295 = arith.cmpf olt, %add3A_264, %lt3A_294 : vector<16xf32>
          %mul3A_296 = arith.mulf %add3A_264, %mul3A_292 : vector<16xf32>
          %jit3A_297 = arith.constant 0.000000e+00 : f32
          %broadcast_in_dim3A_298 = vector.broadcast %jit3A_297 : f32 to vector<16xf32>
          %select_n3A_299 = arith.select %lt3A_295, %broadcast_in_dim3A_298, %mul3A_296 : vector<16xi1>, vector<16xf32>
          %slice3A = vector.extract_strided_slice %select_n3A_247 {offsets = [0], sizes = [1], strides = [1]} : vector<16xi32> to vector<1xi32>
          %squeeze3A = vector.extract %slice3A[0] : i32 from vector<1xi32>
          %slice3A_300 = vector.extract_strided_slice %convert_element_type3A_234 {offsets = [0], sizes = [1], strides = [1]} : vector<16xi32> to vector<1xi32>
          %squeeze3A_301 = vector.extract %slice3A_300[0] : i32 from vector<1xi32>
          %slice3A_302 = vector.extract_strided_slice %select_n3A_299 {offsets = [0], sizes = [1], strides = [1]} : vector<16xf32> to vector<1xf32>
          %squeeze3A_303 = vector.extract %slice3A_302[0] : f32 from vector<1xf32>
          %mul3A_304 = arith.constant 16 : i32
          %mul3A_305 = arith.muli %add3A_220, %mul3A_304 : i32
          %add3A_306 = arith.constant 0 : i32
          %add3A_307 = arith.addi %mul3A_305, %add3A_306 : i32
          %get3A_308 = arith.index_cast %select_n3A_203 : i32 to index
          %get3A_309 = arith.index_cast %add3A_307 : i32 to index
          %get3A_310 = arith.constant 0 : index
          %get3A_311 = tpu.vector_load %arg11[%get3A_308, %get3A_309, %get3A_310] {strides = array<i32>} : memref<2x128x128xf32, #tpu.memory_space<vmem>>, vector<16xf32>,
          %get3A_312 = arith.index_cast %squeeze3A_301 : i32 to index
          %get3A_313 = arith.constant 0 : index
          %get3A_314 = tpu.vector_load %arg16[%get3A_312, %get3A_313] {strides = array<i32>} : memref<2x128xf32, #tpu.memory_space<vmem>>, vector<16xf32>,
          %mul3A_315 = vector.broadcast %squeeze3A_303 : f32 to vector<16xf32>
          %mul3A_316 = arith.mulf %mul3A_315, %get3A_314 : vector<16xf32>
          %add3A_317 = arith.addf %get3A_311, %mul3A_316 : vector<16xf32>
          %mul3A_318 = arith.constant 16 : i32
          %mul3A_319 = arith.muli %add3A_220, %mul3A_318 : i32
          %add3A_320 = arith.constant 0 : i32
          %add3A_321 = arith.addi %mul3A_319, %add3A_320 : i32
          %get3A_322 = arith.index_cast %select_n3A_203 : i32 to index
          %get3A_323 = arith.index_cast %add3A_321 : i32 to index
          %get3A_324 = arith.constant 16 : index
          %get3A_325 = tpu.vector_load %arg11[%get3A_322, %get3A_323, %get3A_324] {strides = array<i32>} : memref<2x128x128xf32, #tpu.memory_space<vmem>>, vector<16xf32>,
          %get3A_326 = arith.index_cast %squeeze3A_301 : i32 to index
          %get3A_327 = arith.constant 16 : index
          %get3A_328 = tpu.vector_load %arg16[%get3A_326, %get3A_327] {strides = array<i32>} : memref<2x128xf32, #tpu.memory_space<vmem>>, vector<16xf32>,
          %mul3A_329 = vector.broadcast %squeeze3A_303 : f32 to vector<16xf32>
          %mul3A_330 = arith.mulf %mul3A_329, %get3A_328 : vector<16xf32>
          %add3A_331 = arith.addf %get3A_325, %mul3A_330 : vector<16xf32>
          %pack3A = tpu.pack_subelements %add3A_317, %add3A_331 {pack_format = #tpu.pack_format<interleaved>, positions = array<i32: 0, 1>} : vector<16xf32>, vector<16xf32> -> vector<32xbf16>
          %get3A_332 = arith.index_cast %squeeze3A : i32 to index
          %get3A_333 = arith.constant 0 : index
          %get3A_334 = tpu.vector_load %arg12[%get3A_332, %get3A_333] {strides = array<i32>} : memref<648x128xbf16, #tpu.memory_space<vmem>>, vector<32xbf16>,
          %max3A = arith.maximumf %get3A_334, %pack3A : vector<32xbf16>
          %swap3A_335 = arith.index_cast %squeeze3A : i32 to index
          %swap3A_336 = arith.constant 0 : index
          %swap3A_337 = tpu.vector_load %arg12[%swap3A_335, %swap3A_336] {strides = array<i32>} : memref<648x128xbf16, #tpu.memory_space<vmem>>, vector<32xbf16>,
          tpu.vector_store %arg12[%swap3A_335, %swap3A_336], %max3A {strides = array<i32>} : memref<648x128xbf16, #tpu.memory_space<vmem>>, vector<32xbf16>,
          %mul3A_338 = arith.constant 16 : i32
          %mul3A_339 = arith.muli %add3A_220, %mul3A_338 : i32
          %add3A_340 = arith.constant 0 : i32
          %add3A_341 = arith.addi %mul3A_339, %add3A_340 : i32
          %get3A_342 = arith.index_cast %select_n3A_203 : i32 to index
          %get3A_343 = arith.index_cast %add3A_341 : i32 to index
          %get3A_344 = arith.constant 32 : index
          %get3A_345 = tpu.vector_load %arg11[%get3A_342, %get3A_343, %get3A_344] {strides = array<i32>} : memref<2x128x128xf32, #tpu.memory_space<vmem>>, vector<16xf32>,
          %get3A_346 = arith.index_cast %squeeze3A_301 : i32 to index
          %get3A_347 = arith.constant 32 : index
          %get3A_348 = tpu.vector_load %arg16[%get3A_346, %get3A_347] {strides = array<i32>} : memref<2x128xf32, #tpu.memory_space<vmem>>, vector<16xf32>,
          %mul3A_349 = vector.broadcast %squeeze3A_303 : f32 to vector<16xf32>
          %mul3A_350 = arith.mulf %mul3A_349, %get3A_348 : vector<16xf32>
          %add3A_351 = arith.addf %get3A_345, %mul3A_350 : vector<16xf32>
          %mul3A_352 = arith.constant 16 : i32
          %mul3A_353 = arith.muli %add3A_220, %mul3A_352 : i32
          %add3A_354 = arith.constant 0 : i32
          %add3A_355 = arith.addi %mul3A_353, %add3A_354 : i32
          %get3A_356 = arith.index_cast %select_n3A_203 : i32 to index
          %get3A_357 = arith.index_cast %add3A_355 : i32 to index
          %get3A_358 = arith.constant 48 : index
          %get3A_359 = tpu.vector_load %arg11[%get3A_356, %get3A_357, %get3A_358] {strides = array<i32>} : memref<2x128x128xf32, #tpu.memory_space<vmem>>, vector<16xf32>,
          %get3A_360 = arith.index_cast %squeeze3A_301 : i32 to index
          %get3A_361 = arith.constant 48 : index
          %get3A_362 = tpu.vector_load %arg16[%get3A_360, %get3A_361] {strides = array<i32>} : memref<2x128xf32, #tpu.memory_space<vmem>>, vector<16xf32>,
          %mul3A_363 = vector.broadcast %squeeze3A_303 : f32 to vector<16xf32>
          %mul3A_364 = arith.mulf %mul3A_363, %get3A_362 : vector<16xf32>
          %add3A_365 = arith.addf %get3A_359, %mul3A_364 : vector<16xf32>
          %pack3A_366 = tpu.pack_subelements %add3A_351, %add3A_365 {pack_format = #tpu.pack_format<interleaved>, positions = array<i32: 0, 1>} : vector<16xf32>, vector<16xf32> -> vector<32xbf16>
          %get3A_367 = arith.index_cast %squeeze3A : i32 to index
          %get3A_368 = arith.constant 32 : index
          %get3A_369 = tpu.vector_load %arg12[%get3A_367, %get3A_368] {strides = array<i32>} : memref<648x128xbf16, #tpu.memory_space<vmem>>, vector<32xbf16>,
          %max3A_370 = arith.maximumf %get3A_369, %pack3A_366 : vector<32xbf16>
          %swap3A_371 = arith.index_cast %squeeze3A : i32 to index
          %swap3A_372 = arith.constant 32 : index
          %swap3A_373 = tpu.vector_load %arg12[%swap3A_371, %swap3A_372] {strides = array<i32>} : memref<648x128xbf16, #tpu.memory_space<vmem>>, vector<32xbf16>,
          tpu.vector_store %arg12[%swap3A_371, %swap3A_372], %max3A_370 {strides = array<i32>} : memref<648x128xbf16, #tpu.memory_space<vmem>>, vector<32xbf16>,
          %mul3A_374 = arith.constant 16 : i32
          %mul3A_375 = arith.muli %add3A_220, %mul3A_374 : i32
          %add3A_376 = arith.constant 0 : i32
          %add3A_377 = arith.addi %mul3A_375, %add3A_376 : i32
          %get3A_378 = arith.index_cast %select_n3A_203 : i32 to index
          %get3A_379 = arith.index_cast %add3A_377 : i32 to index
          %get3A_380 = arith.constant 64 : index
          %get3A_381 = tpu.vector_load %arg11[%get3A_378, %get3A_379, %get3A_380] {strides = array<i32>} : memref<2x128x128xf32, #tpu.memory_space<vmem>>, vector<16xf32>,
          %get3A_382 = arith.index_cast %squeeze3A_301 : i32 to index
          %get3A_383 = arith.constant 64 : index
          %get3A_384 = tpu.vector_load %arg16[%get3A_382, %get3A_383] {strides = array<i32>} : memref<2x128xf32, #tpu.memory_space<vmem>>, vector<16xf32>,
          %mul3A_385 = vector.broadcast %squeeze3A_303 : f32 to vector<16xf32>
          %mul3A_386 = arith.mulf %mul3A_385, %get3A_384 : vector<16xf32>
          %add3A_387 = arith.addf %get3A_381, %mul3A_386 : vector<16xf32>
          %mul3A_388 = arith.constant 16 : i32
          %mul3A_389 = arith.muli %add3A_220, %mul3A_388 : i32
          %add3A_390 = arith.constant 0 : i32
          %add3A_391 = arith.addi %mul3A_389, %add3A_390 : i32
          %get3A_392 = arith.index_cast %select_n3A_203 : i32 to index
          %get3A_393 = arith.index_cast %add3A_391 : i32 to index
          %get3A_394 = arith.constant 80 : index
          %get3A_395 = tpu.vector_load %arg11[%get3A_392, %get3A_393, %get3A_394] {strides = array<i32>} : memref<2x128x128xf32, #tpu.memory_space<vmem>>, vector<16xf32>,
          %get3A_396 = arith.index_cast %squeeze3A_301 : i32 to index
          %get3A_397 = arith.constant 80 : index
          %get3A_398 = tpu.vector_load %arg16[%get3A_396, %get3A_397] {strides = array<i32>} : memref<2x128xf32, #tpu.memory_space<vmem>>, vector<16xf32>,
          %mul3A_399 = vector.broadcast %squeeze3A_303 : f32 to vector<16xf32>
          %mul3A_400 = arith.mulf %mul3A_399, %get3A_398 : vector<16xf32>
          %add3A_401 = arith.addf %get3A_395, %mul3A_400 : vector<16xf32>
          %pack3A_402 = tpu.pack_subelements %add3A_387, %add3A_401 {pack_format = #tpu.pack_format<interleaved>, positions = array<i32: 0, 1>} : vector<16xf32>, vector<16xf32> -> vector<32xbf16>
          %get3A_403 = arith.index_cast %squeeze3A : i32 to index
          %get3A_404 = arith.constant 64 : index
          %get3A_405 = tpu.vector_load %arg12[%get3A_403, %get3A_404] {strides = array<i32>} : memref<648x128xbf16, #tpu.memory_space<vmem>>, vector<32xbf16>,
          %max3A_406 = arith.maximumf %get3A_405, %pack3A_402 : vector<32xbf16>
          %swap3A_407 = arith.index_cast %squeeze3A : i32 to index
          %swap3A_408 = arith.constant 64 : index
          %swap3A_409 = tpu.vector_load %arg12[%swap3A_407, %swap3A_408] {strides = array<i32>} : memref<648x128xbf16, #tpu.memory_space<vmem>>, vector<32xbf16>,
          tpu.vector_store %arg12[%swap3A_407, %swap3A_408], %max3A_406 {strides = array<i32>} : memref<648x128xbf16, #tpu.memory_space<vmem>>, vector<32xbf16>,
          %mul3A_410 = arith.constant 16 : i32
          %mul3A_411 = arith.muli %add3A_220, %mul3A_410 : i32
          %add3A_412 = arith.constant 0 : i32
          %add3A_413 = arith.addi %mul3A_411, %add3A_412 : i32
          %get3A_414 = arith.index_cast %select_n3A_203 : i32 to index
          %get3A_415 = arith.index_cast %add3A_413 : i32 to index
          %get3A_416 = arith.constant 96 : index
          %get3A_417 = tpu.vector_load %arg11[%get3A_414, %get3A_415, %get3A_416] {strides = array<i32>} : memref<2x128x128xf32, #tpu.memory_space<vmem>>, vector<16xf32>,
          %get3A_418 = arith.index_cast %squeeze3A_301 : i32 to index
          %get3A_419 = arith.constant 96 : index
          %get3A_420 = tpu.vector_load %arg16[%get3A_418, %get3A_419] {strides = array<i32>} : memref<2x128xf32, #tpu.memory_space<vmem>>, vector<16xf32>,
          %mul3A_421 = vector.broadcast %squeeze3A_303 : f32 to vector<16xf32>
          %mul3A_422 = arith.mulf %mul3A_421, %get3A_420 : vector<16xf32>
          %add3A_423 = arith.addf %get3A_417, %mul3A_422 : vector<16xf32>
          %mul3A_424 = arith.constant 16 : i32
          %mul3A_425 = arith.muli %add3A_220, %mul3A_424 : i32
          %add3A_426 = arith.constant 0 : i32
          %add3A_427 = arith.addi %mul3A_425, %add3A_426 : i32
          %get3A_428 = arith.index_cast %select_n3A_203 : i32 to index
          %get3A_429 = arith.index_cast %add3A_427 : i32 to index
          %get3A_430 = arith.constant 112 : index
          %get3A_431 = tpu.vector_load %arg11[%get3A_428, %get3A_429, %get3A_430] {strides = array<i32>} : memref<2x128x128xf32, #tpu.memory_space<vmem>>, vector<16xf32>,
          %get3A_432 = arith.index_cast %squeeze3A_301 : i32 to index
          %get3A_433 = arith.constant 112 : index
          %get3A_434 = tpu.vector_load %arg16[%get3A_432, %get3A_433] {strides = array<i32>} : memref<2x128xf32, #tpu.memory_space<vmem>>, vector<16xf32>,
          %mul3A_435 = vector.broadcast %squeeze3A_303 : f32 to vector<16xf32>
          %mul3A_436 = arith.mulf %mul3A_435, %get3A_434 : vector<16xf32>
          %add3A_437 = arith.addf %get3A_431, %mul3A_436 : vector<16xf32>
          %pack3A_438 = tpu.pack_subelements %add3A_423, %add3A_437 {pack_format = #tpu.pack_format<interleaved>, positions = array<i32: 0, 1>} : vector<16xf32>, vector<16xf32> -> vector<32xbf16>
          %get3A_439 = arith.index_cast %squeeze3A : i32 to index
          %get3A_440 = arith.constant 96 : index
          %get3A_441 = tpu.vector_load %arg12[%get3A_439, %get3A_440] {strides = array<i32>} : memref<648x128xbf16, #tpu.memory_space<vmem>>, vector<32xbf16>,
          %max3A_442 = arith.maximumf %get3A_441, %pack3A_438 : vector<32xbf16>
          %swap3A_443 = arith.index_cast %squeeze3A : i32 to index
          %swap3A_444 = arith.constant 96 : index
          %swap3A_445 = tpu.vector_load %arg12[%swap3A_443, %swap3A_444] {strides = array<i32>} : memref<648x128xbf16, #tpu.memory_space<vmem>>, vector<32xbf16>,
          tpu.vector_store %arg12[%swap3A_443, %swap3A_444], %max3A_442 {strides = array<i32>} : memref<648x128xbf16, #tpu.memory_space<vmem>>, vector<32xbf16>,
          %slice3A_446 = vector.extract_strided_slice %select_n3A_247 {offsets = [1], sizes = [1], strides = [1]} : vector<16xi32> to vector<1xi32>
          %squeeze3A_447 = vector.extract %slice3A_446[0] : i32 from vector<1xi32>
          %slice3A_448 = vector.extract_strided_slice %convert_element_type3A_234 {offsets = [1], sizes = [1], strides = [1]} : vector<16xi32> to vector<1xi32>
          %squeeze3A_449 = vector.extract %slice3A_448[0] : i32 from vector<1xi32>
          %slice3A_450 = vector.extract_strided_slice %select_n3A_299 {offsets = [1], sizes = [1], strides = [1]} : vector<16xf32> to vector<1xf32>
          %squeeze3A_451 = vector.extract %slice3A_450[0] : f32 from vector<1xf32>
          %mul3A_452 = arith.constant 16 : i32
          %mul3A_453 = arith.muli %add3A_220, %mul3A_452 : i32
          %add3A_454 = arith.constant 1 : i32
          %add3A_455 = arith.addi %mul3A_453, %add3A_454 : i32
          %get3A_456 = arith.index_cast %select_n3A_203 : i32 to index
          %get3A_457 = arith.index_cast %add3A_455 : i32 to index
          %get3A_458 = arith.constant 0 : index
          %get3A_459 = tpu.vector_load %arg11[%get3A_456, %get3A_457, %get3A_458] {strides = array<i32>} : memref<2x128x128xf32, #tpu.memory_space<vmem>>, vector<16xf32>,
          %get3A_460 = arith.index_cast %squeeze3A_449 : i32 to index
          %get3A_461 = arith.constant 0 : index
          %get3A_462 = tpu.vector_load %arg16[%get3A_460, %get3A_461] {strides = array<i32>} : memref<2x128xf32, #tpu.memory_space<vmem>>, vector<16xf32>,
          %mul3A_463 = vector.broadcast %squeeze3A_451 : f32 to vector<16xf32>
          %mul3A_464 = arith.mulf %mul3A_463, %get3A_462 : vector<16xf32>
          %add3A_465 = arith.addf %get3A_459, %mul3A_464 : vector<16xf32>
          %mul3A_466 = arith.constant 16 : i32
          %mul3A_467 = arith.muli %add3A_220, %mul3A_466 : i32
          %add3A_468 = arith.constant 1 : i32
          %add3A_469 = arith.addi %mul3A_467, %add3A_468 : i32
          %get3A_470 = arith.index_cast %select_n3A_203 : i32 to index
          %get3A_471 = arith.index_cast %add3A_469 : i32 to index
          %get3A_472 = arith.constant 16 : index
          %get3A_473 = tpu.vector_load %arg11[%get3A_470, %get3A_471, %get3A_472] {strides = array<i32>} : memref<2x128x128xf32, #tpu.memory_space<vmem>>, vector<16xf32>,
          %get3A_474 = arith.index_cast %squeeze3A_449 : i32 to index
          %get3A_475 = arith.constant 16 : index
          %get3A_476 = tpu.vector_load %arg16[%get3A_474, %get3A_475] {strides = array<i32>} : memref<2x128xf32, #tpu.memory_space<vmem>>, vector<16xf32>,
          %mul3A_477 = vector.broadcast %squeeze3A_451 : f32 to vector<16xf32>
          %mul3A_478 = arith.mulf %mul3A_477, %get3A_476 : vector<16xf32>
          %add3A_479 = arith.addf %get3A_473, %mul3A_478 : vector<16xf32>
          %pack3A_480 = tpu.pack_subelements %add3A_465, %add3A_479 {pack_format = #tpu.pack_format<interleaved>, positions = array<i32: 0, 1>} : vector<16xf32>, vector<16xf32> -> vector<32xbf16>
          %get3A_481 = arith.index_cast %squeeze3A_447 : i32 to index
          %get3A_482 = arith.constant 0 : index
          %get3A_483 = tpu.vector_load %arg12[%get3A_481, %get3A_482] {strides = array<i32>} : memref<648x128xbf16, #tpu.memory_space<vmem>>, vector<32xbf16>,
          %max3A_484 = arith.maximumf %get3A_483, %pack3A_480 : vector<32xbf16>
          %swap3A_485 = arith.index_cast %squeeze3A_447 : i32 to index
          %swap3A_486 = arith.constant 0 : index
          %swap3A_487 = tpu.vector_load %arg12[%swap3A_485, %swap3A_486] {strides = array<i32>} : memref<648x128xbf16, #tpu.memory_space<vmem>>, vector<32xbf16>,
          tpu.vector_store %arg12[%swap3A_485, %swap3A_486], %max3A_484 {strides = array<i32>} : memref<648x128xbf16, #tpu.memory_space<vmem>>, vector<32xbf16>,
          %mul3A_488 = arith.constant 16 : i32
          %mul3A_489 = arith.muli %add3A_220, %mul3A_488 : i32
          %add3A_490 = arith.constant 1 : i32
          %add3A_491 = arith.addi %mul3A_489, %add3A_490 : i32
          %get3A_492 = arith.index_cast %select_n3A_203 : i32 to index
          %get3A_493 = arith.index_cast %add3A_491 : i32 to index
          %get3A_494 = arith.constant 32 : index
          %get3A_495 = tpu.vector_load %arg11[%get3A_492, %get3A_493, %get3A_494] {strides = array<i32>} : memref<2x128x128xf32, #tpu.memory_space<vmem>>, vector<16xf32>,
          %get3A_496 = arith.index_cast %squeeze3A_449 : i32 to index
          %get3A_497 = arith.constant 32 : index
          %get3A_498 = tpu.vector_load %arg16[%get3A_496, %get3A_497] {strides = array<i32>} : memref<2x128xf32, #tpu.memory_space<vmem>>, vector<16xf32>,
          %mul3A_499 = vector.broadcast %squeeze3A_451 : f32 to vector<16xf32>
          %mul3A_500 = arith.mulf %mul3A_499, %get3A_498 : vector<16xf32>
          %add3A_501 = arith.addf %get3A_495, %mul3A_500 : vector<16xf32>
          %mul3A_502 = arith.constant 16 : i32
          %mul3A_503 = arith.muli %add3A_220, %mul3A_502 : i32
          %add3A_504 = arith.constant 1 : i32
          %add3A_505 = arith.addi %mul3A_503, %add3A_504 : i32
          %get3A_506 = arith.index_cast %select_n3A_203 : i32 to index
          %get3A_507 = arith.index_cast %add3A_505 : i32 to index
          %get3A_508 = arith.constant 48 : index
          %get3A_509 = tpu.vector_load %arg11[%get3A_506, %get3A_507, %get3A_508] {strides = array<i32>} : memref<2x128x128xf32, #tpu.memory_space<vmem>>, vector<16xf32>,
          %get3A_510 = arith.index_cast %squeeze3A_449 : i32 to index
          %get3A_511 = arith.constant 48 : index
          %get3A_512 = tpu.vector_load %arg16[%get3A_510, %get3A_511] {strides = array<i32>} : memref<2x128xf32, #tpu.memory_space<vmem>>, vector<16xf32>,
          %mul3A_513 = vector.broadcast %squeeze3A_451 : f32 to vector<16xf32>
          %mul3A_514 = arith.mulf %mul3A_513, %get3A_512 : vector<16xf32>
          %add3A_515 = arith.addf %get3A_509, %mul3A_514 : vector<16xf32>
          %pack3A_516 = tpu.pack_subelements %add3A_501, %add3A_515 {pack_format = #tpu.pack_format<interleaved>, positions = array<i32: 0, 1>} : vector<16xf32>, vector<16xf32> -> vector<32xbf16>
          %get3A_517 = arith.index_cast %squeeze3A_447 : i32 to index
          %get3A_518 = arith.constant 32 : index
          %get3A_519 = tpu.vector_load %arg12[%get3A_517, %get3A_518] {strides = array<i32>} : memref<648x128xbf16, #tpu.memory_space<vmem>>, vector<32xbf16>,
          %max3A_520 = arith.maximumf %get3A_519, %pack3A_516 : vector<32xbf16>
          %swap3A_521 = arith.index_cast %squeeze3A_447 : i32 to index
          %swap3A_522 = arith.constant 32 : index
          %swap3A_523 = tpu.vector_load %arg12[%swap3A_521, %swap3A_522] {strides = array<i32>} : memref<648x128xbf16, #tpu.memory_space<vmem>>, vector<32xbf16>,
          tpu.vector_store %arg12[%swap3A_521, %swap3A_522], %max3A_520 {strides = array<i32>} : memref<648x128xbf16, #tpu.memory_space<vmem>>, vector<32xbf16>,
          %mul3A_524 = arith.constant 16 : i32
          %mul3A_525 = arith.muli %add3A_220, %mul3A_524 : i32
          %add3A_526 = arith.constant 1 : i32
          %add3A_527 = arith.addi %mul3A_525, %add3A_526 : i32
          %get3A_528 = arith.index_cast %select_n3A_203 : i32 to index
          %get3A_529 = arith.index_cast %add3A_527 : i32 to index
          %get3A_530 = arith.constant 64 : index
          %get3A_531 = tpu.vector_load %arg11[%get3A_528, %get3A_529, %get3A_530] {strides = array<i32>} : memref<2x128x128xf32, #tpu.memory_space<vmem>>, vector<16xf32>,
          %get3A_532 = arith.index_cast %squeeze3A_449 : i32 to index
          %get3A_533 = arith.constant 64 : index
          %get3A_534 = tpu.vector_load %arg16[%get3A_532, %get3A_533] {strides = array<i32>} : memref<2x128xf32, #tpu.memory_space<vmem>>, vector<16xf32>,
          %mul3A_535 = vector.broadcast %squeeze3A_451 : f32 to vector<16xf32>
          %mul3A_536 = arith.mulf %mul3A_535, %get3A_534 : vector<16xf32>
          %add3A_537 = arith.addf %get3A_531, %mul3A_536 : vector<16xf32>
          %mul3A_538 = arith.constant 16 : i32
          %mul3A_539 = arith.muli %add3A_220, %mul3A_538 : i32
          %add3A_540 = arith.constant 1 : i32
          %add3A_541 = arith.addi %mul3A_539, %add3A_540 : i32
          %get3A_542 = arith.index_cast %select_n3A_203 : i32 to index
          %get3A_543 = arith.index_cast %add3A_541 : i32 to index
          %get3A_544 = arith.constant 80 : index
          %get3A_545 = tpu.vector_load %arg11[%get3A_542, %get3A_543, %get3A_544] {strides = array<i32>} : memref<2x128x128xf32, #tpu.memory_space<vmem>>, vector<16xf32>,
          %get3A_546 = arith.index_cast %squeeze3A_449 : i32 to index
          %get3A_547 = arith.constant 80 : index
          %get3A_548 = tpu.vector_load %arg16[%get3A_546, %get3A_547] {strides = array<i32>} : memref<2x128xf32, #tpu.memory_space<vmem>>, vector<16xf32>,
          %mul3A_549 = vector.broadcast %squeeze3A_451 : f32 to vector<16xf32>
          %mul3A_550 = arith.mulf %mul3A_549, %get3A_548 : vector<16xf32>
          %add3A_551 = arith.addf %get3A_545, %mul3A_550 : vector<16xf32>
          %pack3A_552 = tpu.pack_subelements %add3A_537, %add3A_551 {pack_format = #tpu.pack_format<interleaved>, positions = array<i32: 0, 1>} : vector<16xf32>, vector<16xf32> -> vector<32xbf16>
          %get3A_553 = arith.index_cast %squeeze3A_447 : i32 to index
          %get3A_554 = arith.constant 64 : index
          %get3A_555 = tpu.vector_load %arg12[%get3A_553, %get3A_554] {strides = array<i32>} : memref<648x128xbf16, #tpu.memory_space<vmem>>, vector<32xbf16>,
          %max3A_556 = arith.maximumf %get3A_555, %pack3A_552 : vector<32xbf16>
          %swap3A_557 = arith.index_cast %squeeze3A_447 : i32 to index
          %swap3A_558 = arith.constant 64 : index
          %swap3A_559 = tpu.vector_load %arg12[%swap3A_557, %swap3A_558] {strides = array<i32>} : memref<648x128xbf16, #tpu.memory_space<vmem>>, vector<32xbf16>,
          tpu.vector_store %arg12[%swap3A_557, %swap3A_558], %max3A_556 {strides = array<i32>} : memref<648x128xbf16, #tpu.memory_space<vmem>>, vector<32xbf16>,
          %mul3A_560 = arith.constant 16 : i32
          %mul3A_561 = arith.muli %add3A_220, %mul3A_560 : i32
          %add3A_562 = arith.constant 1 : i32
          %add3A_563 = arith.addi %mul3A_561, %add3A_562 : i32
          %get3A_564 = arith.index_cast %select_n3A_203 : i32 to index
          %get3A_565 = arith.index_cast %add3A_563 : i32 to index
          %get3A_566 = arith.constant 96 : index
          %get3A_567 = tpu.vector_load %arg11[%get3A_564, %get3A_565, %get3A_566] {strides = array<i32>} : memref<2x128x128xf32, #tpu.memory_space<vmem>>, vector<16xf32>,
          %get3A_568 = arith.index_cast %squeeze3A_449 : i32 to index
          %get3A_569 = arith.constant 96 : index
          %get3A_570 = tpu.vector_load %arg16[%get3A_568, %get3A_569] {strides = array<i32>} : memref<2x128xf32, #tpu.memory_space<vmem>>, vector<16xf32>,
          %mul3A_571 = vector.broadcast %squeeze3A_451 : f32 to vector<16xf32>
          %mul3A_572 = arith.mulf %mul3A_571, %get3A_570 : vector<16xf32>
          %add3A_573 = arith.addf %get3A_567, %mul3A_572 : vector<16xf32>
          %mul3A_574 = arith.constant 16 : i32
          %mul3A_575 = arith.muli %add3A_220, %mul3A_574 : i32
          %add3A_576 = arith.constant 1 : i32
          %add3A_577 = arith.addi %mul3A_575, %add3A_576 : i32
          %get3A_578 = arith.index_cast %select_n3A_203 : i32 to index
          %get3A_579 = arith.index_cast %add3A_577 : i32 to index
          %get3A_580 = arith.constant 112 : index
          %get3A_581 = tpu.vector_load %arg11[%get3A_578, %get3A_579, %get3A_580] {strides = array<i32>} : memref<2x128x128xf32, #tpu.memory_space<vmem>>, vector<16xf32>,
          %get3A_582 = arith.index_cast %squeeze3A_449 : i32 to index
          %get3A_583 = arith.constant 112 : index
          %get3A_584 = tpu.vector_load %arg16[%get3A_582, %get3A_583] {strides = array<i32>} : memref<2x128xf32, #tpu.memory_space<vmem>>, vector<16xf32>,
          %mul3A_585 = vector.broadcast %squeeze3A_451 : f32 to vector<16xf32>
          %mul3A_586 = arith.mulf %mul3A_585, %get3A_584 : vector<16xf32>
          %add3A_587 = arith.addf %get3A_581, %mul3A_586 : vector<16xf32>
          %pack3A_588 = tpu.pack_subelements %add3A_573, %add3A_587 {pack_format = #tpu.pack_format<interleaved>, positions = array<i32: 0, 1>} : vector<16xf32>, vector<16xf32> -> vector<32xbf16>
          %get3A_589 = arith.index_cast %squeeze3A_447 : i32 to index
          %get3A_590 = arith.constant 96 : index
          %get3A_591 = tpu.vector_load %arg12[%get3A_589, %get3A_590] {strides = array<i32>} : memref<648x128xbf16, #tpu.memory_space<vmem>>, vector<32xbf16>,
          %max3A_592 = arith.maximumf %get3A_591, %pack3A_588 : vector<32xbf16>
          %swap3A_593 = arith.index_cast %squeeze3A_447 : i32 to index
          %swap3A_594 = arith.constant 96 : index
          %swap3A_595 = tpu.vector_load %arg12[%swap3A_593, %swap3A_594] {strides = array<i32>} : memref<648x128xbf16, #tpu.memory_space<vmem>>, vector<32xbf16>,
          tpu.vector_store %arg12[%swap3A_593, %swap3A_594], %max3A_592 {strides = array<i32>} : memref<648x128xbf16, #tpu.memory_space<vmem>>, vector<32xbf16>,
        }
        %scan3A_208 = arith.constant 8 : i32
        %add3A_209 = arith.constant 2 : i32
        %add3A_210 = arith.addi %while3A_145, %add3A_209 : i32
        %lt3A_211 = arith.cmpi slt, %add3A_210, %select_n3A : i32
        %convert_element_type3A_212 = arith.extui %lt3A_211 : i1 to i32
        %cond3A_213 = arith.constant 0 : i32
        %cond3A_214 = arith.cmpi ne, %convert_element_type3A_212, %cond3A_213 : i32
        scf.if %cond3A_214 {
          %add3A_216 = arith.constant 2 : i32
          %add3A_217 = arith.addi %while3A_145, %add3A_216 : i32
          %jit3A_218 = arith.constant 2 : i32
          %eq3A_219 = arith.constant 0 : i32
          %eq3A_220 = arith.cmpi eq, %jit3A_218, %eq3A_219 : i32
          %jit3A_221 = arith.constant 1 : i32
          %select_n3A_222 = arith.select %eq3A_220, %jit3A_221, %jit3A_218 : i32
          %rem3A_223 = arith.remsi %add3A_217, %select_n3A_222 : i32
          %ne3A_224 = arith.constant 0 : i32
          %ne3A_225 = arith.cmpi ne, %rem3A_223, %ne3A_224 : i32
          %lt3A_226 = arith.constant 0 : i32
          %lt3A_227 = arith.cmpi slt, %rem3A_223, %lt3A_226 : i32
          %lt3A_228 = arith.constant 0 : i32
          %lt3A_229 = arith.cmpi slt, %select_n3A_222, %lt3A_228 : i32
          %ne3A_230 = arith.xori %lt3A_227, %lt3A_229 : i1
          %and3A_231 = arith.andi %ne3A_230, %ne3A_225 : i1
          %add3A_232 = arith.addi %rem3A_223, %select_n3A_222 : i32
          %select_n3A_233 = arith.select %and3A_231, %add3A_232, %rem3A_223 : i32
          %mul3A_234 = arith.constant 128 : i32
          %mul3A_235 = arith.muli %add3A_217, %mul3A_234 : i32
          %dma_start3A_236 = arith.constant 0 : i32
          %dma_start3A_237 = arith.constant 0 : i32
          %dma_start3A_238 = tpu.memref_slice %arg11[%select_n3A_233, %dma_start3A_236, %dma_start3A_237] : memref<2x128x128xf32, #tpu.memory_space<vmem>> -> memref<1x128x128xf32, #tpu.memory_space<vmem>>
          %dma_start3A_239 = tpu.memref_squeeze %dma_start3A_238 : memref<1x128x128xf32, #tpu.memory_space<vmem>> -> memref<128x128xf32, #tpu.memory_space<vmem>>
          %dma_start3A_240 = tpu.memref_slice %arg10[%mul3A_235] : memref<6528xi32, #tpu.memory_space<vmem>> -> memref<128xi32, #tpu.memory_space<vmem>>
          %dma_start3A_241 = arith.constant 0 : i32
          %dma_start3A_242 = arith.constant 0 : i32
          %dma_start3A_243 = tpu.memref_slice %arg2[%dma_start3A_241, %dma_start3A_242] : memref<20480x128xf32, #tpu.memory_space<hbm>> -> memref<20480x128xf32, #tpu.memory_space<hbm>>
          %dma_start3A_244 = tpu.memref_slice %arg18[%select_n3A_233] : memref<2x!tpu.dma_semaphore, #tpu.memory_space<semaphore_mem>> -> memref<1x!tpu.dma_semaphore, #tpu.memory_space<semaphore_mem>>
          %dma_start3A_245 = tpu.memref_squeeze %dma_start3A_244 : memref<1x!tpu.dma_semaphore, #tpu.memory_space<semaphore_mem>> -> memref<!tpu.dma_semaphore, #tpu.memory_space<semaphore_mem>>
          tpu.enqueue_indirect_dma source(%dma_start3A_243 : memref<20480x128xf32, #tpu.memory_space<hbm>>) target(%dma_start3A_239 : memref<128x128xf32, #tpu.memory_space<vmem>>) offsets(%dma_start3A_240 : memref<128xi32, #tpu.memory_space<vmem>>) semaphore(%dma_start3A_245 : memref<!tpu.dma_semaphore, #tpu.memory_space<semaphore_mem>>)
        } else {
        }
        %while3A_215 = arith.constant 0 : i32
        scf.yield %while3A_215 : i32
      }
      %scan3A_144 = arith.constant 0 : i32
      scf.yield %scan3A_144 : i32
    }
    %scan3A_26 = arith.constant 50 : i32
    %scan3A_27 = arith.constant 0 : i32
    %scan3A_28 = arith.constant 20 : i32
    %scan3A_29 = arith.addi %scan3A_27, %scan3A_28 : i32
    %scan3A_30 = arith.constant 1 : i32
    scf.for %scan3A_32 = %scan3A_27 to %scan3A_29 step %scan3A_30  : i32 {
      %mul3A_33 = arith.constant 1 : i32
      %mul3A_34 = arith.muli %scan3A_32, %mul3A_33 : i32
      %add3A_35 = arith.constant 0 : i32
      %add3A_36 = arith.addi %add3A_35, %mul3A_34 : i32
      %mul3A_37 = arith.constant 16 : i32
      %mul3A_38 = arith.muli %add3A_36, %mul3A_37 : i32
      %add3A_39 = arith.addi %mul3A_2, %mul3A_38 : i32
      %dma_start3A_40 = arith.constant 0 : i32
      %dma_start3A_41 = arith.constant 0 : i32
      %dma_start3A_42 = arith.constant 0 : i32
      %dma_start3A_43 = tpu.memref_slice %arg11[%dma_start3A_40, %dma_start3A_41, %dma_start3A_42] : memref<2x128x128xf32, #tpu.memory_space<vmem>> -> memref<1x16x128xf32, #tpu.memory_space<vmem>>
      %dma_start3A_44 = tpu.memref_squeeze %dma_start3A_43 : memref<1x16x128xf32, #tpu.memory_space<vmem>> -> memref<16x128xf32, #tpu.memory_space<vmem>>
      %dma_start3A_45 = arith.constant 0 : i32
      %dma_start3A_46 = tpu.memref_slice %arg3[%add3A_39, %dma_start3A_45] : memref<20480x128xf32, #tpu.memory_space<hbm>> -> memref<16x128xf32, #tpu.memory_space<hbm>>
      %dma_start3A_47 = arith.constant 0 : i32
      %dma_start3A_48 = arith.constant 0 : i32
      %dma_start3A_49 = tpu.memref_slice %arg11[%dma_start3A_40, %dma_start3A_47, %dma_start3A_48] : memref<2x128x128xf32, #tpu.memory_space<vmem>> -> memref<1x16x128xf32, #tpu.memory_space<vmem>>
      %dma_start3A_50 = tpu.memref_squeeze %dma_start3A_49 : memref<1x16x128xf32, #tpu.memory_space<vmem>> -> memref<16x128xf32, #tpu.memory_space<vmem>>
      %dma_start3A_51 = arith.constant 0 : i32
      %dma_start3A_52 = tpu.memref_slice %arg3[%add3A_39, %dma_start3A_51] : memref<20480x128xf32, #tpu.memory_space<hbm>> -> memref<16x128xf32, #tpu.memory_space<hbm>>
      tpu.enqueue_dma source(%dma_start3A_52 : memref<16x128xf32, #tpu.memory_space<hbm>>) target(%dma_start3A_50 : memref<16x128xf32, #tpu.memory_space<vmem>>) target_semaphore(%arg17 : memref<!tpu.dma_semaphore, #tpu.memory_space<semaphore_mem>>)
      %dma_wait3A = arith.constant 0 : i32
      %dma_wait3A_53 = arith.constant 0 : i32
      %dma_wait3A_54 = arith.constant 0 : i32
      %dma_wait3A_55 = tpu.memref_slice %arg11[%dma_wait3A, %dma_wait3A_53, %dma_wait3A_54] : memref<2x128x128xf32, #tpu.memory_space<vmem>> -> memref<1x16x128xf32, #tpu.memory_space<vmem>>
      %dma_wait3A_56 = tpu.memref_squeeze %dma_wait3A_55 : memref<1x16x128xf32, #tpu.memory_space<vmem>> -> memref<16x128xf32, #tpu.memory_space<vmem>>
      %dma_wait3A_57 = arith.constant 0 : i32
      %dma_wait3A_58 = tpu.memref_slice %arg3[%add3A_39, %dma_wait3A_57] : memref<20480x128xf32, #tpu.memory_space<hbm>> -> memref<16x128xf32, #tpu.memory_space<hbm>>
      %dma_wait3A_59 = arith.constant 0 : i32
      %dma_wait3A_60 = arith.constant 0 : i32
      %dma_wait3A_61 = tpu.memref_slice %arg11[%dma_wait3A, %dma_wait3A_59, %dma_wait3A_60] : memref<2x128x128xf32, #tpu.memory_space<vmem>> -> memref<1x16x128xf32, #tpu.memory_space<vmem>>
      %dma_wait3A_62 = tpu.memref_squeeze %dma_wait3A_61 : memref<1x16x128xf32, #tpu.memory_space<vmem>> -> memref<16x128xf32, #tpu.memory_space<vmem>>
      %dma_wait3A_63 = arith.constant 0 : i32
      %dma_wait3A_64 = tpu.memref_slice %arg3[%add3A_39, %dma_wait3A_63] : memref<20480x128xf32, #tpu.memory_space<hbm>> -> memref<16x128xf32, #tpu.memory_space<hbm>>
      tpu.wait_dma2 semaphore(%arg17 : memref<!tpu.dma_semaphore, #tpu.memory_space<semaphore_mem>>) src(%dma_wait3A_64 : memref<16x128xf32, #tpu.memory_space<hbm>>) dst(%dma_wait3A_62 : memref<16x128xf32, #tpu.memory_space<vmem>>)
      %add3A_65 = arith.constant 10240 : i32
      %add3A_66 = arith.addi %add3A_65, %mul3A_2 : i32
      %mul3A_67 = arith.constant 16 : i32
      %mul3A_68 = arith.muli %add3A_36, %mul3A_67 : i32
      %add3A_69 = arith.addi %add3A_66, %mul3A_68 : i32
      %dma_start3A_70 = arith.constant 0 : i32
      %dma_start3A_71 = arith.constant 16 : i32
      %dma_start3A_72 = arith.constant 0 : i32
      %dma_start3A_73 = tpu.memref_slice %arg11[%dma_start3A_70, %dma_start3A_71, %dma_start3A_72] : memref<2x128x128xf32, #tpu.memory_space<vmem>> -> memref<1x16x128xf32, #tpu.memory_space<vmem>>
      %dma_start3A_74 = tpu.memref_squeeze %dma_start3A_73 : memref<1x16x128xf32, #tpu.memory_space<vmem>> -> memref<16x128xf32, #tpu.memory_space<vmem>>
      %dma_start3A_75 = arith.constant 0 : i32
      %dma_start3A_76 = tpu.memref_slice %arg3[%add3A_69, %dma_start3A_75] : memref<20480x128xf32, #tpu.memory_space<hbm>> -> memref<16x128xf32, #tpu.memory_space<hbm>>
      %dma_start3A_77 = arith.constant 16 : i32
      %dma_start3A_78 = arith.constant 0 : i32
      %dma_start3A_79 = tpu.memref_slice %arg11[%dma_start3A_70, %dma_start3A_77, %dma_start3A_78] : memref<2x128x128xf32, #tpu.memory_space<vmem>> -> memref<1x16x128xf32, #tpu.memory_space<vmem>>
      %dma_start3A_80 = tpu.memref_squeeze %dma_start3A_79 : memref<1x16x128xf32, #tpu.memory_space<vmem>> -> memref<16x128xf32, #tpu.memory_space<vmem>>
      %dma_start3A_81 = arith.constant 0 : i32
      %dma_start3A_82 = tpu.memref_slice %arg3[%add3A_69, %dma_start3A_81] : memref<20480x128xf32, #tpu.memory_space<hbm>> -> memref<16x128xf32, #tpu.memory_space<hbm>>
      tpu.enqueue_dma source(%dma_start3A_82 : memref<16x128xf32, #tpu.memory_space<hbm>>) target(%dma_start3A_80 : memref<16x128xf32, #tpu.memory_space<vmem>>) target_semaphore(%arg17 : memref<!tpu.dma_semaphore, #tpu.memory_space<semaphore_mem>>)
      %dma_wait3A_83 = arith.constant 0 : i32
      %dma_wait3A_84 = arith.constant 16 : i32
      %dma_wait3A_85 = arith.constant 0 : i32
      %dma_wait3A_86 = tpu.memref_slice %arg11[%dma_wait3A_83, %dma_wait3A_84, %dma_wait3A_85] : memref<2x128x128xf32, #tpu.memory_space<vmem>> -> memref<1x16x128xf32, #tpu.memory_space<vmem>>
      %dma_wait3A_87 = tpu.memref_squeeze %dma_wait3A_86 : memref<1x16x128xf32, #tpu.memory_space<vmem>> -> memref<16x128xf32, #tpu.memory_space<vmem>>
      %dma_wait3A_88 = arith.constant 0 : i32
      %dma_wait3A_89 = tpu.memref_slice %arg3[%add3A_69, %dma_wait3A_88] : memref<20480x128xf32, #tpu.memory_space<hbm>> -> memref<16x128xf32, #tpu.memory_space<hbm>>
      %dma_wait3A_90 = arith.constant 16 : i32
      %dma_wait3A_91 = arith.constant 0 : i32
      %dma_wait3A_92 = tpu.memref_slice %arg11[%dma_wait3A_83, %dma_wait3A_90, %dma_wait3A_91] : memref<2x128x128xf32, #tpu.memory_space<vmem>> -> memref<1x16x128xf32, #tpu.memory_space<vmem>>
      %dma_wait3A_93 = tpu.memref_squeeze %dma_wait3A_92 : memref<1x16x128xf32, #tpu.memory_space<vmem>> -> memref<16x128xf32, #tpu.memory_space<vmem>>
      %dma_wait3A_94 = arith.constant 0 : i32
      %dma_wait3A_95 = tpu.memref_slice %arg3[%add3A_69, %dma_wait3A_94] : memref<20480x128xf32, #tpu.memory_space<hbm>> -> memref<16x128xf32, #tpu.memory_space<hbm>>
      tpu.wait_dma2 semaphore(%arg17 : memref<!tpu.dma_semaphore, #tpu.memory_space<semaphore_mem>>) src(%dma_wait3A_95 : memref<16x128xf32, #tpu.memory_space<hbm>>) dst(%dma_wait3A_93 : memref<16x128xf32, #tpu.memory_space<vmem>>)
      %scan3A_96 = arith.constant 0 : i32
      %scan3A_97 = arith.constant 16 : i32
      %scan3A_98 = arith.addi %scan3A_96, %scan3A_97 : i32
      %scan3A_99 = arith.constant 1 : i32
      scf.for %scan3A_104 = %scan3A_96 to %scan3A_98 step %scan3A_99  : i32 {
        %mul3A_105 = arith.constant 1 : i32
        %mul3A_106 = arith.muli %scan3A_104, %mul3A_105 : i32
        %add3A_107 = arith.constant 0 : i32
        %add3A_108 = arith.addi %add3A_107, %mul3A_106 : i32
        %mul3A_109 = arith.constant 16 : i32
        %mul3A_110 = arith.muli %add3A_36, %mul3A_109 : i32
        %add3A_111 = arith.addi %mul3A_110, %add3A_108 : i32
        %get3A = arith.index_cast %add3A_111 : i32 to index
        %get3A_112 = arith.constant 0 : index
        %get3A_113 = tpu.vector_load %arg12[%get3A, %get3A_112] {strides = array<i32>} : memref<648x128xbf16, #tpu.memory_space<vmem>>, vector<32xbf16>,
        %unpack3A = tpu.unpack_subelements %get3A_113, 0 {pack_format = #tpu.pack_format<interleaved>} : vector<32xbf16> -> vector<16xf32>
        %unpack3A_114 = tpu.unpack_subelements %get3A_113, 1 {pack_format = #tpu.pack_format<interleaved>} : vector<32xbf16> -> vector<16xf32>
        %add3A_115 = arith.constant 320 : i32
        %add3A_116 = arith.addi %add3A_115, %add3A_111 : i32
        %get3A_117 = arith.index_cast %add3A_116 : i32 to index
        %get3A_118 = arith.constant 0 : index
        %get3A_119 = tpu.vector_load %arg12[%get3A_117, %get3A_118] {strides = array<i32>} : memref<648x128xbf16, #tpu.memory_space<vmem>>, vector<32xbf16>,
        %unpack3A_120 = tpu.unpack_subelements %get3A_119, 0 {pack_format = #tpu.pack_format<interleaved>} : vector<32xbf16> -> vector<16xf32>
        %unpack3A_121 = tpu.unpack_subelements %get3A_119, 1 {pack_format = #tpu.pack_format<interleaved>} : vector<32xbf16> -> vector<16xf32>
        %get3A_122 = arith.constant 0 : i32
        %get3A_123 = arith.index_cast %get3A_122 : i32 to index
        %get3A_124 = arith.index_cast %add3A_108 : i32 to index
        %get3A_125 = arith.constant 0 : index
        %get3A_126 = tpu.vector_load %arg11[%get3A_123, %get3A_124, %get3A_125] {strides = array<i32>} : memref<2x128x128xf32, #tpu.memory_space<vmem>>, vector<16xf32>,
        %add3A_127 = arith.addf %unpack3A, %get3A_126 : vector<16xf32>
        %add3A_128 = arith.constant 16 : i32
        %add3A_129 = arith.addi %add3A_128, %add3A_108 : i32
        %get3A_130 = arith.constant 0 : i32
        %get3A_131 = arith.index_cast %get3A_130 : i32 to index
        %get3A_132 = arith.index_cast %add3A_129 : i32 to index
        %get3A_133 = arith.constant 0 : index
        %get3A_134 = tpu.vector_load %arg11[%get3A_131, %get3A_132, %get3A_133] {strides = array<i32>} : memref<2x128x128xf32, #tpu.memory_space<vmem>>, vector<16xf32>,
        %add3A_135 = arith.addf %unpack3A_120, %get3A_134 : vector<16xf32>
        %max3A = arith.maximumf %add3A_127, %add3A_135 : vector<16xf32>
        %get3A_136 = arith.constant 0 : i32
        %get3A_137 = arith.index_cast %get3A_136 : i32 to index
        %get3A_138 = arith.index_cast %add3A_108 : i32 to index
        %get3A_139 = arith.constant 16 : index
        %get3A_140 = tpu.vector_load %arg11[%get3A_137, %get3A_138, %get3A_139] {strides = array<i32>} : memref<2x128x128xf32, #tpu.memory_space<vmem>>, vector<16xf32>,
        %add3A_141 = arith.addf %unpack3A_114, %get3A_140 : vector<16xf32>
        %add3A_142 = arith.constant 16 : i32
        %add3A_143 = arith.addi %add3A_142, %add3A_108 : i32
        %get3A_144 = arith.constant 0 : i32
        %get3A_145 = arith.index_cast %get3A_144 : i32 to index
        %get3A_146 = arith.index_cast %add3A_143 : i32 to index
        %get3A_147 = arith.constant 16 : index
        %get3A_148 = tpu.vector_load %arg11[%get3A_145, %get3A_146, %get3A_147] {strides = array<i32>} : memref<2x128x128xf32, #tpu.memory_space<vmem>>, vector<16xf32>,
        %add3A_149 = arith.addf %unpack3A_121, %get3A_148 : vector<16xf32>
        %max3A_150 = arith.maximumf %add3A_141, %add3A_149 : vector<16xf32>
        %eq3A = arith.constant 0xFF800000 : f32
        %eq3A_151 = vector.broadcast %eq3A : f32 to vector<16xf32>
        %eq3A_152 = arith.cmpf oeq, %max3A, %eq3A_151 : vector<16xf32>
        %jit3A = arith.constant 0.000000e+00 : f32
        %broadcast_in_dim3A_153 = vector.broadcast %jit3A : f32 to vector<16xf32>
        %select_n3A = arith.select %eq3A_152, %broadcast_in_dim3A_153, %max3A : vector<16xi1>, vector<16xf32>
        %eq3A_154 = arith.constant 0xFF800000 : f32
        %eq3A_155 = vector.broadcast %eq3A_154 : f32 to vector<16xf32>
        %eq3A_156 = arith.cmpf oeq, %max3A_150, %eq3A_155 : vector<16xf32>
        %jit3A_157 = arith.constant 0.000000e+00 : f32
        %broadcast_in_dim3A_158 = vector.broadcast %jit3A_157 : f32 to vector<16xf32>
        %select_n3A_159 = arith.select %eq3A_156, %broadcast_in_dim3A_158, %max3A_150 : vector<16xi1>, vector<16xf32>
        %add3A_160 = arith.constant 32 : i32
        %add3A_161 = arith.addi %add3A_160, %add3A_108 : i32
        %swap3A = arith.constant 0 : i32
        %swap3A_162 = arith.index_cast %swap3A : i32 to index
        %swap3A_163 = arith.index_cast %add3A_161 : i32 to index
        %swap3A_164 = arith.constant 0 : index
        %swap3A_165 = tpu.vector_load %arg11[%swap3A_162, %swap3A_163, %swap3A_164] {strides = array<i32>} : memref<2x128x128xf32, #tpu.memory_space<vmem>>, vector<16xf32>,
        tpu.vector_store %arg11[%swap3A_162, %swap3A_163, %swap3A_164], %select_n3A {strides = array<i32>} : memref<2x128x128xf32, #tpu.memory_space<vmem>>, vector<16xf32>,
        %add3A_166 = arith.constant 32 : i32
        %add3A_167 = arith.addi %add3A_166, %add3A_108 : i32
        %swap3A_168 = arith.constant 0 : i32
        %swap3A_169 = arith.index_cast %swap3A_168 : i32 to index
        %swap3A_170 = arith.index_cast %add3A_167 : i32 to index
        %swap3A_171 = arith.constant 16 : index
        %swap3A_172 = tpu.vector_load %arg11[%swap3A_169, %swap3A_170, %swap3A_171] {strides = array<i32>} : memref<2x128x128xf32, #tpu.memory_space<vmem>>, vector<16xf32>,
        tpu.vector_store %arg11[%swap3A_169, %swap3A_170, %swap3A_171], %select_n3A_159 {strides = array<i32>} : memref<2x128x128xf32, #tpu.memory_space<vmem>>, vector<16xf32>,
        %get3A_173 = arith.index_cast %add3A_111 : i32 to index
        %get3A_174 = arith.constant 32 : index
        %get3A_175 = tpu.vector_load %arg12[%get3A_173, %get3A_174] {strides = array<i32>} : memref<648x128xbf16, #tpu.memory_space<vmem>>, vector<32xbf16>,
        %unpack3A_176 = tpu.unpack_subelements %get3A_175, 0 {pack_format = #tpu.pack_format<interleaved>} : vector<32xbf16> -> vector<16xf32>
        %unpack3A_177 = tpu.unpack_subelements %get3A_175, 1 {pack_format = #tpu.pack_format<interleaved>} : vector<32xbf16> -> vector<16xf32>
        %add3A_178 = arith.constant 320 : i32
        %add3A_179 = arith.addi %add3A_178, %add3A_111 : i32
        %get3A_180 = arith.index_cast %add3A_179 : i32 to index
        %get3A_181 = arith.constant 32 : index
        %get3A_182 = tpu.vector_load %arg12[%get3A_180, %get3A_181] {strides = array<i32>} : memref<648x128xbf16, #tpu.memory_space<vmem>>, vector<32xbf16>,
        %unpack3A_183 = tpu.unpack_subelements %get3A_182, 0 {pack_format = #tpu.pack_format<interleaved>} : vector<32xbf16> -> vector<16xf32>
        %unpack3A_184 = tpu.unpack_subelements %get3A_182, 1 {pack_format = #tpu.pack_format<interleaved>} : vector<32xbf16> -> vector<16xf32>
        %get3A_185 = arith.constant 0 : i32
        %get3A_186 = arith.index_cast %get3A_185 : i32 to index
        %get3A_187 = arith.index_cast %add3A_108 : i32 to index
        %get3A_188 = arith.constant 32 : index
        %get3A_189 = tpu.vector_load %arg11[%get3A_186, %get3A_187, %get3A_188] {strides = array<i32>} : memref<2x128x128xf32, #tpu.memory_space<vmem>>, vector<16xf32>,
        %add3A_190 = arith.addf %unpack3A_176, %get3A_189 : vector<16xf32>
        %add3A_191 = arith.constant 16 : i32
        %add3A_192 = arith.addi %add3A_191, %add3A_108 : i32
        %get3A_193 = arith.constant 0 : i32
        %get3A_194 = arith.index_cast %get3A_193 : i32 to index
        %get3A_195 = arith.index_cast %add3A_192 : i32 to index
        %get3A_196 = arith.constant 32 : index
        %get3A_197 = tpu.vector_load %arg11[%get3A_194, %get3A_195, %get3A_196] {strides = array<i32>} : memref<2x128x128xf32, #tpu.memory_space<vmem>>, vector<16xf32>,
        %add3A_198 = arith.addf %unpack3A_183, %get3A_197 : vector<16xf32>
        %max3A_199 = arith.maximumf %add3A_190, %add3A_198 : vector<16xf32>
        %get3A_200 = arith.constant 0 : i32
        %get3A_201 = arith.index_cast %get3A_200 : i32 to index
        %get3A_202 = arith.index_cast %add3A_108 : i32 to index
        %get3A_203 = arith.constant 48 : index
        %get3A_204 = tpu.vector_load %arg11[%get3A_201, %get3A_202, %get3A_203] {strides = array<i32>} : memref<2x128x128xf32, #tpu.memory_space<vmem>>, vector<16xf32>,
        %add3A_205 = arith.addf %unpack3A_177, %get3A_204 : vector<16xf32>
        %add3A_206 = arith.constant 16 : i32
        %add3A_207 = arith.addi %add3A_206, %add3A_108 : i32
        %get3A_208 = arith.constant 0 : i32
        %get3A_209 = arith.index_cast %get3A_208 : i32 to index
        %get3A_210 = arith.index_cast %add3A_207 : i32 to index
        %get3A_211 = arith.constant 48 : index
        %get3A_212 = tpu.vector_load %arg11[%get3A_209, %get3A_210, %get3A_211] {strides = array<i32>} : memref<2x128x128xf32, #tpu.memory_space<vmem>>, vector<16xf32>,
        %add3A_213 = arith.addf %unpack3A_184, %get3A_212 : vector<16xf32>
        %max3A_214 = arith.maximumf %add3A_205, %add3A_213 : vector<16xf32>
        %eq3A_215 = arith.constant 0xFF800000 : f32
        %eq3A_216 = vector.broadcast %eq3A_215 : f32 to vector<16xf32>
        %eq3A_217 = arith.cmpf oeq, %max3A_199, %eq3A_216 : vector<16xf32>
        %jit3A_218 = arith.constant 0.000000e+00 : f32
        %broadcast_in_dim3A_219 = vector.broadcast %jit3A_218 : f32 to vector<16xf32>
        %select_n3A_220 = arith.select %eq3A_217, %broadcast_in_dim3A_219, %max3A_199 : vector<16xi1>, vector<16xf32>
        %eq3A_221 = arith.constant 0xFF800000 : f32
        %eq3A_222 = vector.broadcast %eq3A_221 : f32 to vector<16xf32>
        %eq3A_223 = arith.cmpf oeq, %max3A_214, %eq3A_222 : vector<16xf32>
        %jit3A_224 = arith.constant 0.000000e+00 : f32
        %broadcast_in_dim3A_225 = vector.broadcast %jit3A_224 : f32 to vector<16xf32>
        %select_n3A_226 = arith.select %eq3A_223, %broadcast_in_dim3A_225, %max3A_214 : vector<16xi1>, vector<16xf32>
        %add3A_227 = arith.constant 32 : i32
        %add3A_228 = arith.addi %add3A_227, %add3A_108 : i32
        %swap3A_229 = arith.constant 0 : i32
        %swap3A_230 = arith.index_cast %swap3A_229 : i32 to index
        %swap3A_231 = arith.index_cast %add3A_228 : i32 to index
        %swap3A_232 = arith.constant 32 : index
        %swap3A_233 = tpu.vector_load %arg11[%swap3A_230, %swap3A_231, %swap3A_232] {strides = array<i32>} : memref<2x128x128xf32, #tpu.memory_space<vmem>>, vector<16xf32>,
        tpu.vector_store %arg11[%swap3A_230, %swap3A_231, %swap3A_232], %select_n3A_220 {strides = array<i32>} : memref<2x128x128xf32, #tpu.memory_space<vmem>>, vector<16xf32>,
        %add3A_234 = arith.constant 32 : i32
        %add3A_235 = arith.addi %add3A_234, %add3A_108 : i32
        %swap3A_236 = arith.constant 0 : i32
        %swap3A_237 = arith.index_cast %swap3A_236 : i32 to index
        %swap3A_238 = arith.index_cast %add3A_235 : i32 to index
        %swap3A_239 = arith.constant 48 : index
        %swap3A_240 = tpu.vector_load %arg11[%swap3A_237, %swap3A_238, %swap3A_239] {strides = array<i32>} : memref<2x128x128xf32, #tpu.memory_space<vmem>>, vector<16xf32>,
        tpu.vector_store %arg11[%swap3A_237, %swap3A_238, %swap3A_239], %select_n3A_226 {strides = array<i32>} : memref<2x128x128xf32, #tpu.memory_space<vmem>>, vector<16xf32>,
        %get3A_241 = arith.index_cast %add3A_111 : i32 to index
        %get3A_242 = arith.constant 64 : index
        %get3A_243 = tpu.vector_load %arg12[%get3A_241, %get3A_242] {strides = array<i32>} : memref<648x128xbf16, #tpu.memory_space<vmem>>, vector<32xbf16>,
        %unpack3A_244 = tpu.unpack_subelements %get3A_243, 0 {pack_format = #tpu.pack_format<interleaved>} : vector<32xbf16> -> vector<16xf32>
        %unpack3A_245 = tpu.unpack_subelements %get3A_243, 1 {pack_format = #tpu.pack_format<interleaved>} : vector<32xbf16> -> vector<16xf32>
        %add3A_246 = arith.constant 320 : i32
        %add3A_247 = arith.addi %add3A_246, %add3A_111 : i32
        %get3A_248 = arith.index_cast %add3A_247 : i32 to index
        %get3A_249 = arith.constant 64 : index
        %get3A_250 = tpu.vector_load %arg12[%get3A_248, %get3A_249] {strides = array<i32>} : memref<648x128xbf16, #tpu.memory_space<vmem>>, vector<32xbf16>,
        %unpack3A_251 = tpu.unpack_subelements %get3A_250, 0 {pack_format = #tpu.pack_format<interleaved>} : vector<32xbf16> -> vector<16xf32>
        %unpack3A_252 = tpu.unpack_subelements %get3A_250, 1 {pack_format = #tpu.pack_format<interleaved>} : vector<32xbf16> -> vector<16xf32>
        %get3A_253 = arith.constant 0 : i32
        %get3A_254 = arith.index_cast %get3A_253 : i32 to index
        %get3A_255 = arith.index_cast %add3A_108 : i32 to index
        %get3A_256 = arith.constant 64 : index
        %get3A_257 = tpu.vector_load %arg11[%get3A_254, %get3A_255, %get3A_256] {strides = array<i32>} : memref<2x128x128xf32, #tpu.memory_space<vmem>>, vector<16xf32>,
        %add3A_258 = arith.addf %unpack3A_244, %get3A_257 : vector<16xf32>
        %add3A_259 = arith.constant 16 : i32
        %add3A_260 = arith.addi %add3A_259, %add3A_108 : i32
        %get3A_261 = arith.constant 0 : i32
        %get3A_262 = arith.index_cast %get3A_261 : i32 to index
        %get3A_263 = arith.index_cast %add3A_260 : i32 to index
        %get3A_264 = arith.constant 64 : index
        %get3A_265 = tpu.vector_load %arg11[%get3A_262, %get3A_263, %get3A_264] {strides = array<i32>} : memref<2x128x128xf32, #tpu.memory_space<vmem>>, vector<16xf32>,
        %add3A_266 = arith.addf %unpack3A_251, %get3A_265 : vector<16xf32>
        %max3A_267 = arith.maximumf %add3A_258, %add3A_266 : vector<16xf32>
        %get3A_268 = arith.constant 0 : i32
        %get3A_269 = arith.index_cast %get3A_268 : i32 to index
        %get3A_270 = arith.index_cast %add3A_108 : i32 to index
        %get3A_271 = arith.constant 80 : index
        %get3A_272 = tpu.vector_load %arg11[%get3A_269, %get3A_270, %get3A_271] {strides = array<i32>} : memref<2x128x128xf32, #tpu.memory_space<vmem>>, vector<16xf32>,
        %add3A_273 = arith.addf %unpack3A_245, %get3A_272 : vector<16xf32>
        %add3A_274 = arith.constant 16 : i32
        %add3A_275 = arith.addi %add3A_274, %add3A_108 : i32
        %get3A_276 = arith.constant 0 : i32
        %get3A_277 = arith.index_cast %get3A_276 : i32 to index
        %get3A_278 = arith.index_cast %add3A_275 : i32 to index
        %get3A_279 = arith.constant 80 : index
        %get3A_280 = tpu.vector_load %arg11[%get3A_277, %get3A_278, %get3A_279] {strides = array<i32>} : memref<2x128x128xf32, #tpu.memory_space<vmem>>, vector<16xf32>,
        %add3A_281 = arith.addf %unpack3A_252, %get3A_280 : vector<16xf32>
        %max3A_282 = arith.maximumf %add3A_273, %add3A_281 : vector<16xf32>
        %eq3A_283 = arith.constant 0xFF800000 : f32
        %eq3A_284 = vector.broadcast %eq3A_283 : f32 to vector<16xf32>
        %eq3A_285 = arith.cmpf oeq, %max3A_267, %eq3A_284 : vector<16xf32>
        %jit3A_286 = arith.constant 0.000000e+00 : f32
        %broadcast_in_dim3A_287 = vector.broadcast %jit3A_286 : f32 to vector<16xf32>
        %select_n3A_288 = arith.select %eq3A_285, %broadcast_in_dim3A_287, %max3A_267 : vector<16xi1>, vector<16xf32>
        %eq3A_289 = arith.constant 0xFF800000 : f32
        %eq3A_290 = vector.broadcast %eq3A_289 : f32 to vector<16xf32>
        %eq3A_291 = arith.cmpf oeq, %max3A_282, %eq3A_290 : vector<16xf32>
        %jit3A_292 = arith.constant 0.000000e+00 : f32
        %broadcast_in_dim3A_293 = vector.broadcast %jit3A_292 : f32 to vector<16xf32>
        %select_n3A_294 = arith.select %eq3A_291, %broadcast_in_dim3A_293, %max3A_282 : vector<16xi1>, vector<16xf32>
        %add3A_295 = arith.constant 32 : i32
        %add3A_296 = arith.addi %add3A_295, %add3A_108 : i32
        %swap3A_297 = arith.constant 0 : i32
        %swap3A_298 = arith.index_cast %swap3A_297 : i32 to index
        %swap3A_299 = arith.index_cast %add3A_296 : i32 to index
        %swap3A_300 = arith.constant 64 : index
        %swap3A_301 = tpu.vector_load %arg11[%swap3A_298, %swap3A_299, %swap3A_300] {strides = array<i32>} : memref<2x128x128xf32, #tpu.memory_space<vmem>>, vector<16xf32>,
        tpu.vector_store %arg11[%swap3A_298, %swap3A_299, %swap3A_300], %select_n3A_288 {strides = array<i32>} : memref<2x128x128xf32, #tpu.memory_space<vmem>>, vector<16xf32>,
        %add3A_302 = arith.constant 32 : i32
        %add3A_303 = arith.addi %add3A_302, %add3A_108 : i32
        %swap3A_304 = arith.constant 0 : i32
        %swap3A_305 = arith.index_cast %swap3A_304 : i32 to index
        %swap3A_306 = arith.index_cast %add3A_303 : i32 to index
        %swap3A_307 = arith.constant 80 : index
        %swap3A_308 = tpu.vector_load %arg11[%swap3A_305, %swap3A_306, %swap3A_307] {strides = array<i32>} : memref<2x128x128xf32, #tpu.memory_space<vmem>>, vector<16xf32>,
        tpu.vector_store %arg11[%swap3A_305, %swap3A_306, %swap3A_307], %select_n3A_294 {strides = array<i32>} : memref<2x128x128xf32, #tpu.memory_space<vmem>>, vector<16xf32>,
        %get3A_309 = arith.index_cast %add3A_111 : i32 to index
        %get3A_310 = arith.constant 96 : index
        %get3A_311 = tpu.vector_load %arg12[%get3A_309, %get3A_310] {strides = array<i32>} : memref<648x128xbf16, #tpu.memory_space<vmem>>, vector<32xbf16>,
        %unpack3A_312 = tpu.unpack_subelements %get3A_311, 0 {pack_format = #tpu.pack_format<interleaved>} : vector<32xbf16> -> vector<16xf32>
        %unpack3A_313 = tpu.unpack_subelements %get3A_311, 1 {pack_format = #tpu.pack_format<interleaved>} : vector<32xbf16> -> vector<16xf32>
        %add3A_314 = arith.constant 320 : i32
        %add3A_315 = arith.addi %add3A_314, %add3A_111 : i32
        %get3A_316 = arith.index_cast %add3A_315 : i32 to index
        %get3A_317 = arith.constant 96 : index
        %get3A_318 = tpu.vector_load %arg12[%get3A_316, %get3A_317] {strides = array<i32>} : memref<648x128xbf16, #tpu.memory_space<vmem>>, vector<32xbf16>,
        %unpack3A_319 = tpu.unpack_subelements %get3A_318, 0 {pack_format = #tpu.pack_format<interleaved>} : vector<32xbf16> -> vector<16xf32>
        %unpack3A_320 = tpu.unpack_subelements %get3A_318, 1 {pack_format = #tpu.pack_format<interleaved>} : vector<32xbf16> -> vector<16xf32>
        %get3A_321 = arith.constant 0 : i32
        %get3A_322 = arith.index_cast %get3A_321 : i32 to index
        %get3A_323 = arith.index_cast %add3A_108 : i32 to index
        %get3A_324 = arith.constant 96 : index
        %get3A_325 = tpu.vector_load %arg11[%get3A_322, %get3A_323, %get3A_324] {strides = array<i32>} : memref<2x128x128xf32, #tpu.memory_space<vmem>>, vector<16xf32>,
        %add3A_326 = arith.addf %unpack3A_312, %get3A_325 : vector<16xf32>
        %add3A_327 = arith.constant 16 : i32
        %add3A_328 = arith.addi %add3A_327, %add3A_108 : i32
        %get3A_329 = arith.constant 0 : i32
        %get3A_330 = arith.index_cast %get3A_329 : i32 to index
        %get3A_331 = arith.index_cast %add3A_328 : i32 to index
        %get3A_332 = arith.constant 96 : index
        %get3A_333 = tpu.vector_load %arg11[%get3A_330, %get3A_331, %get3A_332] {strides = array<i32>} : memref<2x128x128xf32, #tpu.memory_space<vmem>>, vector<16xf32>,
        %add3A_334 = arith.addf %unpack3A_319, %get3A_333 : vector<16xf32>
        %max3A_335 = arith.maximumf %add3A_326, %add3A_334 : vector<16xf32>
        %get3A_336 = arith.constant 0 : i32
        %get3A_337 = arith.index_cast %get3A_336 : i32 to index
        %get3A_338 = arith.index_cast %add3A_108 : i32 to index
        %get3A_339 = arith.constant 112 : index
        %get3A_340 = tpu.vector_load %arg11[%get3A_337, %get3A_338, %get3A_339] {strides = array<i32>} : memref<2x128x128xf32, #tpu.memory_space<vmem>>, vector<16xf32>,
        %add3A_341 = arith.addf %unpack3A_313, %get3A_340 : vector<16xf32>
        %add3A_342 = arith.constant 16 : i32
        %add3A_343 = arith.addi %add3A_342, %add3A_108 : i32
        %get3A_344 = arith.constant 0 : i32
        %get3A_345 = arith.index_cast %get3A_344 : i32 to index
        %get3A_346 = arith.index_cast %add3A_343 : i32 to index
        %get3A_347 = arith.constant 112 : index
        %get3A_348 = tpu.vector_load %arg11[%get3A_345, %get3A_346, %get3A_347] {strides = array<i32>} : memref<2x128x128xf32, #tpu.memory_space<vmem>>, vector<16xf32>,
        %add3A_349 = arith.addf %unpack3A_320, %get3A_348 : vector<16xf32>
        %max3A_350 = arith.maximumf %add3A_341, %add3A_349 : vector<16xf32>
        %eq3A_351 = arith.constant 0xFF800000 : f32
        %eq3A_352 = vector.broadcast %eq3A_351 : f32 to vector<16xf32>
        %eq3A_353 = arith.cmpf oeq, %max3A_335, %eq3A_352 : vector<16xf32>
        %jit3A_354 = arith.constant 0.000000e+00 : f32
        %broadcast_in_dim3A_355 = vector.broadcast %jit3A_354 : f32 to vector<16xf32>
        %select_n3A_356 = arith.select %eq3A_353, %broadcast_in_dim3A_355, %max3A_335 : vector<16xi1>, vector<16xf32>
        %eq3A_357 = arith.constant 0xFF800000 : f32
        %eq3A_358 = vector.broadcast %eq3A_357 : f32 to vector<16xf32>
        %eq3A_359 = arith.cmpf oeq, %max3A_350, %eq3A_358 : vector<16xf32>
        %jit3A_360 = arith.constant 0.000000e+00 : f32
        %broadcast_in_dim3A_361 = vector.broadcast %jit3A_360 : f32 to vector<16xf32>
        %select_n3A_362 = arith.select %eq3A_359, %broadcast_in_dim3A_361, %max3A_350 : vector<16xi1>, vector<16xf32>
        %add3A_363 = arith.constant 32 : i32
        %add3A_364 = arith.addi %add3A_363, %add3A_108 : i32
        %swap3A_365 = arith.constant 0 : i32
        %swap3A_366 = arith.index_cast %swap3A_365 : i32 to index
        %swap3A_367 = arith.index_cast %add3A_364 : i32 to index
        %swap3A_368 = arith.constant 96 : index
        %swap3A_369 = tpu.vector_load %arg11[%swap3A_366, %swap3A_367, %swap3A_368] {strides = array<i32>} : memref<2x128x128xf32, #tpu.memory_space<vmem>>, vector<16xf32>,
        tpu.vector_store %arg11[%swap3A_366, %swap3A_367, %swap3A_368], %select_n3A_356 {strides = array<i32>} : memref<2x128x128xf32, #tpu.memory_space<vmem>>, vector<16xf32>,
        %add3A_370 = arith.constant 32 : i32
        %add3A_371 = arith.addi %add3A_370, %add3A_108 : i32
        %swap3A_372 = arith.constant 0 : i32
        %swap3A_373 = arith.index_cast %swap3A_372 : i32 to index
        %swap3A_374 = arith.index_cast %add3A_371 : i32 to index
        %swap3A_375 = arith.constant 112 : index
        %swap3A_376 = tpu.vector_load %arg11[%swap3A_373, %swap3A_374, %swap3A_375] {strides = array<i32>} : memref<2x128x128xf32, #tpu.memory_space<vmem>>, vector<16xf32>,
        tpu.vector_store %arg11[%swap3A_373, %swap3A_374, %swap3A_375], %select_n3A_362 {strides = array<i32>} : memref<2x128x128xf32, #tpu.memory_space<vmem>>, vector<16xf32>,
      }
      %scan3A_100 = arith.constant 16 : i32
      %mul3A_101 = arith.constant 16 : i32
      %mul3A_102 = arith.muli %add3A_36, %mul3A_101 : i32
      %add3A_103 = arith.addi %mul3A_2, %mul3A_102 : i32
      %run_scoped3A = arith.constant 0 : i32
      "tpu.region"() ({
        %run_scoped3A_104 = tpu.sem_alloc : memref<!tpu.dma_semaphore, #tpu.memory_space<semaphore_mem>>
        %dma_start3A_105 = arith.constant 32 : i32
        %dma_start3A_106 = arith.constant 0 : i32
        %dma_start3A_107 = tpu.memref_slice %arg11[%run_scoped3A, %dma_start3A_105, %dma_start3A_106] : memref<2x128x128xf32, #tpu.memory_space<vmem>> -> memref<1x16x128xf32, #tpu.memory_space<vmem>>
        %dma_start3A_108 = tpu.memref_squeeze %dma_start3A_107 : memref<1x16x128xf32, #tpu.memory_space<vmem>> -> memref<16x128xf32, #tpu.memory_space<vmem>>
        %dma_start3A_109 = arith.constant 0 : i32
        %dma_start3A_110 = tpu.memref_slice %arg7[%add3A_103, %dma_start3A_109] : memref<10240x128xf32, #tpu.memory_space<hbm>> -> memref<16x128xf32, #tpu.memory_space<hbm>>
        %dma_start3A_111 = arith.constant 0 : i32
        %dma_start3A_112 = tpu.memref_slice %arg7[%add3A_103, %dma_start3A_111] : memref<10240x128xf32, #tpu.memory_space<hbm>> -> memref<16x128xf32, #tpu.memory_space<hbm>>
        %dma_start3A_113 = arith.constant 32 : i32
        %dma_start3A_114 = arith.constant 0 : i32
        %dma_start3A_115 = tpu.memref_slice %arg11[%run_scoped3A, %dma_start3A_113, %dma_start3A_114] : memref<2x128x128xf32, #tpu.memory_space<vmem>> -> memref<1x16x128xf32, #tpu.memory_space<vmem>>
        %dma_start3A_116 = tpu.memref_squeeze %dma_start3A_115 : memref<1x16x128xf32, #tpu.memory_space<vmem>> -> memref<16x128xf32, #tpu.memory_space<vmem>>
        tpu.enqueue_dma source(%dma_start3A_116 : memref<16x128xf32, #tpu.memory_space<vmem>>) target(%dma_start3A_112 : memref<16x128xf32, #tpu.memory_space<hbm>>) target_semaphore(%run_scoped3A_104 : memref<!tpu.dma_semaphore, #tpu.memory_space<semaphore_mem>>)
        %dma_wait3A_117 = arith.constant 32 : i32
        %dma_wait3A_118 = arith.constant 0 : i32
        %dma_wait3A_119 = tpu.memref_slice %arg11[%run_scoped3A, %dma_wait3A_117, %dma_wait3A_118] : memref<2x128x128xf32, #tpu.memory_space<vmem>> -> memref<1x16x128xf32, #tpu.memory_space<vmem>>
        %dma_wait3A_120 = tpu.memref_squeeze %dma_wait3A_119 : memref<1x16x128xf32, #tpu.memory_space<vmem>> -> memref<16x128xf32, #tpu.memory_space<vmem>>
        %dma_wait3A_121 = arith.constant 0 : i32
        %dma_wait3A_122 = tpu.memref_slice %arg7[%add3A_103, %dma_wait3A_121] : memref<10240x128xf32, #tpu.memory_space<hbm>> -> memref<16x128xf32, #tpu.memory_space<hbm>>
        %dma_wait3A_123 = arith.constant 0 : i32
        %dma_wait3A_124 = tpu.memref_slice %arg7[%add3A_103, %dma_wait3A_123] : memref<10240x128xf32, #tpu.memory_space<hbm>> -> memref<16x128xf32, #tpu.memory_space<hbm>>
        %dma_wait3A_125 = arith.constant 32 : i32
        %dma_wait3A_126 = arith.constant 0 : i32
        %dma_wait3A_127 = tpu.memref_slice %arg11[%run_scoped3A, %dma_wait3A_125, %dma_wait3A_126] : memref<2x128x128xf32, #tpu.memory_space<vmem>> -> memref<1x16x128xf32, #tpu.memory_space<vmem>>
        %dma_wait3A_128 = tpu.memref_squeeze %dma_wait3A_127 : memref<1x16x128xf32, #tpu.memory_space<vmem>> -> memref<16x128xf32, #tpu.memory_space<vmem>>
        tpu.wait_dma2 semaphore(%run_scoped3A_104 : memref<!tpu.dma_semaphore, #tpu.memory_space<semaphore_mem>>) src(%dma_wait3A_128 : memref<16x128xf32, #tpu.memory_space<vmem>>) dst(%dma_wait3A_124 : memref<16x128xf32, #tpu.memory_space<hbm>>)
        tpu.yield
      }) : () -> ()
    }
    %scan3A_31 = arith.constant 20 : i32
    return
  }
}

module attributes {stable_mosaic.version = 14 : i64} {
  func.func @_uv_body(%arg0: i32, %arg1: i32, %arg2: memref<512x256xf32, #tpu.memory_space<vmem>>, %arg3: memref<1x256x256xf32, #tpu.memory_space<vmem>>, %arg4: memref<512x128xf32, #tpu.memory_space<vmem>>, %arg5: memref<512x128xf32, #tpu.memory_space<vmem>>) attributes {dimension_semantics = [#tpu.dimension_semantics<arbitrary>, #tpu.dimension_semantics<arbitrary>], iteration_bounds = array<i64: 2, 20>, scalar_prefetch = 0 : i64, scratch_operands = 0 : i64, tpu.core_type = #tpu.core_type<tc>, window_params = [{transform_indices = @transform_0, window_bounds = array<i64: 512, 256>}, {transform_indices = @transform_1, window_bounds = array<i64: 1, 256, 256>}, {transform_indices = @transform_2, window_bounds = array<i64: 512, 128>}, {transform_indices = @transform_3, window_bounds = array<i64: 512, 128>}]} {
    %get3A = arith.constant 0 : index
    %get3A_0 = arith.constant 0 : index
    %get3A_1 = vector.load %arg2[%get3A, %get3A_0] : memref<512x256xf32, #tpu.memory_space<vmem>>, vector<512x256xf32>
    %get3A_2 = arith.constant 0 : index
    %get3A_3 = arith.constant 0 : index
    %get3A_4 = arith.constant 0 : index
    %get3A_5 = vector.load %arg3[%get3A_2, %get3A_3, %get3A_4] : memref<1x256x256xf32, #tpu.memory_space<vmem>>, vector<1x256x256xf32>
    %get3A_6 = vector.shape_cast %get3A_5 : vector<1x256x256xf32> to vector<256x256xf32>
    %dot_general3A = arith.constant dense<0.000000e+00> : vector<512x256xf32>
    %dot_general3A_7 = tpu.matmul %get3A_1, %get3A_6, %dot_general3A {dimension_numbers = #tpu.dot_dimension_numbers<[1], [0], [0], [1], [0, 0, 1, 1], [], []>, transpose_lhs_hint = false} : vector<512x256xf32>, vector<256x256xf32>, vector<512x256xf32> -> vector<512x256xf32>
    %slice3A = vector.extract_strided_slice %dot_general3A_7 {offsets = [0, 0], sizes = [512, 128], strides = [1, 1]} : vector<512x256xf32> to vector<512x128xf32>
    %swap3A = arith.constant 0 : index
    %swap3A_8 = arith.constant 0 : index
    %swap3A_9 = vector.load %arg4[%swap3A, %swap3A_8] : memref<512x128xf32, #tpu.memory_space<vmem>>, vector<512x128xf32>
    tpu.vector_store %arg4[%swap3A, %swap3A_8], %slice3A {strides = array<i32>} : memref<512x128xf32, #tpu.memory_space<vmem>>, vector<512x128xf32>,
    %slice3A_10 = vector.extract_strided_slice %dot_general3A_7 {offsets = [0, 128], sizes = [512, 128], strides = [1, 1]} : vector<512x256xf32> to vector<512x128xf32>
    %swap3A_11 = arith.constant 0 : index
    %swap3A_12 = arith.constant 0 : index
    %swap3A_13 = vector.load %arg5[%swap3A_11, %swap3A_12] : memref<512x128xf32, #tpu.memory_space<vmem>>, vector<512x128xf32>
    tpu.vector_store %arg5[%swap3A_11, %swap3A_12], %slice3A_10 {strides = array<i32>} : memref<512x128xf32, #tpu.memory_space<vmem>>, vector<512x128xf32>,
    return
  }
  func.func @transform_0(%arg0: i32, %arg1: i32) -> (i32, i32) {
    %c0_i32 = arith.constant 0 : i32
    %c0_i32_0 = arith.constant 0 : i32
    return %arg1, %c0_i32 : i32, i32
  }
  func.func @transform_1(%arg0: i32, %arg1: i32) -> (i32, i32, i32) {
    %c0_i32 = arith.constant 0 : i32
    %c0_i32_0 = arith.constant 0 : i32
    %c0_i32_1 = arith.constant 0 : i32
    return %arg0, %c0_i32, %c0_i32_0 : i32, i32, i32
  }
  func.func @transform_2(%arg0: i32, %arg1: i32) -> (i32, i32) {
    %mul3A = arith.constant 20 : i32
    %mul3A_0 = arith.muli %arg0, %mul3A : i32
    %add3A = arith.addi %mul3A_0, %arg1 : i32
    %c0_i32 = arith.constant 0 : i32
    %c0_i32_1 = arith.constant 0 : i32
    return %add3A, %c0_i32 : i32, i32
  }
  func.func @transform_3(%arg0: i32, %arg1: i32) -> (i32, i32) {
    %mul3A = arith.constant 20 : i32
    %mul3A_0 = arith.muli %arg0, %mul3A : i32
    %add3A = arith.addi %mul3A_0, %arg1 : i32
    %c0_i32 = arith.constant 0 : i32
    %c0_i32_1 = arith.constant 0 : i32
    return %add3A, %c0_i32 : i32, i32
  }
}

</mosaic_0001>

<sc_bundles>
// kernel: kernel.4.cloned.1.call-start
scs
__scs_entry_jumppad:
0x0: {  	(pc) =	sbr.rel $0x88, $3  }
0x1: {  	(tag) =	ssettag $0x0;
	lr =	simm.s32 $0x1  }
0x2: {  	[smem:$0x3F9B] =	sst lr;
	_ =	strace $0xD0000000  }
0x3: {  	_ = 	snop  }
0x4: {  	_ = 	snop  }
0x5: {  	_ = 	snop  }
0x6: {  	_ = 	snop  }
0x7: {  	_ = 	snop  }
__scs_overlays_trampoline_lowered:
0x8: {  	[smem:$0x3FAA] =	sst s0  }
0x9: {  	[smem:$0x3FAB] =	sst s1  }
0xa: {  	[smem:$0x3FAC] =	sst s2  }
0xb: {  	[smem:$0x3FAD] =	sst s3  }
0xc: {  	[smem:$0x3FAE] =	sst s4  }
0xd: {  	[smem:$0x3FAF] =	sst s5  }
0xe: {  	[smem:$0x3FB0] =	sst s6  }
0xf: {  	[smem:$0x3FB1] =	sst s7  }
0x10: {  	[smem:$0x3FB2] =	sst s8  }
0x11: {  	[smem:$0x3FB3] =	sst s9;
	s0 =	simm.s32 @!p0 $0x0  }
0x12: {  	s1 =	sld [smem:$0x3F99];
	s0 =	simm.s32 @p0 $0x1  }
0x13: {  	[smem:$0x3FB4] =	sst s0;
	s0 =	simm.s32 @!p1 $0x0  }
0x14: {  	s2 =	sld [smem:$0x3F98];
	s0 =	simm.s32 @p1 $0x1  }
0x15: {  	[smem:$0x3FB5] =	sst s0;
	s0 =	simm.s32 @!p2 $0x0  }
0x16: {  	s3 =	sld [smem:$0x3FDB];
	s0 =	simm.s32 @p2 $0x1  }
0x17: {  	s4 =	simm.s32 $0x1BF5;
	[smem:$0x3FB7] =	sst s0  }
0x18: {  	s0 =	sld [smem:$0x3F9A];
	_ =	swait.ge [sflag:s4], $0x0  }
0x19: {  	s7 =	sld [smem:$0x3F9B]  }
0x1a: {  	s8 =	sadd.s32 $0xFFFFE003, lr  }
0x1b: {  	s9 =	sadd.s32 $0xFFFFFEF7, lr;
	s5 =	simm.s32 $0xFFFFFFFF;
	p2 =	slt.u32 s8, $0xFFFFF086  }
0x1c: {  	p1 =	slt.u32 s9, $0xF7A;
	s5 =	simm.s32 @!p2 $0x0  }
0x1d: {  	s5 =	simm.s32 @p1 $0x1;
	p0 =	seq.s32 s7, s2  }
0x1e: {  	s7 =	smul.u32 @!p0 $0xF7A, s2;
	p2 =	seq.s32 @!p0 s5, $0x0  }
0x1f: {  	s9 =	smul.u32 $0xF7A, s1;
	s8 =	simm.s32 @!p0 $0x1BF5;
	p2 =	por !p2, p0  }
0x20: {  	[sflag:s8] =	ssyncset.s32 @!p0 $0xFFFFF086;
	s6 =	sadd.s32 @!p0 s3, s7;
	s7 =	simm.s32 @!p0 $0x108  }
0x21: {  	s3 =	sadd.s32 s3, s9;
	s6 =	sadd.s32 @!p0 $0x88, s6;
	s7 =	simm.s32 @p2 $0x1082  }
0x22: {  	[simem:s7], [sflag:s8] =	dma.local @!p0 [hbm:s6], $0xF7A  }
0x23: {  	s9 =	sor.u32 $0xD0000000, s2;
	s6 =	simm.s32 $0x108;
	_ =	swait.ge @!p0 [sflag:s8], $0x0  }
0x24: {  	s3 =	sadd.s32 $0x88, s3;
	s6 =	simm.s32 @!p1 $0x1082;
	[sflag:s4] =	ssyncset.s32 $0xFFFFF086  }
0x25: {  	[simem:s6], [sflag:s4] =	dma.local [hbm:s3], $0xF7A  }
0x26: {  	[smem:$0x3F9B] =	sst s1;
	(tag) =	ssettag s2;
	_ =	strace s9  }
0x27: {  	s1 =	sld [smem:$0x3FAB]  }
0x28: {  	s2 =	sld [smem:$0x3FAC]  }
0x29: {  	s4 =	sld [smem:$0x3FAE]  }
0x2a: {  	p0 =	seq.s32 s5, $0x0;
	s5 =	sld [smem:$0x3FAF]  }
0x2b: {  	s6 =	sld [smem:$0x3FB0]  }
0x2c: {  	s7 =	sld [smem:$0x3FB1]  }
0x2d: {  	s3 =	simm.s32 $0x108;
	s8 =	sld [smem:$0x3FB2]  }
0x2e: {  	s3 =	simm.s32 @!p0 $0x1082;
	s9 =	sld [smem:$0x3FB3]  }
0x2f: {  	lr =	sadd.s32 s0, s3;
	s0 =	sld [smem:$0x3FAA]  }
0x30: {  	s3 =	sld [smem:$0x3FAD]  }
0x31: {  	[smem:$0x3FB6] =	sst s10  }
0x32: {  	s10 =	sld [smem:$0x3FB4];
	_ =	sdelay $0x3  }
0x33: {  	p0 =	seq.s32 s10, $0x1;
	s10 =	sld [smem:$0x3FB6];
	_ =	sdelay $0x3  }
0x34: {  	[smem:$0x3FB6] =	sst s10  }
0x35: {  	s10 =	sld [smem:$0x3FB5];
	_ =	sdelay $0x3  }
0x36: {  	p1 =	seq.s32 s10, $0x1;
	s10 =	sld [smem:$0x3FB6];
	_ =	sdelay $0x3  }
0x37: {  	[smem:$0x3FB6] =	sst s10  }
0x38: {  	s10 =	sld [smem:$0x3FB7]  }
0x39: {  	_ = 	snop;
	(pc) =	sbr.ind lr, $3  }
0x3a: {  	_ = 	snop  }
0x3b: {  	_ = 	snop  }
0x3c: {  	p2 =	seq.s32 s10, $0x1;
	s10 =	sld [smem:$0x3FB6]  }
0x3d: {  	_ =	shalt  }
0x3e: {  	_ =	shalt  }
0x3f: {  	_ =	shalt  }
0x40: {  	_ =	shalt  }
0x41: {  	_ =	shalt  }
0x42: {  	_ =	shalt  }
0x43: {  	_ =	shalt  }
0x44: {  	_ =	shalt  }
0x45: {  	_ =	shalt  }
0x46: {  	_ =	shalt  }
0x47: {  	_ =	shalt  }
0x48: {  	_ =	shalt  }
0x49: {  	_ =	shalt  }
0x4a: {  	_ =	shalt  }
0x4b: {  	_ =	shalt  }
0x4c: {  	_ =	shalt  }
0x4d: {  	_ =	shalt  }
0x4e: {  	_ =	shalt  }
0x4f: {  	_ =	shalt  }
0x50: {  	_ =	shalt  }
0x51: {  	_ =	shalt  }
0x52: {  	_ =	shalt  }
0x53: {  	_ =	shalt  }
0x54: {  	_ =	shalt  }
0x55: {  	_ =	shalt  }
0x56: {  	_ =	shalt  }
0x57: {  	_ =	shalt  }
0x58: {  	_ =	shalt  }
0x59: {  	_ =	shalt  }
0x5a: {  	_ =	shalt  }
0x5b: {  	_ =	shalt  }
0x5c: {  	_ =	shalt  }
0x5d: {  	_ =	shalt  }
0x5e: {  	_ =	shalt  }
0x5f: {  	_ =	shalt  }
0x60: {  	_ =	shalt  }
0x61: {  	_ =	shalt  }
0x62: {  	_ =	shalt  }
0x63: {  	_ =	shalt  }
0x64: {  	_ =	shalt  }
0x65: {  	_ =	shalt  }
0x66: {  	_ =	shalt  }
0x67: {  	_ =	shalt  }
0x68: {  	_ =	shalt  }
0x69: {  	_ =	shalt  }
0x6a: {  	_ =	shalt  }
0x6b: {  	_ =	shalt  }
0x6c: {  	_ =	shalt  }
0x6d: {  	_ =	shalt  }
0x6e: {  	_ =	shalt  }
0x6f: {  	_ =	shalt  }
0x70: {  	_ =	shalt  }
0x71: {  	_ =	shalt  }
0x72: {  	_ =	shalt  }
0x73: {  	_ =	shalt  }
0x74: {  	_ =	shalt  }
0x75: {  	_ =	shalt  }
0x76: {  	_ =	shalt  }
0x77: {  	_ =	shalt  }
0x78: {  	_ =	shalt  }
0x79: {  	_ =	shalt  }
0x7a: {  	_ =	shalt  }
0x7b: {  	_ =	shalt  }
0x7c: {  	_ =	shalt  }
0x7d: {  	_ =	shalt  }
0x7e: {  	_ =	shalt  }
0x7f: {  	_ =	shalt  }
0x80: {  	_ =	shalt  }
0x81: {  	_ =	shalt  }
0x82: {  	_ =	shalt  }
0x83: {  	_ =	shalt  }
0x84: {  	_ =	shalt  }
0x85: {  	_ =	shalt  }
0x86: {  	_ =	shalt  }
0x87: {  	_ =	shalt  }
.Lfunc_end0:
.L_simem_size_0:
called_computation_lowered:
.L_overlay_start_0:
0x88: {  	s2 =	sld [smem:$0x3FD9]  }
0x89: {  	s3 =	sld [smem:$0x3FFE];
	_ =	sdelay $0x1  }
0x8a: {  	s1 =	srdreg.scid  }
0x8b: {  	s0 =	sand.u32 $0x1, s1  }
0x8c: {  	s17 =	sshll.u32 s0, $0xA;
	s2 =	sadd.s32 s3, s2  }
0x8d: {  	s2 =	sadd.s32 s2, s17  }
0x8e: {  	[smem:$0x3FC2] =	sst s2  }
0x8f: {  	_ = 	snop  }
0x90: {  	s2 =	sld [smem:$0x3FD0];
	(tm) =	ssettm $0x1  }
0x91: {  	s18 =	sld [smem:$0x3FFB];
	_ =	sdelay $0x3  }
0x92: {  	_ =	strace s18  }
0x93: {  	s3 =	sld [smem:$0x3FFC];
	_ =	sdelay $0x3  }
0x94: {  	_ =	strace s3  }
0x95: {  	s3 =	sld [smem:$0x3FFD];
	_ =	sdelay $0x3  }
0x96: {  	_ =	strace s3  }
0x97: {  	_ =	strace $0x8FFFFFFF  }
0x98: {  	s19 =	sld [smem:$0x3FDB];
	_ =	sdelay $0x1  }
0x99: {  	s4 =	simm.s32 $_scs_section_size  }
0x9a: {  	s5 =	simm.s32 $_size__tile_overlayer_lowered;
	s6 =	simm.s32 $_tile_overlayer_lowered  }
0x9b: {  	s22 =	simm.s32 $0x1BFF;
	s21 =	sshll.u32 s6, $0x1;
	s3 =	sadd.s32 s4, s19  }
0x9c: {  	s7 =	simm.s32 $0x0;
	s20 =	sshll.u32 s5, $0x1;
	s5 =	sadd.s32 s21, s3  }
0x9d: {  	[timem:s7], [sflag:s22] =	dma.local [hbm:s5], s20  }
0x9e: {  	_ =	swait.ge [sflag:s22], s20  }
0x9f: {  	s4 =	ssub.s32 $0x0, s20;
	[sflag:s22] =	ssyncset.done $0x0  }
0xa0: {  	[sflag:s22] =	ssyncadd.s32 s4;
	_ =	sdelay $0x1  }
0xa1: {  	s23 =	simm.s32 $0x1B8B  }
0xa2: {  	_ =	swait.ge [sflag:s23], $0x1  }
0xa3: {  	[sflag:s23] =	ssyncset.done $0x0  }
0xa4: {  	s25 =	simm.s32 $0x1B8E;
	s24 =	sld [smem:$0x3FFE];
	[sflag:s23] =	ssyncadd.s32 $0xFFFFFFFF  }
0xa5: {  	s26 =	simm.s32 $execute0_lowered;
	[smem:$0x3FD2] =	sst s25  }
0xa6: {  	s5 =	sshll.u32 s26, $0x1;
	_ =	strace $0x80000046;
	[dreg:$0x1] =	wrdreg $0xFFFFFFFF  }
0xa7: {  	s28 =	simm.s32 $_size_execute0_lowered;
	s3 =	sadd.s32 s3, s5;
	[dreg:$0x0] =	wrdreg $0x0  }
0xa8: {  	s5 =	sshll.u32 s28, $0x1;
	[dreg:$0x2] =	wrdreg s3  }
0xa9: {  	[dreg:$0x3] =	wrdreg s5  }
0xaa: {  	[dreg:$0x4] =	wrdreg $0xC0  }
0xab: {  	_ =	task [dreg:s7], $0x5FFFF  }
0xac: {  	[dreg:$0x1] =	wrdreg $0xFFFFFFFF  }
0xad: {  	[dreg:$0x0] =	wrdreg $0x60  }
0xae: {  	[dreg:$0x2] =	wrdreg s24  }
0xaf: {  	[dreg:$0x3] =	wrdreg s2  }
0xb0: {  	[dreg:$0x4] =	wrdreg $0x9  }
0xb1: {  	_ =	task.clear_ibuf [dreg:s7], $0x5FFFF;
	_ =	strace $0x90000046  }
0xb2: {  	s29 =	simm.s32 $0x9;
	_ =	strace $0x80000048  }
0xb3: {  	_ =	swait.ge [sflag:s29], $0x1  }
0xb4: {  	[sflag:s29] =	ssyncadd.s32 $0xFFFFFFFF  }
0xb5: {  	_ =	strace $0x90000048  }
0xb6: {  	_ =	sfence  }
0xb7: {  	s30 =	sld [smem:$0x0];
	_ =	sdelay $0x2  }
0xb8: {  	s31 =	sshll.u32 s1, $0xD;
	s1 =	sshrl.u32 s1, $0x2  }
0xb9: {  	s3 =	sand.u32 $0x4000, s31;
	s1 =	sadd.s32 s1, s30  }
0xba: {  	s0 =	sor.u32 s3, s0;
	s1 =	sshll.u32 s1, $0x11  }
0xbb: {  	s0 =	sor.u32 s1, s0  }
0xbc: {  	s0 =	sadd.s32 $0x8F2B, s0  }
0xbd: {  	[sflag:s0] =	ssyncadd.remote.s32 $0x1  }
0xbe: {  	_ =	sfence.sel $0xFFFF  }
0xbf: {  	[dreg:$0x0] =	wrdreg $0xFFFFFFFF;
	(pc) =	sbr.abs _section_cstart, $3  }
0xc0: {  	[dreg:$0x1] =	wrdreg $0xFFFFFFFF  }
0xc1: {  	_ =	task.clear_ibuf [dreg:s7], $0x2FFFF;
	_ =	strace $0x9FFFFFFF  }
0xc2: {  	(tm) =	ssettm $0x7FFFFFFF  }
0xc3: {  	_ =	shalt  }
tec
execute0_lowered:
.L_overlay_start_1:
0x0: {  	(tag) =	ssettag $0x1  }
0x1: {  	s0 =	rddreg [dreg:$0x0]  }
0x2: {  	s1 =	rddreg [dreg:$0x1];
	s2 =	simm.s32 $0x0;
	s3 =	srdreg.scid  }
0x3: {  	[smem:$0x7FF] =	sst s2;
	s4 =	sadd.s32 $0x1A00, s0;
	s7 =	sadd.s32 $0x51A00, s0  }
0x4: {  	s12 =	sadd.s32 $0x1800, s0;
	_ =	strace $0x80000047;
	[dreg:$0x3] =	wrdreg s7  }
0x5: {  	s5 =	sadd.s32 $0x52A00, s0;
	s16 =	sadd.s32 $0x51F00, s0;
	[dreg:$0x4] =	wrdreg s12  }
0x6: {  	s8 =	sadd.s32 $0xA2A00, s0;
	s0 =	sadd.s32 $0x52400, s0;
	[dreg:$0x5] =	wrdreg s16  }
0x7: {  	s6 =	stileid.u32;
	s18 =	sadd.s32 $0x10, s1;
	[dreg:$0x6] =	wrdreg s0  }
0x8: {  	s28 =	simm.s32 $0x2380;
	s19 =	sadd.s32 $0x20, s1;
	[dreg:$0x8] =	wrdreg s18  }
0x9: {  	s29 =	simm.s32 $0x3D00;
	s20 =	sadd.s32 $0x30, s1;
	[dreg:$0x9] =	wrdreg s19  }
0xa: {  	s30 =	simm.s32 $0x4500;
	s21 =	sadd.s32 $0x40, s1;
	[dreg:$0xa] =	wrdreg s20  }
0xb: {  	s31 =	simm.s32 $0x4D00;
	s22 =	sadd.s32 $0x50, s1;
	[dreg:$0xb] =	wrdreg s21  }
0xc: {  	s3 =	sand.u32 $0x1, s3;
	s23 =	sadd.s32 $0x60, s1;
	[dreg:$0xc] =	wrdreg s22  }
0xd: {  	s6 =	sshll.u32 s6, $0x1;
	s24 =	sadd.s32 $0x70, s1;
	[dreg:$0xd] =	wrdreg s23  }
0xe: {  	s25 =	sadd.s32 $0x80, s1;
	s26 =	sadd.s32 $0x90, s1;
	[dreg:$0xe] =	wrdreg s24  }
0xf: {  	s13 =	ssub.s32 $0x2, s3;
	s3 =	sor.u32 s3, s6;
	[dreg:$0xf] =	wrdreg s25  }
0x10: {  	[dreg:$0x10] =	wrdreg s26;
	s23 =	simm.s32 $0x15F00;
	s9 =	smul.u32 $0x140, s3  }
0x11: {  	s24 =	simm.s32 $0x4;
	s25 =	simm.s32 $0x18700;
	s14 =	sshrl.u32 s13, $0x1  }
0x12: {  	v3 =	vimm.bf16 $-Inf;
	v4 =	vimm.s32 $0xA000000;
	s26 =	simm.s32 $0x1AF00;
	s0 =	simm.s32 $0x1;
	s15 =	ssub.s32 s13, s14;
	v0 =	vmov s9  }
0x13: {  	v5 =	vimm.s32 $0x2800;
	v6 =	vimm.s32 $0x0;
	s7 =	simm.s32 $0x0;
	s17 =	sadd.s32 $0x140, s9;
	s3 =	smax.u32 s15, $0x1;
	v2 =	vsub.s32 $0x0, v0  }
0x14: {  	v7 =	vlaneseq.u32;
	s12 =	sadd.s32 $0x2800, s9;
	[dreg:$0x7] =	wrdreg s3;
	v1 =	vmov s17;
	s3 =	simm.s32 $0x80;
	v2 =	vbroadcast v2, $0x0  }
.LBB2_1:
0x15: {  	[dreg:$0x11] =	wrdreg s7  }
0x16: {  	s6 =	rddreg [dreg:$0x3]  }
0x17: {  	[tilespmem:s23], [sflag:$0x4] =	stream.linear.gather [hbm4b:s6+s2], $0x2800, $0x38;
	[tilespmem:$0x1D800] =	vst v63  }
0x18: {  	_ =	swait.ge [sflag:s24], $0x2800  }
0x19: {  	[sflag:s24] =	ssyncset.done $0x0  }
0x1a: {  	s18 =	rddreg [dreg:$0x5];
	[sflag:s24] =	ssyncadd.s32 $0xFFFFD800  }
0x1b: {  	[tilespmem:s25], [sflag:$0x4] =	stream.linear.gather [hbm4b:s18+s2], $0x2800, $0x38;
	[tilespmem:$0x1D800] =	vst v63  }
0x1c: {  	_ =	swait.ge [sflag:s24], $0x2800  }
0x1d: {  	[sflag:s24] =	ssyncset.done $0x0  }
0x1e: {  	s19 =	rddreg [dreg:$0x6];
	[sflag:s24] =	ssyncadd.s32 $0xFFFFD800  }
0x1f: {  	[tilespmem:s26], [sflag:$0x4] =	stream.linear.gather [hbm4b:s19+s2], $0x2800, $0x38;
	[tilespmem:$0x1D800] =	vst v63  }
0x20: {  	_ =	swait.ge [sflag:s24], $0x2800  }
0x21: {  	[sflag:s24] =	ssyncset.done $0x0  }
0x22: {  	s21 =	simm.s32 $0x1D700;
	s20 =	rddreg [dreg:$0x4];
	[sflag:s24] =	ssyncadd.s32 $0xFFFFD800  }
0x23: {  	[tilespmem:s21], [sflag:$0x4] =	stream.linear.gather [hbm4b:s20+s2], $0x100, $0x38;
	[tilespmem:$0x1D800] =	vst v63  }
0x24: {  	_ =	swait.ge [sflag:s24], $0x100  }
0x25: {  	s22 =	simm.s32 $0x0;
	s10 =	simm.s32 $0x0;
	[sflag:s24] =	ssyncset.done $0x0  }
0x26: {  	s6 =	simm.s32 $0x1;
	s7 =	sand.u32 $0xFF80, s22;
	[sflag:s24] =	ssyncadd.s32 $0xFFFFFF00  }
.LBB2_2:
0x27: {  	p0 =	sne.s32 s6, $0x287;
	s6 =	sadd.s32 $0x1, s6;
	[tilespmem:s7+$0xBD60] =	vst v3;
	s10 =	sadd.s32 $0x80, s10  }
.Ltmp0:
0x28: {  	[tilespmem:s7+$0xBD40] =	vst v3;
	(pc) =	sbr.rel @p0 .LBB2_2-.Ltmp0, $4  }
0x29: {  	[tilespmem:s7+$0xBD00] =	vst v3  }
0x2a: {  	[tilespmem:s7+$0xBD20] =	vst v3  }
0x2b: {  	s7 =	sshrl.u32 s10, $0x1  }
0x2c: {  	s7 =	sand.u32 $0xFF80, s7  }
0x2d: {  	[tilespmem:s7+$0xBD60] =	vst v3  }
0x2e: {  	[tilespmem:s7+$0xBD40] =	vst v3  }
0x2f: {  	[tilespmem:s7+$0xBD00] =	vst v3  }
0x30: {  	[tilespmem:s7+$0xBD20] =	vst v3;
	s7 =	simm.s32 $0x0  }
0x31: {  	[tilespmem:s7], [sflag:$0x1] =	stream.linear.gather [hbm4b:s1+s7], $0x80, $0x38;
	[tilespmem:$0x1D800] =	vst v63  }
0x32: {  	s6 =	rddreg [dreg:$0x8];
	s10 =	simm.s32 $0x100  }
0x33: {  	[tilespmem:s10], [sflag:$0x1] =	stream.linear.gather [hbm4b:s6+s7], $0x80, $0x38;
	[tilespmem:$0x1D800] =	vst v63  }
0x34: {  	s19 =	rddreg [dreg:$0x9];
	s20 =	simm.s32 $0x200  }
0x35: {  	[tilespmem:s20], [sflag:$0x1] =	stream.linear.gather [hbm4b:s19+s7], $0x80, $0x38;
	[tilespmem:$0x1D800] =	vst v63  }
0x36: {  	s21 =	rddreg [dreg:$0xa];
	s22 =	simm.s32 $0x300  }
0x37: {  	[tilespmem:s22], [sflag:$0x1] =	stream.linear.gather [hbm4b:s21+s7], $0x80, $0x38;
	[tilespmem:$0x1D800] =	vst v63  }
0x38: {  	s11 =	simm.s32 $0x400;
	s10 =	rddreg [dreg:$0xb]  }
0x39: {  	[tilespmem:s11], [sflag:$0x1] =	stream.linear.gather [hbm4b:s10+s7], $0x80, $0x38;
	[tilespmem:$0x1D800] =	vst v63  }
0x3a: {  	s13 =	rddreg [dreg:$0xc];
	s14 =	simm.s32 $0x500  }
0x3b: {  	[tilespmem:s14], [sflag:$0x1] =	stream.linear.gather [hbm4b:s13+s7], $0x80, $0x38;
	[tilespmem:$0x1D800] =	vst v63  }
0x3c: {  	s15 =	rddreg [dreg:$0xd];
	s16 =	simm.s32 $0x600  }
0x3d: {  	[tilespmem:s16], [sflag:$0x1] =	stream.linear.gather [hbm4b:s15+s7], $0x80, $0x38;
	[tilespmem:$0x1D800] =	vst v63  }
0x3e: {  	s17 =	rddreg [dreg:$0xe];
	s18 =	simm.s32 $0x700  }
0x3f: {  	[tilespmem:s18], [sflag:$0x1] =	stream.linear.gather [hbm4b:s17+s7], $0x80, $0x38;
	[tilespmem:$0x1D800] =	vst v63  }
.Ltmp1:
0x40: {  	_ = 	snop;
	(pc) =	sbr.rel .LBB2_4-.Ltmp1, $4  }
0x41: {  	s19 =	rddreg [dreg:$0xf];
	s20 =	simm.s32 $0x800  }
0x42: {  	[tilespmem:s20], [sflag:$0x1] =	stream.linear.gather [hbm4b:s19+s7], $0x80, $0x38;
	[tilespmem:$0x1D800] =	vst v63  }
0x43: {  	s21 =	rddreg [dreg:$0x10];
	s22 =	simm.s32 $0x900  }
0x44: {  	[tilespmem:s22], [sflag:$0x1] =	stream.linear.gather [hbm4b:s21+s7], $0x80, $0x38;
	[tilespmem:$0x1D800] =	vst v63  }
.LBB2_13:
0x45: {  	s7 =	sadd.s32 $0x1, s7  }
0x46: {  	p0 =	sne.s32 s7, $0x32  }
.Ltmp2:
0x47: {  	_ = 	snop;
	(pc) =	sbr.rel @!p0 .LBB2_14-.Ltmp2, $2  }
0x48: {  	_ =	sdelay $0x2  }
0x49: {  	s10 =	simm.s32 $0x0  }
.LBB2_4:
0x4a: {  	s10 =	smul.u32 $0x5, s7;
	s13 =	simm.s32 $0x0;
	s11 =	simm.s32 $0x0  }
.LBB2_5:
0x4b: {  	_ = 	snop  }
0x4c: {  	s6 =	sadd.s32 s10, s11  }
0x4d: {  	p0 =	sgt.u32 s6, $0xF8  }
0x4e: {  	_ =	swait.ge [sflag:s0], $0x500;
	s14 =	sadd.s32 @!p0 $0x1, s6  }
0x4f: {  	[sflag:s0] =	ssyncset.done $0x0;
	s15 =	smul.u32 @!p0 $0xA0, s14  }
0x50: {  	[sflag:s0] =	ssyncadd.s32 $0xFFFFFB00;
	s14 =	sshll.u32 @!p0 s14, $0x7  }
0x51: {  	s16 =	simm.s32 @!p0 $0x0;
	s14 =	sand.u32 @!p0 $0x80, s14;
	s15 =	sadd.s32 @!p0 s1, s15  }
0x52: {  	[tilespmem:s14], [sflag:$0x1] =	stream.linear.gather @!p0 [hbm4b:s15+s16], $0x80, $0x38;
	[tilespmem:$0x1D800] =	vst v63  }
0x53: {  	s18 =	sor.u32 @!p0 $0x100, s14;
	s17 =	sadd.s32 @!p0 $0x10, s15  }
0x54: {  	[tilespmem:s18], [sflag:$0x1] =	stream.linear.gather @!p0 [hbm4b:s17+s16], $0x80, $0x38;
	[tilespmem:$0x1D800] =	vst v63  }
0x55: {  	s17 =	sadd.s32 @!p0 $0x20, s15;
	s18 =	sor.u32 @!p0 $0x200, s14  }
0x56: {  	[tilespmem:s18], [sflag:$0x1] =	stream.linear.gather @!p0 [hbm4b:s17+s16], $0x80, $0x38;
	[tilespmem:$0x1D800] =	vst v63  }
0x57: {  	s17 =	sadd.s32 @!p0 $0x30, s15;
	s18 =	sor.u32 @!p0 $0x300, s14  }
0x58: {  	[tilespmem:s18], [sflag:$0x1] =	stream.linear.gather @!p0 [hbm4b:s17+s16], $0x80, $0x38;
	[tilespmem:$0x1D800] =	vst v63  }
0x59: {  	s17 =	sadd.s32 @!p0 $0x40, s15;
	s18 =	sor.u32 @!p0 $0x400, s14  }
0x5a: {  	[tilespmem:s18], [sflag:$0x1] =	stream.linear.gather @!p0 [hbm4b:s17+s16], $0x80, $0x38;
	[tilespmem:$0x1D800] =	vst v63  }
0x5b: {  	s17 =	sadd.s32 @!p0 $0x50, s15;
	s18 =	sor.u32 @!p0 $0x500, s14  }
0x5c: {  	[tilespmem:s18], [sflag:$0x1] =	stream.linear.gather @!p0 [hbm4b:s17+s16], $0x80, $0x38;
	[tilespmem:$0x1D800] =	vst v63  }
0x5d: {  	s17 =	sadd.s32 @!p0 $0x60, s15;
	s18 =	sor.u32 @!p0 $0x600, s14  }
0x5e: {  	[tilespmem:s18], [sflag:$0x1] =	stream.linear.gather @!p0 [hbm4b:s17+s16], $0x80, $0x38;
	[tilespmem:$0x1D800] =	vst v63  }
0x5f: {  	s6 =	sshll.u32 s6, $0x7;
	s17 =	sadd.s32 @!p0 $0x70, s15;
	s18 =	sor.u32 @!p0 $0x700, s14  }
0x60: {  	[tilespmem:s18], [sflag:$0x1] =	stream.linear.gather @!p0 [hbm4b:s17+s16], $0x80, $0x38;
	[tilespmem:$0x1D800] =	vst v63  }
0x61: {  	s6 =	sand.u32 $0x80, s6;
	s17 =	sadd.s32 @!p0 $0x80, s15;
	s18 =	sor.u32 @!p0 $0x800, s14  }
0x62: {  	[tilespmem:s18], [sflag:$0x1] =	stream.linear.gather @!p0 [hbm4b:s17+s16], $0x80, $0x38;
	[tilespmem:$0x1D800] =	vst v63  }
0x63: {  	v8 =	vmov s6;
	s15 =	sadd.s32 @!p0 $0x90, s15;
	s14 =	sor.u32 @!p0 $0x900, s14  }
0x64: {  	[tilespmem:s14], [sflag:$0x1] =	stream.linear.gather @!p0 [hbm4b:s15+s16], $0x80, $0x38;
	[tilespmem:$0x1D800] =	vst v63  }
0x65: {  	s15 =	simm.s32 $0x0  }
0x66: {  	s16 =	sand.u32 $0x40, s15;
	s6 =	sand.u32 $0xF00, s15  }
0x67: {  	s6 =	sor.u32 s16, s6  }
0x68: {  	v9 =	vld.idx.msk [tilespmem:v8+s6+$0x0 ss:$0x1], $0xffff;
	_ =	sdelay $0x4  }
0x69: {  	v10 =	vand.u32 $0x3FFF, v9  }
0x6a: {  	vm0 =	vge.u32 v10, v0;
	vm1 =	vlt.u32 v10, v1  }
0x6b: {  	vm0 =	vmand vm0, vm1  }
0x6c: {  	v10 =	vshra.s32 v9, $0xE;
	[tilespmem:s13+$0xA00] =	vst.msk vm0, v9;
	v9 =	vmpcnt.ones.xlane vm0  }
0x6d: {  	[tilespmem:s13+$0x2380] =	vst.msk vm0, v10  }
0x6e: {  	v10 =	vld.idx.msk [tilespmem:v8+s6+$0x10 ss:$0x1], $0xffff;
	(v2sf) =	vpush v9, $0x0;
	_ =	sdelay $0x4  }
0x6f: {  	v9 =	vand.u32 $0x3FFF, v10  }
0x70: {  	vm0 =	vge.u32 v9, v0;
	vm1 =	vlt.u32 v9, v1  }
0x71: {  	vm0 =	vmand vm0, vm1  }
0x72: {  	v9 =	vmpcnt.ones.xlane vm0;
	_ =	sdelay $0x1  }
0x73: {  	(v2sf) =	vpush v9, $0x0;
	_ =	sdelay $0x4  }
0x74: {  	s17 =	spop (v2sf)  }
0x75: {  	s18 =	sadd.s32 s13, s17  }
0x76: {  	v9 =	vshra.s32 v10, $0xE;
	[tilespmem:s18+$0xA00] =	vst.msk vm0, v10  }
0x77: {  	[tilespmem:s18+$0x2380] =	vst.msk vm0, v9  }
0x78: {  	v9 =	vld.idx.msk [tilespmem:v8+s6+$0x20 ss:$0x1], $0xffff;
	_ =	sdelay $0x4  }
0x79: {  	v10 =	vand.u32 $0x3FFF, v9  }
0x7a: {  	vm0 =	vge.u32 v10, v0;
	vm1 =	vlt.u32 v10, v1;
	s19 =	spop (v2sf)  }
0x7b: {  	s13 =	sadd.s32 s18, s19;
	vm0 =	vmand vm0, vm1  }
0x7c: {  	[tilespmem:s13+$0xA00] =	vst.msk vm0, v9;
	v9 =	vshra.s32 v9, $0xE;
	v10 =	vmpcnt.ones.xlane vm0  }
0x7d: {  	[tilespmem:s13+$0x2380] =	vst.msk vm0, v9  }
0x7e: {  	v9 =	vld.idx.msk [tilespmem:v8+s6+$0x30 ss:$0x1], $0xffff;
	(v2sf) =	vpush v10, $0x0;
	_ =	sdelay $0x4  }
0x7f: {  	v10 =	vand.u32 $0x3FFF, v9  }
0x80: {  	vm0 =	vge.u32 v10, v0;
	vm1 =	vlt.u32 v10, v1  }
0x81: {  	vm0 =	vmand vm0, vm1  }
0x82: {  	v10 =	vmpcnt.ones.xlane vm0;
	_ =	sdelay $0x1  }
0x83: {  	(v2sf) =	vpush v10, $0x0;
	_ =	sdelay $0x4  }
0x84: {  	s20 =	spop (v2sf)  }
0x85: {  	s14 =	simm.s32 $0x40;
	s6 =	sadd.s32 s13, s20;
	s13 =	simm.s32 $0x80  }
0x86: {  	s21 =	sand.u32 $0x40, s14;
	s22 =	sand.u32 $0xF00, s13;
	[tilespmem:s6+$0xA00] =	vst.msk vm0, v9;
	v9 =	vshra.s32 v9, $0xE  }
0x87: {  	s16 =	sor.u32 s21, s22;
	[tilespmem:s6+$0x2380] =	vst.msk vm0, v9  }
0x88: {  	v9 =	vld.idx.msk [tilespmem:v8+s16+$0x0 ss:$0x1], $0xffff;
	_ =	sdelay $0x4  }
0x89: {  	v11 =	vand.u32 $0x3FFF, v9  }
0x8a: {  	s15 =	simm.s32 $0x4;
	v10 =	vshra.s32 v9, $0xE;
	vm0 =	vge.u32 v11, v0;
	vm1 =	vlt.u32 v11, v1;
	s17 =	spop (v2sf)  }
.LBB2_6:
0x8b: {  	s15 =	sadd.s32 $0x4, s15;
	vm0 =	vmand vm0, vm1;
	s6 =	sadd.s32 s6, s17  }
0x8c: {  	p0 =	slt.u32 s15, $0x4C;
	[tilespmem:s6+$0xA00] =	vst.msk vm0, v9;
	v9 =	vmpcnt.ones.xlane vm0  }
0x8d: {  	[tilespmem:s6+$0x2380] =	vst.msk vm0, v10  }
0x8e: {  	v10 =	vld.idx.msk [tilespmem:v8+s16+$0x10 ss:$0x1], $0xffff;
	(v2sf) =	vpush v9, $0x0;
	_ =	sdelay $0x5  }
0x8f: {  	v9 =	vand.u32 $0x3FFF, v10  }
0x90: {  	vm0 =	vge.u32 v9, v0;
	vm1 =	vlt.u32 v9, v1  }
0x91: {  	vm0 =	vmand vm0, vm1  }
0x92: {  	v9 =	vmpcnt.ones.xlane vm0;
	_ =	sdelay $0x1  }
0x93: {  	(v2sf) =	vpush v9, $0x0;
	_ =	sdelay $0x3  }
0x94: {  	s17 =	spop (v2sf)  }
0x95: {  	s6 =	sadd.s32 s6, s17  }
0x96: {  	v9 =	vshra.s32 v10, $0xE;
	[tilespmem:s6+$0xA00] =	vst.msk vm0, v10  }
0x97: {  	[tilespmem:s6+$0x2380] =	vst.msk vm0, v9  }
0x98: {  	v9 =	vld.idx.msk [tilespmem:v8+s16+$0x20 ss:$0x1], $0xffff;
	_ =	sdelay $0x5  }
0x99: {  	v10 =	vand.u32 $0x3FFF, v9  }
0x9a: {  	vm0 =	vge.u32 v10, v0;
	vm1 =	vlt.u32 v10, v1;
	s17 =	spop (v2sf)  }
0x9b: {  	vm0 =	vmand vm0, vm1;
	s6 =	sadd.s32 s6, s17  }
0x9c: {  	v10 =	vmpcnt.ones.xlane vm0;
	[tilespmem:s6+$0xA00] =	vst.msk vm0, v9;
	v9 =	vshra.s32 v9, $0xE  }
0x9d: {  	[tilespmem:s6+$0x2380] =	vst.msk vm0, v9  }
0x9e: {  	v9 =	vld.idx.msk [tilespmem:v8+s16+$0x30 ss:$0x1], $0xffff;
	(v2sf) =	vpush v10, $0x0;
	_ =	sdelay $0x5  }
0x9f: {  	v10 =	vand.u32 $0x3FFF, v9  }
0xa0: {  	vm0 =	vge.u32 v10, v0;
	vm1 =	vlt.u32 v10, v1  }
0xa1: {  	vm0 =	vmand vm0, vm1  }
0xa2: {  	v10 =	vmpcnt.ones.xlane vm0;
	_ =	sdelay $0x1  }
0xa3: {  	(v2sf) =	vpush v10, $0x0;
	_ =	sdelay $0x3  }
0xa4: {  	s16 =	spop (v2sf)  }
0xa5: {  	s13 =	sadd.s32 $0x80, s13;
	s14 =	sadd.s32 $0x40, s14;
	s6 =	sadd.s32 s6, s16  }
0xa6: {  	s17 =	sand.u32 $0xF00, s13;
	s16 =	sand.u32 $0x40, s14;
	[tilespmem:s6+$0xA00] =	vst.msk vm0, v9;
	v9 =	vshra.s32 v9, $0xE  }
0xa7: {  	s16 =	sor.u32 s16, s17;
	[tilespmem:s6+$0x2380] =	vst.msk vm0, v9  }
0xa8: {  	v9 =	vld.idx.msk [tilespmem:v8+s16+$0x0 ss:$0x1], $0xffff;
	_ =	sdelay $0x2  }
.Ltmp3:
0xa9: {  	(pc) =	sbr.rel @p0 .LBB2_6-.Ltmp3, $3  }
0xaa: {  	_ =	sdelay $0x1  }
0xab: {  	v11 =	vand.u32 $0x3FFF, v9;
	v10 =	vshra.s32 v9, $0xE  }
0xac: {  	vm0 =	vge.u32 v11, v0;
	vm1 =	vlt.u32 v11, v1;
	s17 =	spop (v2sf)  }
0xad: {  	_ = 	snop  }
0xae: {  	vm0 =	vmand vm0, vm1;
	s6 =	sadd.s32 s6, s17  }
0xaf: {  	[tilespmem:s6+$0xA00] =	vst.msk vm0, v9;
	v56 =	vmpcnt.ones.xlane vm0  }
0xb0: {  	[tilespmem:s6+$0x2380] =	vst.msk vm0, v10  }
0xb1: {  	v10 =	vld.idx.msk [tilespmem:v8+s16+$0x10 ss:$0x1], $0xffff;
	(v2sf) =	vpush v56, $0x0;
	_ =	sdelay $0x4  }
0xb2: {  	v57 =	vand.u32 $0x3FFF, v10  }
0xb3: {  	vm10 =	vge.u32 v57, v0;
	vm11 =	vlt.u32 v57, v1  }
0xb4: {  	vm0 =	vmand vm10, vm11  }
0xb5: {  	v58 =	vmpcnt.ones.xlane vm0;
	_ =	sdelay $0x1  }
0xb6: {  	(v2sf) =	vpush v58, $0x0;
	_ =	sdelay $0x4  }
0xb7: {  	s13 =	spop (v2sf)  }
0xb8: {  	s6 =	sadd.s32 s6, s13  }
0xb9: {  	v59 =	vshra.s32 v10, $0xE;
	[tilespmem:s6+$0xA00] =	vst.msk vm0, v10  }
0xba: {  	[tilespmem:s6+$0x2380] =	vst.msk vm0, v59  }
0xbb: {  	v9 =	vld.idx.msk [tilespmem:v8+s16+$0x20 ss:$0x1], $0xffff;
	_ =	sdelay $0x4  }
0xbc: {  	v60 =	vand.u32 $0x3FFF, v9  }
0xbd: {  	vm12 =	vge.u32 v60, v0;
	vm13 =	vlt.u32 v60, v1;
	s20 =	spop (v2sf)  }
0xbe: {  	s6 =	sadd.s32 s6, s20;
	vm0 =	vmand vm12, vm13  }
0xbf: {  	[tilespmem:s6+$0xA00] =	vst.msk vm0, v9;
	v9 =	vshra.s32 v9, $0xE  }
0xc0: {  	[tilespmem:s6+$0x2380] =	vst.msk vm0, v9  }
0xc1: {  	v8 =	vld.idx.msk [tilespmem:v8+s16+$0x30 ss:$0x1], $0xffff;
	_ =	sdelay $0x4  }
0xc2: {  	v61 =	vand.u32 $0x3FFF, v8  }
0xc3: {  	v62 =	vmpcnt.ones.xlane vm0;
	vm14 =	vge.u32 v61, v0;
	vm15 =	vlt.u32 v61, v1  }
0xc4: {  	vm0 =	vmand vm14, vm15  }
0xc5: {  	(v2sf) =	vpush v62, $0x0;
	v63 =	vmpcnt.ones.xlane vm0;
	_ =	sdelay $0x1  }
0xc6: {  	(v2sf) =	vpush v63, $0x0;
	_ =	sdelay $0x9  }
0xc7: {  	s11 =	sadd.s32 $0x1, s11  }
0xc8: {  	p0 =	sne.s32 s11, $0x5  }
.Ltmp4:
0xc9: {  	_ = 	snop;
	(pc) =	sbr.rel @p0 .LBB2_5-.Ltmp4, $4  }
0xca: {  	s21 =	spop (v2sf)  }
0xcb: {  	s6 =	sadd.s32 s6, s21  }
0xcc: {  	[tilespmem:s6+$0xA00] =	vst.msk vm0, v8;
	v8 =	vshra.s32 v8, $0xE;
	s22 =	spop (v2sf)  }
0xcd: {  	[tilespmem:s6+$0x2380] =	vst.msk vm0, v8;
	s13 =	sadd.s32 s6, s22  }
0xce: {  	[tilespmem:s13+$0xA00] =	vst v4  }
0xcf: {  	[tilespmem:s13+$0x2380] =	vst v5  }
0xd0: {  	[tilespmem:s13+$0xA10] =	vst v4  }
0xd1: {  	[tilespmem:s13+$0x2390] =	vst v5;
	s6 =	sadd.s32 $0x7F, s13  }
0xd2: {  	[tilespmem:s13+$0xA20] =	vst v4;
	s10 =	sand.u32 $0x7F, s6  }
0xd3: {  	[tilespmem:s13+$0x23A0] =	vst v5;
	s22 =	sshra.s32 s6, $0x1F;
	p1 =	slt.s32 s6, $0x1;
	p0 =	sne.s32 s10, $0x0  }
0xd4: {  	[tilespmem:s13+$0xA30] =	vst v4;
	s10 =	sshrl.u32 s22, $0x19;
	p0 =	por !p1, !p0  }
0xd5: {  	[tilespmem:s13+$0x23B0] =	vst v5;
	s6 =	sadd.s32 s10, s6;
	s10 =	simm.s32 $0x1;
	p0 =	por !p0, !p0  }
0xd6: {  	[tilespmem:s13+$0xA40] =	vst v4;
	s6 =	sshra.s32 s6, $0x7;
	s10 =	simm.s32 @!p0 $0x0  }
0xd7: {  	[tilespmem:s13+$0x23C0] =	vst v5;
	s10 =	ssub.s32 s6, s10  }
0xd8: {  	[tilespmem:s13+$0xA50] =	vst v4;
	p0 =	slt.s32 s10, $0x1  }
.Ltmp5:
0xd9: {  	[tilespmem:s13+$0x23D0] =	vst v5;
	(pc) =	sbr.rel @p0 .LBB2_13-.Ltmp5, $4  }
0xda: {  	[tilespmem:s13+$0xA60] =	vst v4  }
0xdb: {  	[tilespmem:s13+$0x23E0] =	vst v5  }
0xdc: {  	[tilespmem:s13+$0xA70] =	vst v4  }
0xdd: {  	[tilespmem:s13+$0x23F0] =	vst v5  }
0xde: {  	[tilespmem:s29], [sflag:$0x2] =	stream.indirect.gather [hbm4b:s4+s3], $0x80, s28, s3, $0xb8;
	[tilespmem:$0x1D800] =	vst v63  }
0xdf: {  	p0 =	seq.s32 s10, $0x1;
	s20 =	simm.s32 $0x0  }
0xe0: {  	s6 =	simm.s32 @!p0 $0x80;
	s11 =	simm.s32 @!p0 $0x2400;
	s14 =	simm.s32 @!p0 $0x7D00  }
0xe1: {  	[tilespmem:s14], [sflag:$0x3] =	stream.indirect.gather @!p0 [hbm4b:s4+s6], $0x80, s11, s6, $0xb8;
	[tilespmem:$0x1D800] =	vst v63  }
0xe2: {  	v8 =	vmov s13;
	s13 =	simm.s32 $0xA00;
	p0 =	por $0x0, $0x0;
	s14 =	simm.s32 $0x0  }
.LBB2_10:
0xe3: {  	s11 =	sand.u32 $0x1, s14;
	v9 =	vmov s13  }
0xe4: {  	s15 =	sor.u32 $0x2, s11  }
0xe5: {  	_ =	swait.ge [sflag:s15], $0x4000  }
0xe6: {  	[sflag:s15] =	ssyncset.done $0x0  }
0xe7: {  	s6 =	simm.s32 $0x0;
	[sflag:s15] =	ssyncadd.s32 $0xFFFFC000  }
0xe8: {  	v10 =	vld.idx.msk [tilespmem:v9+s6+$0x0 ss:$0x1], $0xffff;
	_ =	sdelay $0x4  }
0xe9: {  	v11 =	vshra.s32 v10, $0xE  }
0xea: {  	v10 =	vand.u32 $0x3FFF, v10;
	vm0 =	vgt.s32 v11, $0x27FF  }
0xeb: {  	v12 =	vsel vm0, $0xFFFFD800, v6  }
0xec: {  	v11 =	vadd.s32 v11, v12;
	_ =	sdelay $0x2  }
0xed: {  	v12 =	vld.idx.msk [tilespmem:v10+s25+$0x0], $0xffff  }
0xee: {  	v13 =	vld.idx.msk [tilespmem:v10+s23+$0x0], $0xffff  }
0xef: {  	v14 =	vld.idx.msk [tilespmem:v11+s23+$0x0], $0xffff  }
0xf0: {  	v15 =	vld.idx.msk [tilespmem:v11+s25+$0x0], $0xffff  }
0xf1: {  	v16 =	vld.idx.msk [tilespmem:v10+s26+$0x0], $0xffff  }
0xf2: {  	v11 =	vld.idx.msk [tilespmem:v11+s26+$0x0], $0xffff;
	_ =	sdelay $0x2  }
0xf3: {  	v13 =	vsub.f32 v13, v14;
	v12 =	vsub.f32 v12, v15;
	_ =	sdelay $0x1  }
0xf4: {  	v11 =	vsub.f32 v16, v11;
	v13 =	vmul.f32 v13, v13;
	v12 =	vmul.f32 v12, v12;
	_ =	sdelay $0x1  }
0xf5: {  	v11 =	vmul.f32 v11, v11;
	v12 =	vadd.f32 v12, v13;
	_ =	sdelay $0x1  }
0xf6: {  	v11 =	vadd.f32 v11, v12;
	_ =	sdelay $0x1  }
0xf7: {  	v12 =	vshra.s32 v11, $0x1;
	v13 =	vmul.f32 $5.000000000e-01, v11  }
0xf8: {  	v10 =	vadd.s32 v2, v10;
	v12 =	vsub.s32 $0x5F3759DF, v12  }
0xf9: {  	v14 =	vor.u32 s20, v7;
	v15 =	vsel vm0, $0x140, v6;
	v60 =	vmul.f32 v12, v13  }
0xfa: {  	vm1 =	vlt.s32 v14, v8;
	v10 =	vadd.s32 v15, v10  }
0xfb: {  	v10 =	vnsel vm1, $0x280, v10;
	v14 =	vmul.f32 v12, v60  }
0xfc: {  	v10 =	vshll.u32 v10, $0x7  }
0xfd: {  	v10 =	vshra.s32 v10, $0x1;
	v14 =	vsub.f32 $1.500000000e+00, v14  }
0xfe: {  	v15 =	vsel vm0, $0x1, v6;
	(v2sf) =	vpush v10, $0x0  }
0xff: {  	(v2sf) =	vpush v10, $0x1;
	v10 =	vmul.f32 v12, v14;
	v12 =	vshll.u32 v15, $0x7  }
0x100: {  	(v2sf) =	vpush v12, $0x0  }
0x101: {  	v14 =	vmul.f32 v10, v13;
	_ =	sdelay $0x1  }
0x102: {  	v14 =	vmul.f32 v14, v10;
	_ =	sdelay $0x1  }
0x103: {  	v14 =	vsub.f32 $1.500000000e+00, v14;
	_ =	sdelay $0x1  }
0x104: {  	v10 =	vmul.f32 v14, v10;
	_ =	sdelay $0x1  }
0x105: {  	v13 =	vmul.f32 v10, v13;
	_ =	sdelay $0x1  }
0x106: {  	v13 =	vmul.f32 v13, v10;
	_ =	sdelay $0x1  }
0x107: {  	s17 =	spop (v2sf);
	v13 =	vsub.f32 $1.500000000e+00, v13  }
0x108: {  	s16 =	simm.s32 $0x1;
	s21 =	spop (v2sf)  }
0x109: {  	s16 =	simm.s32 @!p0 $0x0;
	v10 =	vmul.f32 v13, v10;
	s18 =	spop (v2sf)  }
0x10a: {  	s16 =	sshll.u32 s16, $0xE;
	v13 =	vld [tilespmem:s18+$0x1D710]  }
0x10b: {  	s16 =	sor.u32 $0x3D80, s16;
	v14 =	vld [tilespmem:s18+$0x1D700];
	v10 =	vmul.f32 v10, v11  }
0x10c: {  	vm15 =	vlt.f32 v11, $1.000000000e-30;
	v15 =	vld [tilespmem:s16+$0xFFFFFF80]  }
0x10d: {  	v11 =	vld [tilespmem:s16+$0xFFFFFF90];
	v10 =	vsel vm15, $0x0, v10  }
0x10e: {  	v61 =	vbroadcast v10, $0x0  }
0x10f: {  	s17 =	sand.u32 $0xFFFFFF80, s17  }
0x110: {  	v17 =	vld [tilespmem:s17+$0xBD00];
	v14 =	vmul.f32 v61, v14;
	v13 =	vmul.f32 v61, v13;
	_ =	sdelay $0x1  }
0x111: {  	v14 =	vadd.f32 v14, v15;
	v11 =	vadd.f32 v13, v11;
	_ =	sdelay $0x1  }
0x112: {  	v11 =	vpack.i.f32.bf16 v11, v14  }
0x113: {  	v11 =	vmax.bf16 v17, v11  }
0x114: {  	[tilespmem:s17+$0xBD00] =	vst v11  }
0x115: {  	v11 =	vld [tilespmem:s18+$0x1D720]  }
0x116: {  	v13 =	vld [tilespmem:s18+$0x1D730]  }
0x117: {  	v14 =	vld [tilespmem:s16+$0xFFFFFFB0]  }
0x118: {  	v15 =	vld [tilespmem:s16+$0xFFFFFFA0];
	_ =	sdelay $0x2  }
0x119: {  	v62 =	vld [tilespmem:s17+$0xBD20];
	v11 =	vmul.f32 v61, v11;
	v13 =	vmul.f32 v61, v13;
	_ =	sdelay $0x1  }
0x11a: {  	v11 =	vadd.f32 v11, v15;
	v13 =	vadd.f32 v13, v14;
	_ =	sdelay $0x1  }
0x11b: {  	v11 =	vpack.i.f32.bf16 v13, v11  }
0x11c: {  	v11 =	vmax.bf16 v62, v11  }
0x11d: {  	[tilespmem:s17+$0xBD20] =	vst v11  }
0x11e: {  	v11 =	vld [tilespmem:s18+$0x1D740]  }
0x11f: {  	v13 =	vld [tilespmem:s18+$0x1D750]  }
0x120: {  	v14 =	vld [tilespmem:s16+$0xFFFFFFC0]  }
0x121: {  	v15 =	vld [tilespmem:s16+$0xFFFFFFD0];
	_ =	sdelay $0x2  }
0x122: {  	v63 =	vld [tilespmem:s17+$0xBD40];
	v11 =	vmul.f32 v61, v11;
	v13 =	vmul.f32 v61, v13;
	_ =	sdelay $0x1  }
0x123: {  	v11 =	vadd.f32 v11, v14;
	v13 =	vadd.f32 v13, v15;
	_ =	sdelay $0x1  }
0x124: {  	(v2sf) =	vpush v12, $0x1;
	v11 =	vpack.i.f32.bf16 v13, v11  }
0x125: {  	v11 =	vmax.bf16 v63, v11  }
0x126: {  	[tilespmem:s17+$0xBD40] =	vst v11  }
0x127: {  	v11 =	vld [tilespmem:s18+$0x1D760]  }
0x128: {  	v12 =	vld [tilespmem:s18+$0x1D770]  }
0x129: {  	v13 =	vld [tilespmem:s16+$0xFFFFFFE0]  }
0x12a: {  	v14 =	vld [tilespmem:s16+$0xFFFFFFF0];
	_ =	sdelay $0x2  }
0x12b: {  	v15 =	vld [tilespmem:s17+$0xBD60];
	v11 =	vmul.f32 v11, v61;
	v12 =	vmul.f32 v12, v61;
	_ =	sdelay $0x1  }
0x12c: {  	v11 =	vadd.f32 v11, v13;
	v12 =	vadd.f32 v12, v14;
	_ =	sdelay $0x1  }
0x12d: {  	v11 =	vpack.i.f32.bf16 v12, v11  }
0x12e: {  	v11 =	vmax.bf16 v15, v11  }
0x12f: {  	s22 =	spop (v2sf);
	[tilespmem:s17+$0xBD60] =	vst v11  }
0x130: {  	v11 =	vld [tilespmem:s22+$0x1D710]  }
0x131: {  	v12 =	vld [tilespmem:s22+$0x1D700]  }
0x132: {  	v13 =	vld [tilespmem:s16+$0x10]  }
0x133: {  	v14 =	vld [tilespmem:s16+$0x0]  }
0x134: {  	v10 =	vbroadcast v10, $0x1  }
0x135: {  	s21 =	sand.u32 $0xFFFFFF80, s21  }
0x136: {  	v15 =	vld [tilespmem:s21+$0xBD00];
	v11 =	vmul.f32 v11, v10;
	v12 =	vmul.f32 v12, v10;
	_ =	sdelay $0x1  }
0x137: {  	v11 =	vadd.f32 v11, v13;
	v12 =	vadd.f32 v12, v14;
	_ =	sdelay $0x1  }
0x138: {  	v11 =	vpack.i.f32.bf16 v11, v12  }
0x139: {  	v11 =	vmax.bf16 v15, v11  }
0x13a: {  	[tilespmem:s21+$0xBD00] =	vst v11  }
0x13b: {  	v11 =	vld [tilespmem:s22+$0x1D720]  }
0x13c: {  	v13 =	vld [tilespmem:s22+$0x1D730]  }
0x13d: {  	v14 =	vld [tilespmem:s16+$0x20]  }
0x13e: {  	v15 =	vld [tilespmem:s16+$0x30];
	_ =	sdelay $0x2  }
0x13f: {  	v12 =	vld [tilespmem:s21+$0xBD20];
	v11 =	vmul.f32 v11, v10;
	v13 =	vmul.f32 v13, v10;
	_ =	sdelay $0x1  }
0x140: {  	v11 =	vadd.f32 v11, v14;
	v13 =	vadd.f32 v13, v15;
	_ =	sdelay $0x1  }
0x141: {  	v11 =	vpack.i.f32.bf16 v13, v11  }
0x142: {  	v11 =	vmax.bf16 v12, v11  }
0x143: {  	[tilespmem:s21+$0xBD20] =	vst v11  }
0x144: {  	v11 =	vld [tilespmem:s22+$0x1D740]  }
0x145: {  	v12 =	vld [tilespmem:s22+$0x1D750]  }
0x146: {  	v14 =	vld [tilespmem:s16+$0x40]  }
0x147: {  	v15 =	vld [tilespmem:s16+$0x50];
	_ =	sdelay $0x2  }
0x148: {  	v13 =	vld [tilespmem:s21+$0xBD40];
	v11 =	vmul.f32 v11, v10;
	v12 =	vmul.f32 v12, v10;
	_ =	sdelay $0x1  }
0x149: {  	v11 =	vadd.f32 v11, v14;
	v12 =	vadd.f32 v12, v15;
	_ =	sdelay $0x1  }
0x14a: {  	v12 =	vpack.i.f32.bf16 v12, v11  }
0x14b: {  	v12 =	vmax.bf16 v13, v12  }
0x14c: {  	s19 =	sshll.u32 s11, $0xE;
	s11 =	smov.u32 s20;
	v11 =	vld [tilespmem:s21+$0xBD60];
	[tilespmem:s21+$0xBD40] =	vst v12  }
0x14d: {  	s18 =	simm.s32 $0x40;
	s17 =	sor.u32 $0x3D00, s19;
	s19 =	smov.u32 s16;
	v12 =	vld [tilespmem:s22+$0x1D760]  }
.LBB2_11:
0x14e: {  	p1 =	sne.s32 s18, $0x1C0;
	v13 =	vld [tilespmem:s22+$0x1D770];
	s11 =	sadd.s32 $0x10, s11;
	s16 =	sadd.s32 $0x800, s16  }
0x14f: {  	s6 =	smov.u32 s18;
	s18 =	sadd.s32 $0x40, s18;
	v14 =	vld [tilespmem:s19+$0x60]  }
0x150: {  	v15 =	vld [tilespmem:s19+$0x70];
	s19 =	smov.u32 s16;
	_ =	sdelay $0x1  }
0x151: {  	v12 =	vmul.f32 v12, v10  }
0x152: {  	v10 =	vmul.f32 v13, v10;
	_ =	sdelay $0x1  }
0x153: {  	v12 =	vadd.f32 v12, v14;
	v10 =	vadd.f32 v10, v15  }
0x154: {  	s6 =	sshra.s32 s6, $0x2  }
0x155: {  	v10 =	vpack.i.f32.bf16 v10, v12  }
0x156: {  	v10 =	vmax.bf16 v11, v10  }
0x157: {  	[tilespmem:s21+$0xBD60] =	vst v10  }
0x158: {  	v10 =	vld.idx.msk [tilespmem:v9+s6+$0x0 ss:$0x1], $0xffff;
	_ =	sdelay $0x5  }
0x159: {  	v11 =	vshra.s32 v10, $0xE;
	v10 =	vand.u32 $0x3FFF, v10  }
0x15a: {  	v12 =	vor.u32 s11, v7;
	vm0 =	vgt.s32 v11, $0x27FF;
	v13 =	vadd.s32 v2, v10  }
0x15b: {  	v14 =	vsel vm0, $0x1, v6;
	v15 =	vsel vm0, $0x140, v6;
	v16 =	vsel vm0, $0xFFFFD800, v6  }
0x15c: {  	vm0 =	vlt.s32 v12, v8;
	v12 =	vadd.s32 v15, v13;
	v11 =	vadd.s32 v11, v16  }
0x15d: {  	v12 =	vnsel vm0, $0x280, v12  }
0x15e: {  	v12 =	vshll.u32 v12, $0x7;
	v13 =	vld.idx.msk [tilespmem:v10+s25+$0x0], $0xffff  }
0x15f: {  	v12 =	vshra.s32 v12, $0x1;
	v15 =	vld.idx.msk [tilespmem:v10+s23+$0x0], $0xffff  }
0x160: {  	v10 =	vld.idx.msk [tilespmem:v10+s26+$0x0], $0xffff;
	(v2sf) =	vpush v12, $0x0  }
0x161: {  	v16 =	vld.idx.msk [tilespmem:v11+s23+$0x0], $0xffff;
	(v2sf) =	vpush v12, $0x1  }
0x162: {  	v12 =	vld.idx.msk [tilespmem:v11+s25+$0x0], $0xffff  }
0x163: {  	v11 =	vld.idx.msk [tilespmem:v11+s26+$0x0], $0xffff;
	_ =	sdelay $0x3  }
0x164: {  	v15 =	vsub.f32 v15, v16  }
0x165: {  	v12 =	vsub.f32 v13, v12  }
0x166: {  	v10 =	vsub.f32 v10, v11  }
0x167: {  	v11 =	vmul.f32 v15, v15;
	v12 =	vmul.f32 v12, v12;
	_ =	sdelay $0x1  }
0x168: {  	v10 =	vmul.f32 v10, v10;
	v11 =	vadd.f32 v12, v11;
	_ =	sdelay $0x1  }
0x169: {  	v10 =	vadd.f32 v10, v11  }
0x16a: {  	s22 =	spop (v2sf)  }
0x16b: {  	v11 =	vshra.s32 v10, $0x1;
	v12 =	vmul.f32 $5.000000000e-01, v10;
	s21 =	spop (v2sf)  }
0x16c: {  	v11 =	vsub.s32 $0x5F3759DF, v11  }
0x16d: {  	v13 =	vmul.f32 v11, v12;
	_ =	sdelay $0x1  }
0x16e: {  	v13 =	vmul.f32 v11, v13;
	_ =	sdelay $0x1  }
0x16f: {  	v13 =	vsub.f32 $1.500000000e+00, v13;
	_ =	sdelay $0x1  }
0x170: {  	v11 =	vmul.f32 v11, v13;
	v13 =	vshll.u32 v14, $0x7  }
0x171: {  	(v2sf) =	vpush v13, $0x0  }
0x172: {  	v14 =	vmul.f32 v11, v12;
	_ =	sdelay $0x1  }
0x173: {  	v14 =	vmul.f32 v14, v11;
	_ =	sdelay $0x1  }
0x174: {  	v14 =	vsub.f32 $1.500000000e+00, v14;
	_ =	sdelay $0x1  }
0x175: {  	v11 =	vmul.f32 v14, v11;
	_ =	sdelay $0x1  }
0x176: {  	v12 =	vmul.f32 v11, v12;
	_ =	sdelay $0x1  }
0x177: {  	v12 =	vmul.f32 v12, v11;
	_ =	sdelay $0x1  }
0x178: {  	v12 =	vsub.f32 $1.500000000e+00, v12;
	_ =	sdelay $0x1  }
0x179: {  	v11 =	vmul.f32 v12, v11;
	s6 =	spop (v2sf)  }
0x17a: {  	v12 =	vld [tilespmem:s6+$0x1D710]  }
0x17b: {  	v11 =	vmul.f32 v11, v10;
	v14 =	vld [tilespmem:s6+$0x1D700]  }
0x17c: {  	vm0 =	vlt.f32 v10, $1.000000000e-30;
	v10 =	vld [tilespmem:s16+$0xFFFFFF90]  }
0x17d: {  	v11 =	vsel vm0, $0x0, v11;
	v15 =	vld [tilespmem:s16+$0xFFFFFF80]  }
0x17e: {  	v16 =	vbroadcast v11, $0x0  }
0x17f: {  	s22 =	sand.u32 $0xFFFFFF80, s22  }
0x180: {  	v12 =	vmul.f32 v16, v12;
	v14 =	vmul.f32 v16, v14;
	v17 =	vld [tilespmem:s22+$0xBD00];
	_ =	sdelay $0x1  }
0x181: {  	v10 =	vadd.f32 v12, v10;
	v14 =	vadd.f32 v14, v15;
	_ =	sdelay $0x1  }
0x182: {  	v10 =	vpack.i.f32.bf16 v10, v14  }
0x183: {  	v10 =	vmax.bf16 v17, v10  }
0x184: {  	[tilespmem:s22+$0xBD00] =	vst v10  }
0x185: {  	v10 =	vld [tilespmem:s6+$0x1D720]  }
0x186: {  	v12 =	vld [tilespmem:s6+$0x1D730]  }
0x187: {  	v14 =	vld [tilespmem:s16+$0xFFFFFFB0]  }
0x188: {  	v15 =	vld [tilespmem:s16+$0xFFFFFFA0];
	_ =	sdelay $0x1  }
0x189: {  	v10 =	vmul.f32 v16, v10  }
0x18a: {  	v12 =	vmul.f32 v16, v12;
	v17 =	vld [tilespmem:s22+$0xBD20];
	_ =	sdelay $0x1  }
0x18b: {  	v10 =	vadd.f32 v10, v15;
	v12 =	vadd.f32 v12, v14;
	_ =	sdelay $0x1  }
0x18c: {  	v10 =	vpack.i.f32.bf16 v12, v10  }
0x18d: {  	v10 =	vmax.bf16 v17, v10  }
0x18e: {  	[tilespmem:s22+$0xBD20] =	vst v10  }
0x18f: {  	v10 =	vld [tilespmem:s6+$0x1D740]  }
0x190: {  	v12 =	vld [tilespmem:s6+$0x1D750]  }
0x191: {  	v14 =	vld [tilespmem:s16+$0xFFFFFFC0]  }
0x192: {  	v15 =	vld [tilespmem:s16+$0xFFFFFFD0];
	_ =	sdelay $0x1  }
0x193: {  	v10 =	vmul.f32 v16, v10  }
0x194: {  	v12 =	vmul.f32 v16, v12;
	v17 =	vld [tilespmem:s22+$0xBD40];
	_ =	sdelay $0x1  }
0x195: {  	v10 =	vadd.f32 v10, v14;
	v12 =	vadd.f32 v12, v15;
	_ =	sdelay $0x1  }
0x196: {  	v10 =	vpack.i.f32.bf16 v12, v10;
	(v2sf) =	vpush v13, $0x1  }
0x197: {  	v10 =	vmax.bf16 v17, v10  }
0x198: {  	[tilespmem:s22+$0xBD40] =	vst v10  }
0x199: {  	v10 =	vld [tilespmem:s6+$0x1D760]  }
0x19a: {  	v12 =	vld [tilespmem:s6+$0x1D770]  }
0x19b: {  	v13 =	vld [tilespmem:s16+$0xFFFFFFE0]  }
0x19c: {  	s21 =	sand.u32 $0xFFFFFF80, s21;
	v14 =	vld [tilespmem:s16+$0xFFFFFFF0]  }
0x19d: {  	v15 =	vld [tilespmem:s21+$0xBD20]  }
0x19e: {  	v10 =	vmul.f32 v10, v16  }
0x19f: {  	v12 =	vmul.f32 v12, v16;
	v16 =	vld [tilespmem:s22+$0xBD60];
	_ =	sdelay $0x1  }
0x1a0: {  	v10 =	vadd.f32 v10, v13;
	v12 =	vadd.f32 v12, v14;
	_ =	sdelay $0x1  }
0x1a1: {  	v10 =	vpack.i.f32.bf16 v12, v10  }
0x1a2: {  	v10 =	vmax.bf16 v16, v10  }
0x1a3: {  	[tilespmem:s22+$0xBD60] =	vst v10;
	s22 =	spop (v2sf)  }
0x1a4: {  	v12 =	vld [tilespmem:s22+$0x1D710]  }
0x1a5: {  	v13 =	vld [tilespmem:s22+$0x1D700]  }
0x1a6: {  	v14 =	vld [tilespmem:s16+$0x10]  }
0x1a7: {  	v10 =	vbroadcast v11, $0x1;
	v16 =	vld [tilespmem:s16+$0x0]  }
0x1a8: {  	v17 =	vld [tilespmem:s21+$0xBD00]  }
0x1a9: {  	v12 =	vmul.f32 v12, v10;
	v18 =	vld [tilespmem:s21+$0xBD40]  }
0x1aa: {  	v13 =	vmul.f32 v13, v10;
	v11 =	vld [tilespmem:s21+$0xBD60]  }
0x1ab: {  	v12 =	vadd.f32 v12, v14  }
0x1ac: {  	v13 =	vadd.f32 v13, v16;
	_ =	sdelay $0x1  }
0x1ad: {  	v12 =	vpack.i.f32.bf16 v12, v13  }
0x1ae: {  	v12 =	vmax.bf16 v17, v12  }
0x1af: {  	[tilespmem:s21+$0xBD00] =	vst v12  }
0x1b0: {  	v12 =	vld [tilespmem:s22+$0x1D720]  }
0x1b1: {  	v13 =	vld [tilespmem:s22+$0x1D730]  }
0x1b2: {  	v14 =	vld [tilespmem:s16+$0x20]  }
0x1b3: {  	v16 =	vld [tilespmem:s16+$0x30];
	_ =	sdelay $0x1  }
0x1b4: {  	v12 =	vmul.f32 v12, v10  }
0x1b5: {  	v13 =	vmul.f32 v13, v10;
	_ =	sdelay $0x1  }
0x1b6: {  	v12 =	vadd.f32 v12, v14;
	v13 =	vadd.f32 v13, v16;
	_ =	sdelay $0x1  }
0x1b7: {  	v12 =	vpack.i.f32.bf16 v13, v12  }
0x1b8: {  	v12 =	vmax.bf16 v15, v12  }
0x1b9: {  	[tilespmem:s21+$0xBD20] =	vst v12  }
0x1ba: {  	v12 =	vld [tilespmem:s22+$0x1D740]  }
0x1bb: {  	v13 =	vld [tilespmem:s22+$0x1D750]  }
0x1bc: {  	v14 =	vld [tilespmem:s16+$0x40]  }
0x1bd: {  	v15 =	vld [tilespmem:s16+$0x50];
	_ =	sdelay $0x1  }
0x1be: {  	v12 =	vmul.f32 v12, v10  }
0x1bf: {  	v13 =	vmul.f32 v13, v10;
	_ =	sdelay $0x1  }
0x1c0: {  	v12 =	vadd.f32 v12, v14;
	v13 =	vadd.f32 v13, v15  }
.Ltmp6:
0x1c1: {  	(pc) =	sbr.rel @p1 .LBB2_11-.Ltmp6, $4  }
0x1c2: {  	v12 =	vpack.i.f32.bf16 v13, v12  }
0x1c3: {  	v12 =	vmax.bf16 v18, v12  }
0x1c4: {  	[tilespmem:s21+$0xBD40] =	vst v12  }
0x1c5: {  	v12 =	vld [tilespmem:s22+$0x1D760]  }
0x1c6: {  	v9 =	vld [tilespmem:s22+$0x1D770]  }
0x1c7: {  	v13 =	vld [tilespmem:s19+$0x60]  }
0x1c8: {  	v14 =	vld [tilespmem:s19+$0x70];
	_ =	sdelay $0x2  }
0x1c9: {  	v12 =	vmul.f32 v12, v10;
	v9 =	vmul.f32 v9, v10;
	_ =	sdelay $0x1  }
0x1ca: {  	s6 =	sadd.s32 $0x2, s14;
	v10 =	vadd.f32 v12, v13;
	v9 =	vadd.f32 v9, v14  }
0x1cb: {  	p1 =	sge.s32 s6, s10  }
0x1cc: {  	s6 =	sshll.u32 @!p1 s6, $0x9;
	v9 =	vpack.i.f32.bf16 v9, v10  }
0x1cd: {  	s6 =	sshra.s32 @!p1 s6, $0x2;
	v9 =	vmax.bf16 v11, v9  }
0x1ce: {  	s14 =	sadd.s32 $0x1, s14;
	s11 =	simm.s32 @!p1 $0x80;
	s6 =	sadd.s32 @!p1 $0x2380, s6;
	[tilespmem:s21+$0xBD60] =	vst v9  }
0x1cf: {  	[tilespmem:s17], [sflag:s15] =	stream.indirect.gather @!p1 [hbm4b:s4+s11], $0x80, s6, s11, $0xb8;
	[tilespmem:$0x1D800] =	vst v63  }
0x1d0: {  	p1 =	sne.s32 s14, s10  }
.Ltmp7:
0x1d1: {  	_ = 	snop;
	(pc) =	sbr.rel @p1 .LBB2_10-.Ltmp7, $4  }
.Ltmp8:
0x1d2: {  	_ = 	snop;
	(pc) =	sbr.rel @!p1 .LBB2_13-.Ltmp8, $4  }
0x1d3: {  	_ = 	snop  }
0x1d4: {  	_ = 	snop  }
0x1d5: {  	s20 =	sadd.s32 $0x80, s20;
	s13 =	sadd.s32 $0x80, s13;
	p0 =	por !p0, !p0  }
0x1d6: {  	_ = 	snop  }
.LBB2_14:
0x1d7: {  	s7 =	simm.s32 $0x0;
	s11 =	simm.s32 $0x0  }
.LBB2_15:
0x1d8: {  	s6 =	sshll.u32 s11, $0x4  }
0x1d9: {  	s13 =	sadd.s32 s9, s6  }
0x1da: {  	s13 =	sshll.u32 s13, $0x4  }
0x1db: {  	s14 =	sadd.s32 s5, s13  }
0x1dc: {  	[tilespmem:s29], [sflag:$0x1] =	stream.linear.gather [hbm4b:s14+s10], $0x800, $0x38;
	[tilespmem:$0x1D800] =	vst v63  }
0x1dd: {  	s6 =	sadd.s32 s6, s12;
	_ =	swait.ge [sflag:s0], $0x800  }
0x1de: {  	s6 =	sshll.u32 s6, $0x4;
	[sflag:s0] =	ssyncset.done $0x0  }
0x1df: {  	s6 =	sadd.s32 s5, s6;
	[sflag:s0] =	ssyncadd.s32 $0xFFFFF800  }
0x1e0: {  	[tilespmem:s30], [sflag:$0x1] =	stream.linear.gather [hbm4b:s6+s10], $0x800, $0x38;
	[tilespmem:$0x1D800] =	vst v63  }
0x1e1: {  	_ =	swait.ge [sflag:s0], $0x800  }
0x1e2: {  	s21 =	sadd.s32 $0x0, s7;
	s16 =	simm.s32 $0x4540;
	[sflag:s0] =	ssyncset.done $0x0  }
0x1e3: {  	s22 =	simm.s32 $0x0;
	s6 =	sand.u32 $0xFC00, s21;
	[sflag:s0] =	ssyncadd.s32 $0xFFFFF800  }
0x1e4: {  	s14 =	sand.u32 $0x180, s22;
	s6 =	sshrl.u32 s6, $0x1;
	v8 =	vld [tilespmem:s16+$0xFFFFFFD0]  }
0x1e5: {  	s14 =	sor.u32 s14, s6;
	v9 =	vld [tilespmem:s16+$0xFFFFF7D0]  }
0x1e6: {  	v10 =	vld [tilespmem:s14+$0xBD00]  }
0x1e7: {  	v11 =	vld [tilespmem:s14+$0x10D00]  }
0x1e8: {  	v12 =	vld [tilespmem:s16+$0xFFFFFFC0]  }
0x1e9: {  	v13 =	vld [tilespmem:s16+$0xFFFFF7C0];
	_ =	sdelay $0x2  }
0x1ea: {  	v14 =	vunpack.i.u.bf16.f32 v10;
	v10 =	vunpack.i.l.bf16.f32 v10;
	v15 =	vunpack.i.u.bf16.f32 v11  }
0x1eb: {  	v11 =	vunpack.i.l.bf16.f32 v11;
	v9 =	vadd.f32 v9, v14;
	v8 =	vadd.f32 v8, v15  }
0x1ec: {  	v11 =	vadd.f32 v12, v11;
	v10 =	vadd.f32 v13, v10  }
0x1ed: {  	v8 =	vmax.f32 v9, v8  }
0x1ee: {  	v9 =	vmax.f32 v10, v11;
	vm0 =	veq.f32 v8, $-Inf  }
0x1ef: {  	vm1 =	veq.f32 v9, $-Inf;
	v8 =	vsel vm0, $0x0, v8  }
0x1f0: {  	v9 =	vsel vm1, $0x0, v9;
	[tilespmem:s16+$0x7D0] =	vst v8  }
0x1f1: {  	s19 =	sadd.s32 $0x10D00, s14;
	[tilespmem:s16+$0x7C0] =	vst v9  }
0x1f2: {  	v9 =	vld [tilespmem:s19+$0x20]  }
0x1f3: {  	v12 =	vld [tilespmem:s16+$0xFFFFFFE0]  }
0x1f4: {  	v8 =	vld [tilespmem:s16+$0xFFFFFFF0]  }
0x1f5: {  	v10 =	vld [tilespmem:s14+$0xBD20]  }
0x1f6: {  	v13 =	vld [tilespmem:s16+$0xFFFFF7E0]  }
0x1f7: {  	v11 =	vunpack.i.u.bf16.f32 v9;
	v14 =	vunpack.i.l.bf16.f32 v9;
	v9 =	vld [tilespmem:s16+$0xFFFFF7F0];
	_ =	sdelay $0x2  }
0x1f8: {  	v15 =	vunpack.i.l.bf16.f32 v10;
	v8 =	vadd.f32 v8, v11  }
0x1f9: {  	s17 =	simm.s32 $0x1;
	s18 =	simm.s32 $0x0;
	s15 =	simm.s32 $0x4540;
	v11 =	vunpack.i.u.bf16.f32 v10;
	v10 =	vadd.f32 v13, v15;
	v12 =	vadd.f32 v12, v14  }
.LBB2_16:
0x1fa: {  	p0 =	sne.s32 s17, $0xF;
	v9 =	vadd.f32 v9, v11;
	s18 =	sadd.s32 $0x80, s18;
	s16 =	sadd.s32 $0x80, s16  }
0x1fb: {  	s17 =	sadd.s32 $0x1, s17;
	v10 =	vmax.f32 v10, v12  }
0x1fc: {  	v8 =	vmax.f32 v9, v8;
	vm0 =	veq.f32 v10, $-Inf  }
0x1fd: {  	v9 =	vsel vm0, $0x0, v10;
	vm0 =	veq.f32 v8, $-Inf  }
0x1fe: {  	v8 =	vsel vm0, $0x0, v8;
	[tilespmem:s15+$0x7E0] =	vst v9;
	v9 =	vld [tilespmem:s15+$0x10]  }
0x1ff: {  	s6 =	sadd.s32 s18, s7;
	[tilespmem:s15+$0x7F0] =	vst v8;
	v8 =	vld [tilespmem:s15+$0xFFFFF800]  }
0x200: {  	s20 =	sshrl.u32 s18, $0x1;
	s6 =	sand.u32 $0xFC00, s6;
	v10 =	vld [tilespmem:s14+$0xBD40]  }
0x201: {  	s20 =	sand.u32 $0x180, s20;
	s6 =	sshrl.u32 s6, $0x1;
	v11 =	vld [tilespmem:s19+$0x40]  }
0x202: {  	s6 =	sor.u32 s20, s6;
	v12 =	vld [tilespmem:s15+$0x0]  }
0x203: {  	v13 =	vld [tilespmem:s15+$0xFFFFF810];
	_ =	sdelay $0x1  }
0x204: {  	v14 =	vunpack.i.u.bf16.f32 v10;
	v10 =	vunpack.i.l.bf16.f32 v10  }
0x205: {  	v15 =	vunpack.i.u.bf16.f32 v11;
	v11 =	vunpack.i.l.bf16.f32 v11;
	v8 =	vadd.f32 v8, v10  }
0x206: {  	v10 =	vadd.f32 v12, v11;
	v9 =	vadd.f32 v9, v15  }
0x207: {  	v11 =	vadd.f32 v13, v14  }
0x208: {  	v8 =	vmax.f32 v8, v10  }
0x209: {  	v9 =	vmax.f32 v11, v9;
	vm0 =	veq.f32 v8, $-Inf  }
0x20a: {  	v8 =	vsel vm0, $0x0, v8;
	vm0 =	veq.f32 v9, $-Inf  }
0x20b: {  	v9 =	vsel vm0, $0x0, v9;
	[tilespmem:s15+$0x800] =	vst v8;
	v8 =	vld [tilespmem:s15+$0xFFFFF830]  }
0x20c: {  	[tilespmem:s15+$0x810] =	vst v9;
	v9 =	vld [tilespmem:s15+$0xFFFFF820]  }
0x20d: {  	v10 =	vld [tilespmem:s14+$0xBD60];
	s14 =	smov.u32 s6  }
0x20e: {  	v11 =	vld [tilespmem:s19+$0x60]  }
0x20f: {  	v12 =	vld [tilespmem:s15+$0x20]  }
0x210: {  	v13 =	vld [tilespmem:s15+$0x30];
	_ =	sdelay $0x1  }
0x211: {  	v14 =	vunpack.i.u.bf16.f32 v10;
	v10 =	vunpack.i.l.bf16.f32 v10  }
0x212: {  	v15 =	vunpack.i.u.bf16.f32 v11;
	v11 =	vunpack.i.l.bf16.f32 v11;
	v9 =	vadd.f32 v9, v10  }
0x213: {  	v8 =	vadd.f32 v8, v14;
	v10 =	vadd.f32 v12, v11  }
0x214: {  	v11 =	vadd.f32 v13, v15  }
0x215: {  	v9 =	vmax.f32 v9, v10  }
0x216: {  	v8 =	vmax.f32 v8, v11;
	vm0 =	veq.f32 v9, $-Inf  }
0x217: {  	v9 =	vsel vm0, $0x0, v9;
	vm0 =	veq.f32 v8, $-Inf  }
0x218: {  	v10 =	vld [tilespmem:s16+$0xFFFFFFD0];
	v8 =	vsel vm0, $0x0, v8;
	[tilespmem:s15+$0x820] =	vst v9  }
0x219: {  	v9 =	vld [tilespmem:s16+$0xFFFFF7D0];
	[tilespmem:s15+$0x830] =	vst v8;
	s15 =	smov.u32 s16  }
0x21a: {  	v8 =	vld [tilespmem:s14+$0xBD00]  }
0x21b: {  	v11 =	vld [tilespmem:s14+$0x10D00]  }
0x21c: {  	v12 =	vld [tilespmem:s16+$0xFFFFFFC0]  }
0x21d: {  	v13 =	vld [tilespmem:s16+$0xFFFFF7C0];
	_ =	sdelay $0x1  }
0x21e: {  	v14 =	vunpack.i.u.bf16.f32 v8;
	v8 =	vunpack.i.l.bf16.f32 v8  }
0x21f: {  	v15 =	vunpack.i.u.bf16.f32 v11;
	v11 =	vunpack.i.l.bf16.f32 v11;
	v9 =	vadd.f32 v9, v14  }
0x220: {  	v11 =	vadd.f32 v12, v11;
	v10 =	vadd.f32 v10, v15  }
0x221: {  	v8 =	vadd.f32 v13, v8  }
0x222: {  	v9 =	vmax.f32 v9, v10  }
0x223: {  	v8 =	vmax.f32 v8, v11;
	vm0 =	veq.f32 v9, $-Inf  }
0x224: {  	vm1 =	veq.f32 v8, $-Inf;
	v9 =	vsel vm0, $0x0, v9  }
0x225: {  	v8 =	vsel vm1, $0x0, v8;
	[tilespmem:s16+$0x7D0] =	vst v9;
	v12 =	vld [tilespmem:s16+$0xFFFFFFE0]  }
0x226: {  	s19 =	sadd.s32 $0x10D00, s14;
	[tilespmem:s16+$0x7C0] =	vst v8;
	v8 =	vld [tilespmem:s16+$0xFFFFFFF0]  }
0x227: {  	v10 =	vld [tilespmem:s19+$0x20]  }
0x228: {  	v13 =	vld [tilespmem:s14+$0xBD20]  }
0x229: {  	v14 =	vld [tilespmem:s16+$0xFFFFF7E0]  }
.Ltmp9:
0x22a: {  	v9 =	vld [tilespmem:s16+$0xFFFFF7F0];
	(pc) =	sbr.rel @p0 .LBB2_16-.Ltmp9, $4  }
0x22b: {  	_ = 	snop  }
0x22c: {  	v15 =	vunpack.i.u.bf16.f32 v10;
	v16 =	vunpack.i.l.bf16.f32 v10  }
0x22d: {  	v11 =	vunpack.i.u.bf16.f32 v13;
	v10 =	vunpack.i.l.bf16.f32 v13;
	v8 =	vadd.f32 v8, v15  }
0x22e: {  	v12 =	vadd.f32 v12, v16;
	v10 =	vadd.f32 v14, v10  }
0x22f: {  	v9 =	vadd.f32 v9, v11  }
0x230: {  	v10 =	vmax.f32 v10, v12  }
0x231: {  	v8 =	vmax.f32 v9, v8;
	vm0 =	veq.f32 v10, $-Inf  }
0x232: {  	v49 =	vsel vm0, $0x0, v10;
	vm11 =	veq.f32 v8, $-Inf  }
0x233: {  	v50 =	vld [tilespmem:s15+$0x10];
	v8 =	vsel vm11, $0x0, v8;
	[tilespmem:s15+$0x7E0] =	vst v49  }
0x234: {  	v53 =	vld [tilespmem:s15+$0x0];
	[tilespmem:s15+$0x7F0] =	vst v8  }
0x235: {  	v51 =	vld [tilespmem:s14+$0xBD40]  }
0x236: {  	v52 =	vld [tilespmem:s19+$0x40]  }
0x237: {  	v8 =	vld [tilespmem:s15+$0xFFFFF800]  }
0x238: {  	v13 =	vld [tilespmem:s15+$0xFFFFF810];
	_ =	sdelay $0x2  }
0x239: {  	v14 =	vunpack.i.u.bf16.f32 v51;
	v10 =	vunpack.i.l.bf16.f32 v51;
	v15 =	vunpack.i.l.bf16.f32 v52  }
0x23a: {  	v11 =	vunpack.i.u.bf16.f32 v52;
	v8 =	vadd.f32 v8, v10;
	v54 =	vadd.f32 v53, v15  }
0x23b: {  	v9 =	vadd.f32 v50, v11;
	v55 =	vadd.f32 v13, v14  }
0x23c: {  	v8 =	vmax.f32 v8, v54  }
0x23d: {  	v9 =	vmax.f32 v55, v9;
	vm12 =	veq.f32 v8, $-Inf  }
0x23e: {  	vm13 =	veq.f32 v9, $-Inf;
	v8 =	vsel vm12, $0x0, v8  }
0x23f: {  	v56 =	vld [tilespmem:s15+$0xFFFFF820];
	v9 =	vsel vm13, $0x0, v9;
	[tilespmem:s15+$0x800] =	vst v8  }
0x240: {  	v59 =	vld [tilespmem:s15+$0x20];
	[tilespmem:s15+$0x810] =	vst v9  }
0x241: {  	v57 =	vld [tilespmem:s14+$0xBD60]  }
0x242: {  	v58 =	vld [tilespmem:s19+$0x60]  }
0x243: {  	v60 =	vld [tilespmem:s15+$0x30]  }
0x244: {  	v8 =	vld [tilespmem:s15+$0xFFFFF830];
	_ =	sdelay $0x2  }
0x245: {  	v61 =	vunpack.i.u.bf16.f32 v57;
	v10 =	vunpack.i.l.bf16.f32 v57;
	v62 =	vunpack.i.l.bf16.f32 v58  }
0x246: {  	v11 =	vunpack.i.u.bf16.f32 v58;
	v9 =	vadd.f32 v56, v10;
	v63 =	vadd.f32 v59, v62  }
0x247: {  	v8 =	vadd.f32 v8, v61;
	v11 =	vadd.f32 v60, v11  }
0x248: {  	v9 =	vmax.f32 v9, v63  }
0x249: {  	v8 =	vmax.f32 v8, v11;
	vm14 =	veq.f32 v9, $-Inf  }
0x24a: {  	s11 =	sadd.s32 $0x1, s11;
	vm15 =	veq.f32 v8, $-Inf;
	v9 =	vsel vm14, $0x0, v9  }
0x24b: {  	p0 =	sne.s32 s11, $0x14;
	v8 =	vsel vm15, $0x0, v8;
	[tilespmem:s15+$0x820] =	vst v9  }
.Ltmp10:
0x24c: {  	s6 =	sadd.s32 s8, s13;
	[tilespmem:s15+$0x830] =	vst v8;
	(pc) =	sbr.rel @p0 .LBB2_15-.Ltmp10, $4  }
0x24d: {  	[hbm4b:s6+s2] =	stream.linear.scatter [tilespmem:s31], [sflag:$0x4], $0x800, $0x38;
	[tilespmem:$0x1D800] =	vst v63  }
0x24e: {  	_ =	swait.ge [sflag:s24], $0x800  }
0x24f: {  	[sflag:s24] =	ssyncset.done $0x0  }
0x250: {  	s7 =	sadd.s32 $0x800, s7;
	[sflag:s24] =	ssyncadd.s32 $0xFFFFF800  }
0x251: {  	s7 =	rddreg [dreg:$0x11]  }
0x252: {  	s6 =	rddreg [dreg:$0x7];
	s7 =	sadd.s32 $0x1, s7  }
0x253: {  	p0 =	sne.s32 s7, s6  }
.Ltmp11:
0x254: {  	_ = 	snop;
	(pc) =	sbr.rel @p0 .LBB2_1-.Ltmp11, $1  }
0x255: {  	_ =	sdelay $0x3  }
0x256: {  	_ =	sfence.sel $0x180000  }
0x257: {  	[bflag:$0x0] =	sbarrier.arrive $0xFFFF  }
0x258: {  	_ =	strace $0x90000047  }
0x259: {  	s0 =	stileid.u32;
	[bflag:$0x2] =	sbarrier.arrive $0xFFFF  }
0x25a: {  	p0 =	sne.s32 s0, $0x0;
	s0 =	rddreg [dreg:$0x2]  }
0x25b: {  	s0 =	sadd.s32 @!p0 $0x100000, s0  }
0x25c: {  	[sflag:s0] =	ssyncadd.tile.s32 @!p0 $0x1;
	_ =	shalt  }
.Lfunc_end2:
_tile_overlayer_lowered:
.L_overlay_start_2:
0x25d: {  	(tag) =	ssettag $0x2  }
0x25e: {  	s0 =	rddreg [dreg:$0x0];
	s2 =	stileid.u32  }
0x25f: {  	s1 =	rddreg [dreg:$0x1];
	p0 =	sne.s32 s2, $0x0  }
0x260: {  	s3 =	rddreg [dreg:$0x2];
	[bflag:$0x3] =	sbarrier.arrive $0xFFFF;
	s2 =	simm.s32 @!p0 $0x1C04  }
0x261: {  	[timem:s3], [sflag:s2] =	dma.local @!p0 [hbm:s0], s1  }
0x262: {  	s0 =	simm.s32 @!p0 $0x4  }
0x263: {  	_ =	swait.ge @!p0 [sflag:s0], s1  }
0x264: {  	s1 =	ssub.s32 @!p0 $0x0, s1;
	[sflag:s0] =	ssyncset.done @!p0 $0x0  }
0x265: {  	[sflag:s0] =	ssyncadd.s32 @!p0 s1  }
0x266: {  	[bflag:$0x3] =	sbarrier.arrive $0xFFFF  }
0x267: {  	_ =	shalt  }

</sc_bundles>
